<compile_context>
chip_gen: v7x
topology: tpu7x:2x2x1
jax: 0.10.2.dev20260603
libtpu: 0.0.44.dev20260713+nightly
codegen_flags: <defaults>
</compile_context>

<pallas_src>
import jax
import jax.numpy as jnp
from jax import lax
from jax.experimental import pallas as pl
from jax.experimental.pallas import tpu as pltpu
from jax.experimental.pallas import tpu_sc as plsc

N_NODES = 10000
IN_DIM = 128
HID_DIM = 128
OUT_DIM = 64
N_EDGES = 320000
N_LABEL = 100000

NC = 2
NS = 16
NW = NC * NS

NPAD = 10112
RPT = NPAD // NS
CPAD = 10240
CRPT = CPAD // NS
EPT = N_EDGES // NW
ECU = 176
NCHUNK = 56
TAIL = EPT - NCHUNK * ECU
NLPAD = 102400
LPT = NLPAD // NW
LC = 320
LCH = LPT // LC

_mesh = plsc.VectorSubcoreMesh(core_axis_name="c", subcore_axis_name="s")


def _make_agg(dim, with_cnt):
  out_type = [jax.ShapeDtypeStruct((NC, NPAD, dim), jnp.float32)]
  scratch = (
      [pltpu.VMEM_SHARED((NPAD, dim), jnp.float32)] +
      [pltpu.VMEM((ECU,), jnp.int32)] * 4 +
      [pltpu.VMEM((ECU,), jnp.int32)] * 4 +
      [pltpu.VMEM((ECU, dim), jnp.float32)] * 2 +
      [pltpu.VMEM((TAIL,), jnp.int32)] +
      [pltpu.SemaphoreType.DMA] * 12
  )
  if with_cnt:
    out_type.append(jax.ShapeDtypeStruct((NC, CPAD), jnp.float32))
    scratch += [
        pltpu.VMEM_SHARED((CPAD,), jnp.float32),
        pltpu.VMEM((192,), jnp.float32),
        pltpu.VMEM((CRPT,), jnp.float32),
        pltpu.SemaphoreType.DMA,
        pltpu.SemaphoreType.DMA,
    ]

  nvec = dim // 16

  def body(feat, src_h, dst_h, *rest):
    if with_cnt:
      (part_o, cnt_o, acc_sh, s0, s1, s2, s3, d0, d1, d2, d3, rowsA, rowsB,
       tail_d, si0, si1, si2, si3, di0, di1, di2, di3, gsA, gsB, scA, scB,
       cnt_sh, ones_v, zrow_v, csA, csB) = rest
    else:
      (part_o, acc_sh, s0, s1, s2, s3, d0, d1, d2, d3, rowsA, rowsB,
       tail_d, si0, si1, si2, si3, di0, di1, di2, di3, gsA, gsB, scA, scB) = rest
      cnt_sh = ones_v = zrow_v = csA = csB = None
    src_v = (s0, s1, s2, s3)
    dst_v = (d0, d1, d2, d3)
    rows_v = (rowsA, rowsB)
    sisem = (si0, si1, si2, si3)
    disem = (di0, di1, di2, di3)
    gsem = (gsA, gsB)
    ssem = (scA, scB)
    csem = (csA, csB)

    c = lax.axis_index("c")
    s = lax.axis_index("s")
    wid = c * NS + s
    base_r = s * RPT
    ebase = wid * EPT

    def zrow(i, _):
      r = i // nvec
      k = i - r * nvec
      rowsA[r, pl.ds(k * 16, 16)] = jnp.zeros((16,), jnp.float32)
      return 0
    lax.fori_loop(0, ECU * nvec, zrow, 0)
    for j0 in range(0, RPT, ECU):
      n = min(ECU, RPT - j0)
      pltpu.sync_copy(rowsA.at[pl.ds(0, n)], acc_sh.at[pl.ds(base_r + j0, n)])

    if with_cnt:
      def fill1(i, _):
        ones_v[pl.ds(i * 16, 16)] = jnp.ones((16,), jnp.float32)
        return 0
      lax.fori_loop(0, 192 // 16, fill1, 0)
      def fill0(i, _):
        zrow_v[pl.ds(i * 16, 16)] = jnp.zeros((16,), jnp.float32)
        return 0
      lax.fori_loop(0, CRPT // 16, fill0, 0)
      pltpu.sync_copy(zrow_v, cnt_sh.at[pl.ds(s * CRPT, CRPT)])

    def issue_idx(cidx, q):
      off = ebase + cidx * ECU
      pltpu.async_copy(src_h.at[pl.ds(off, ECU)], src_v[q], sisem[q])
      pltpu.async_copy(dst_h.at[pl.ds(off, ECU)], dst_v[q], disem[q])

    def wait_idx(q):
      pltpu.make_async_copy(src_h.at[pl.ds(0, ECU)], src_v[q], sisem[q]).wait()
      pltpu.make_async_copy(dst_h.at[pl.ds(0, ECU)], dst_v[q], disem[q]).wait()

    def issue_gather(q, b):
      pltpu.async_copy(feat.at[src_v[q]], rows_v[b], gsem[b])

    def wait_gather(q, b):
      pltpu.make_async_copy(feat.at[src_v[q]], rows_v[b], gsem[b]).wait()

    def issue_scatter(q, b):
      pltpu.async_copy(rows_v[b], acc_sh.at[dst_v[q]], ssem[b], add=True)
      if with_cnt:
        pltpu.async_copy(ones_v.at[pl.ds(0, ECU)], cnt_sh.at[dst_v[q]],
                         csem[b], add=True)

    def wait_scatter(q, b):
      pltpu.make_async_copy(rows_v[b], acc_sh.at[dst_v[q]], ssem[b]).wait()
      if with_cnt:
        pltpu.make_async_copy(ones_v.at[pl.ds(0, ECU)], cnt_sh.at[dst_v[q]],
                              csem[b]).wait()

    issue_idx(0, 0)
    issue_idx(1, 1)
    plsc.subcore_barrier()
    wait_idx(0)
    issue_gather(0, 0)

    def quad(g, _):
      for c4 in range(4):
        b = c4 % 2
        o = 1 - b
        qn = (c4 + 1) % 4
        qp = (c4 + 2) % 4
        qo = (c4 + 3) % 4

        wait_gather(c4, b)

        def prefetch(gg=g, qq=qp, cc4=c4):
          issue_idx(4 * gg + cc4 + 2, qq)
        if c4 < 2:
          prefetch()
        else:
          pl.when(g < NCHUNK // 4 - 1)(prefetch)

        issue_scatter(c4, b)

        def drain(qq=qo, bb=o):
          wait_scatter(qq, bb)
        if c4 > 0:
          drain()
        else:
          pl.when(g > 0)(drain)

        def nxt(qq=qn, bb=o):
          wait_idx(qq)
          issue_gather(qq, bb)
        if c4 < 3:
          nxt()
        else:
          pl.when(g < NCHUNK // 4 - 1)(nxt)
      return 0
    lax.fori_loop(0, NCHUNK // 4, quad, 0)

    wait_scatter(3, 1)

    toff = ebase + NCHUNK * ECU
    pltpu.async_copy(src_h.at[pl.ds(toff, TAIL)], s0.at[pl.ds(0, TAIL)], si0)
    pltpu.async_copy(dst_h.at[pl.ds(toff, TAIL)], tail_d, di0)
    pltpu.make_async_copy(src_h.at[pl.ds(0, TAIL)], s0.at[pl.ds(0, TAIL)],
                          si0).wait()
    pltpu.make_async_copy(dst_h.at[pl.ds(0, TAIL)], tail_d, di0).wait()
    pltpu.async_copy(feat.at[s0.at[pl.ds(0, TAIL)]], rowsA.at[pl.ds(0, TAIL)],
                     gsA).wait()
    pltpu.async_copy(rowsA.at[pl.ds(0, TAIL)], acc_sh.at[tail_d], scA,
                     add=True).wait()
    if with_cnt:
      pltpu.async_copy(ones_v.at[pl.ds(0, TAIL)], cnt_sh.at[tail_d], csA,
                       add=True).wait()

    plsc.subcore_barrier()

    pltpu.sync_copy(acc_sh.at[pl.ds(base_r, RPT)],
                    part_o.at[c, pl.ds(base_r, RPT)])
    if with_cnt:
      pltpu.sync_copy(cnt_sh.at[pl.ds(s * CRPT, CRPT)],
                      cnt_o.at[c, pl.ds(s * CRPT, CRPT)])

  return pl.kernel(
      body, out_type=out_type, mesh=_mesh, scratch_types=scratch,
      compiler_params=pltpu.CompilerParams(use_tc_tiling_on_sc=False))


_agg_cnt = _make_agg(IN_DIM, True)
_agg_plain = _make_agg(HID_DIM, False)


def _tc_layer(part, cnt, feat, w_l, w_r, b, relu, hpad=None):
  n, din = feat.shape
  h = w_l.shape[0]
  hpad = h if hpad is None else hpad
  blk = 1000
  grid = (n // blk,)

  def body(part_ref, cnt_ref, feat_ref, wl_ref, wr_ref, b_ref, out_ref):
    p = part_ref[0] + part_ref[1]
    cn = jnp.maximum(cnt_ref[0] + cnt_ref[1], 1.0)
    agg = p / cn
    o = lax.dot_general(agg, wl_ref[...], (((1,), (1,)), ((), ())),
                        preferred_element_type=jnp.float32)
    o = o + lax.dot_general(feat_ref[...], wr_ref[...], (((1,), (1,)), ((), ())),
                            preferred_element_type=jnp.float32)
    o = o + b_ref[...][None, :]
    if relu:
      o = jnp.maximum(o, 0.0)
    if hpad > h:
      o = jnp.concatenate([o, jnp.zeros((o.shape[0], hpad - h), jnp.float32)],
                          axis=1)
    out_ref[...] = o

  return pl.pallas_call(
      body,
      grid=grid,
      in_specs=[
          pl.BlockSpec((2, blk, din), lambda i: (0, i, 0)),
          pl.BlockSpec((2, blk, 1), lambda i: (0, i, 0)),
          pl.BlockSpec((blk, din), lambda i: (i, 0)),
          pl.BlockSpec((h, din), lambda i: (0, 0)),
          pl.BlockSpec((h, din), lambda i: (0, 0)),
          pl.BlockSpec((h,), lambda i: (0,)),
      ],
      out_specs=pl.BlockSpec((blk, hpad), lambda i: (i, 0)),
      out_shape=jax.ShapeDtypeStruct((n, hpad), jnp.float32),
  )(part, cnt, feat, w_l, w_r, b)


def _make_decode(dim):
  out_type = [jax.ShapeDtypeStruct((NLPAD,), jnp.float32)]
  scratch = (
      [pltpu.VMEM((LC,), jnp.int32)] * 4 +
      [pltpu.VMEM((LC, dim), jnp.float32)] * 4 +
      [pltpu.VMEM((LPT,), jnp.float32)] +
      [pltpu.SemaphoreType.DMA] * 9
  )

  def body(z_h, ls_h, ld_h, dots_o,
           siA, siB, diA, diB, sA, sB, dA, dB, out_v,
           gsA, gsB, gdA, gdB, isA, isB, idA, idB, wsem):
    si_v = (siA, siB)
    di_v = (diA, diB)
    srows = (sA, sB)
    drows = (dA, dB)
    gssem = (gsA, gsB)
    gdsem = (gdA, gdB)
    issem = (isA, isB)
    idsem = (idA, idB)

    c = lax.axis_index("c")
    s = lax.axis_index("s")
    wid = c * NS + s
    tbase = wid * LPT
    lanes = lax.iota(jnp.int32, 16)

    def issue_idx(g, b):
      off = tbase + g * LC
      pltpu.async_copy(ls_h.at[pl.ds(off, LC)], si_v[b], issem[b])
      pltpu.async_copy(ld_h.at[pl.ds(off, LC)], di_v[b], idsem[b])

    def wait_idx(b):
      pltpu.make_async_copy(ls_h.at[pl.ds(0, LC)], si_v[b], issem[b]).wait()
      pltpu.make_async_copy(ld_h.at[pl.ds(0, LC)], di_v[b], idsem[b]).wait()

    def issue_gather(b):
      pltpu.async_copy(z_h.at[si_v[b]], srows[b], gssem[b])
      pltpu.async_copy(z_h.at[di_v[b]], drows[b], gdsem[b])

    def wait_gather(b):
      pltpu.make_async_copy(z_h.at[si_v[b]], srows[b], gssem[b]).wait()
      pltpu.make_async_copy(z_h.at[di_v[b]], drows[b], gdsem[b]).wait()

    issue_idx(0, 0)
    wait_idx(0)
    issue_gather(0)

    def pair(g, _):
      for b in (0, 1):
        cidx = 2 * g + b
        o = 1 - b
        wait_gather(b)

        @pl.when(cidx + 1 < LCH)
        def _():
          issue_idx(cidx + 1, o)
          wait_idx(o)
          issue_gather(o)

        def grp(j, _):
          rows16 = j * 16 + lanes

          def dquad(t, acc):
            for u in range(4):
              col = jnp.full((16,), 4 * t + u, jnp.int32)
              sv = plsc.load_gather(srows[b], [rows16, col])
              dv = plsc.load_gather(drows[b], [rows16, col])
              acc = acc + sv * dv
            return acc
          acc = lax.fori_loop(0, dim // 4, dquad,
                              jnp.zeros((16,), jnp.float32))
          out_v[pl.ds(cidx * LC + j * 16, 16)] = acc
          return 0
        lax.fori_loop(0, LC // 16, grp, 0)
      return 0
    lax.fori_loop(0, LCH // 2, pair, 0)

    pltpu.async_copy(out_v, dots_o.at[pl.ds(tbase, LPT)], wsem).wait()

  return pl.kernel(
      body, out_type=out_type, mesh=_mesh, scratch_types=scratch,
      compiler_params=pltpu.CompilerParams(use_tc_tiling_on_sc=False,
                                           needs_layout_passes=False))


_decode = _make_decode(OUT_DIM)


def kernel(x, edge_index, edge_label_index, W1_l, W1_r, b1, W2_l, W2_r, b2):
  x = x.astype(jnp.float32)
  src = jnp.asarray(edge_index[0], jnp.int32)
  dst = jnp.asarray(edge_index[1], jnp.int32)
  pad = jnp.zeros((NLPAD - N_LABEL,), jnp.int32)
  ls = jnp.concatenate([jnp.asarray(edge_label_index[0], jnp.int32), pad])
  ld = jnp.concatenate([jnp.asarray(edge_label_index[1], jnp.int32), pad])

  part1, cnt = _agg_cnt(x, src, dst)
  cnt2 = cnt.reshape(NC, CPAD, 1)
  h = _tc_layer(part1, cnt2, x, W1_l, W1_r, b1, relu=True)
  (part2,) = _agg_plain(h, src, dst)
  z = _tc_layer(part2, cnt2, h, W2_l, W2_r, b2, relu=False)
  (dots,) = _decode(z, ls, ld)
  return dots[:N_LABEL]

# --- scband reference (transcript-rebuilt; emitter-appended) ---
"""Pipeline reference for scband-sagelink-pred-12421045420216 (READ-ONLY COPY).

The authoritative reference and input builder live on the scoring server;
editing this copy changes nothing except your own understanding.
"""

import jax, jax.numpy as jnp
import numpy as np

N_NODES = 10000
IN_DIM = 128
HID_DIM = 128
OUT_DIM = 64
N_EDGES = 320000
N_LABEL = 100000


def setup_inputs(seed: int = 0) -> dict:
    key = jax.random.key(seed)
    ks = jax.random.split(key, 10)
    x = jax.random.normal(ks[0], (N_NODES, IN_DIM), dtype=jnp.float32)
    edge_index = jax.random.randint(ks[1], (2, N_EDGES), 0, N_NODES, dtype=jnp.int64)
    edge_label_index = jax.random.randint(ks[2], (2, N_LABEL), 0, N_NODES, dtype=jnp.int64)
    # SAGEConv params (PyG style): lin_l acts on aggregated neighbors (has bias), lin_r on root
    def glorot(k, shape):
        fan_in, fan_out = shape[1], shape[0]
        limit = jnp.sqrt(6.0 / (fan_in + fan_out))
        return jax.random.uniform(k, shape, dtype=jnp.float32, minval=-limit, maxval=limit)
    W1_l = glorot(ks[3], (HID_DIM, IN_DIM))
    W1_r = glorot(ks[4], (HID_DIM, IN_DIM))
    b1 = jnp.zeros((HID_DIM,), dtype=jnp.float32)
    W2_l = glorot(ks[5], (OUT_DIM, HID_DIM))
    W2_r = glorot(ks[6], (OUT_DIM, HID_DIM))
    b2 = jnp.zeros((OUT_DIM,), dtype=jnp.float32)
    return {"x": x, "edge_index": edge_index, "edge_label_index": edge_label_index,
            "W1_l": W1_l, "W1_r": W1_r, "b1": b1, "W2_l": W2_l, "W2_r": W2_r, "b2": b2}


def _sage_conv(x, edge_index, W_l, W_r, b, num_nodes):
    src = edge_index[0]
    dst = edge_index[1]
    msg = jnp.take(x, src, axis=0)  # gather source features
    agg = jax.ops.segment_sum(msg, dst, num_segments=num_nodes)  # scatter-add at dst
    cnt = jax.ops.segment_sum(jnp.ones((src.shape[0],), dtype=x.dtype), dst, num_segments=num_nodes)
    agg = agg / jnp.maximum(cnt, 1.0)[:, None]  # mean aggregation
    return agg @ W_l.T + x @ W_r.T + b


def reference(x, edge_index, edge_label_index, W1_l, W1_r, b1, W2_l, W2_r, b2):
    num_nodes = x.shape[0]
    h = _sage_conv(x, edge_index, W1_l, W1_r, b1, num_nodes)
    h = jax.nn.relu(h)
    z = _sage_conv(h, edge_index, W2_l, W2_r, b2, num_nodes)
    src = edge_label_index[0]
    dst = edge_label_index[1]
    return (jnp.take(z, src, axis=0) * jnp.take(z, dst, axis=0)).sum(axis=-1)

if __name__ == "__main__":
    import jax
    _d = setup_inputs()
    print(jax.jit(kernel)(*tuple(_d.values())))

</pallas_src>

<mosaic_0001>
#map = affine_map<(d0, d1) -> (0, 0)>
#map1 = affine_map<(d0, d1) -> (0)>
module attributes {stable_mosaic.version = 14 : i64} {
  func.func @body(%arg0: i32, %arg1: i32, %arg2: memref<10000x64xf32, #tpu.memory_space<hbm>>, %arg3: memref<102400xi32, #tpu.memory_space<hbm>>, %arg4: memref<102400xi32, #tpu.memory_space<hbm>>, %arg5: memref<102400xf32, #tpu.memory_space<hbm>>, %arg6: memref<320xi32, #tpu.memory_space<vmem>>, %arg7: memref<320xi32, #tpu.memory_space<vmem>>, %arg8: memref<320xi32, #tpu.memory_space<vmem>>, %arg9: memref<320xi32, #tpu.memory_space<vmem>>, %arg10: memref<320x64xf32, #tpu.memory_space<vmem>>, %arg11: memref<320x64xf32, #tpu.memory_space<vmem>>, %arg12: memref<320x64xf32, #tpu.memory_space<vmem>>, %arg13: memref<320x64xf32, #tpu.memory_space<vmem>>, %arg14: memref<3200xf32, #tpu.memory_space<vmem>>, %arg15: memref<!tpu.dma_semaphore, #tpu.memory_space<semaphore_mem>>, %arg16: memref<!tpu.dma_semaphore, #tpu.memory_space<semaphore_mem>>, %arg17: memref<!tpu.dma_semaphore, #tpu.memory_space<semaphore_mem>>, %arg18: memref<!tpu.dma_semaphore, #tpu.memory_space<semaphore_mem>>, %arg19: memref<!tpu.dma_semaphore, #tpu.memory_space<semaphore_mem>>, %arg20: memref<!tpu.dma_semaphore, #tpu.memory_space<semaphore_mem>>, %arg21: memref<!tpu.dma_semaphore, #tpu.memory_space<semaphore_mem>>, %arg22: memref<!tpu.dma_semaphore, #tpu.memory_space<semaphore_mem>>, %arg23: memref<!tpu.dma_semaphore, #tpu.memory_space<semaphore_mem>>) attributes {dimension_semantics = [#tpu.dimension_semantics<core_parallel>, #tpu.dimension_semantics<subcore_parallel>], iteration_bounds = array<i64: 2, 16>, scalar_prefetch = 0 : i64, scratch_operands = 18 : i64, tpu.core_type = #tpu.core_type<sc_vector_subcore>, window_params = [{transform_indices = #map}, {transform_indices = #map1}, {transform_indices = #map1}, {transform_indices = #map1}]} {
    %mul3A = arith.constant 16 : i32
    %mul3A_0 = arith.muli %arg0, %mul3A : i32
    %add3A = arith.addi %mul3A_0, %arg1 : i32
    %mul3A_1 = arith.constant 3200 : i32
    %mul3A_2 = arith.muli %add3A, %mul3A_1 : i32
    %iota3A = tpu.iota {dimensions = array<i32: 0>} : vector<16xi32>
    %add3A_3 = arith.constant 0 : i32
    %add3A_4 = arith.addi %mul3A_2, %add3A_3 : i32
    %dma_start3A = tpu.memref_slice %arg3[%add3A_4] : memref<102400xi32, #tpu.memory_space<hbm>> -> memref<320xi32, #tpu.memory_space<hbm>>
    %dma_start3A_5 = tpu.memref_slice %arg3[%add3A_4] : memref<102400xi32, #tpu.memory_space<hbm>> -> memref<320xi32, #tpu.memory_space<hbm>>
    tpu.enqueue_dma source(%dma_start3A_5 : memref<320xi32, #tpu.memory_space<hbm>>) target(%arg6 : memref<320xi32, #tpu.memory_space<vmem>>) target_semaphore(%arg19 : memref<!tpu.dma_semaphore, #tpu.memory_space<semaphore_mem>>)
    %dma_start3A_6 = tpu.memref_slice %arg4[%add3A_4] : memref<102400xi32, #tpu.memory_space<hbm>> -> memref<320xi32, #tpu.memory_space<hbm>>
    %dma_start3A_7 = tpu.memref_slice %arg4[%add3A_4] : memref<102400xi32, #tpu.memory_space<hbm>> -> memref<320xi32, #tpu.memory_space<hbm>>
    tpu.enqueue_dma source(%dma_start3A_7 : memref<320xi32, #tpu.memory_space<hbm>>) target(%arg8 : memref<320xi32, #tpu.memory_space<vmem>>) target_semaphore(%arg21 : memref<!tpu.dma_semaphore, #tpu.memory_space<semaphore_mem>>)
    %dma_wait3A = arith.constant 0 : i32
    %dma_wait3A_8 = tpu.memref_slice %arg3[%dma_wait3A] : memref<102400xi32, #tpu.memory_space<hbm>> -> memref<320xi32, #tpu.memory_space<hbm>>
    %dma_wait3A_9 = arith.constant 0 : i32
    %dma_wait3A_10 = tpu.memref_slice %arg3[%dma_wait3A_9] : memref<102400xi32, #tpu.memory_space<hbm>> -> memref<320xi32, #tpu.memory_space<hbm>>
    tpu.wait_dma2 semaphore(%arg19 : memref<!tpu.dma_semaphore, #tpu.memory_space<semaphore_mem>>) src(%dma_wait3A_10 : memref<320xi32, #tpu.memory_space<hbm>>) dst(%arg6 : memref<320xi32, #tpu.memory_space<vmem>>)
    %dma_wait3A_11 = arith.constant 0 : i32
    %dma_wait3A_12 = tpu.memref_slice %arg4[%dma_wait3A_11] : memref<102400xi32, #tpu.memory_space<hbm>> -> memref<320xi32, #tpu.memory_space<hbm>>
    %dma_wait3A_13 = arith.constant 0 : i32
    %dma_wait3A_14 = tpu.memref_slice %arg4[%dma_wait3A_13] : memref<102400xi32, #tpu.memory_space<hbm>> -> memref<320xi32, #tpu.memory_space<hbm>>
    tpu.wait_dma2 semaphore(%arg21 : memref<!tpu.dma_semaphore, #tpu.memory_space<semaphore_mem>>) src(%dma_wait3A_14 : memref<320xi32, #tpu.memory_space<hbm>>) dst(%arg8 : memref<320xi32, #tpu.memory_space<vmem>>)
    %dma_start3A_15 = arith.constant 0 : i32
    %dma_start3A_16 = arith.constant 0 : i32
    %dma_start3A_17 = tpu.memref_slice %arg2[%dma_start3A_15, %dma_start3A_16] : memref<10000x64xf32, #tpu.memory_space<hbm>> -> memref<10000x64xf32, #tpu.memory_space<hbm>>
    tpu.enqueue_indirect_dma source(%dma_start3A_17 : memref<10000x64xf32, #tpu.memory_space<hbm>>) target(%arg10 : memref<320x64xf32, #tpu.memory_space<vmem>>) offsets(%arg6 : memref<320xi32, #tpu.memory_space<vmem>>) semaphore(%arg15 : memref<!tpu.dma_semaphore, #tpu.memory_space<semaphore_mem>>)
    %dma_start3A_18 = arith.constant 0 : i32
    %dma_start3A_19 = arith.constant 0 : i32
    %dma_start3A_20 = tpu.memref_slice %arg2[%dma_start3A_18, %dma_start3A_19] : memref<10000x64xf32, #tpu.memory_space<hbm>> -> memref<10000x64xf32, #tpu.memory_space<hbm>>
    tpu.enqueue_indirect_dma source(%dma_start3A_20 : memref<10000x64xf32, #tpu.memory_space<hbm>>) target(%arg12 : memref<320x64xf32, #tpu.memory_space<vmem>>) offsets(%arg8 : memref<320xi32, #tpu.memory_space<vmem>>) semaphore(%arg17 : memref<!tpu.dma_semaphore, #tpu.memory_space<semaphore_mem>>)
    %scan3A = arith.constant 0 : i32
    %scan3A_21 = arith.constant 0 : i32
    %scan3A_22 = arith.constant 5 : i32
    %scan3A_23 = arith.addi %scan3A_21, %scan3A_22 : i32
    %scan3A_24 = arith.constant 1 : i32
    %scan3A_25 = scf.for %scan3A_31 = %scan3A_21 to %scan3A_23 step %scan3A_24 iter_args(%scan3A_32 = %scan3A) -> (i32)  : i32 {
      %mul3A_33 = arith.constant 2 : i32
      %mul3A_34 = arith.muli %mul3A_33, %scan3A_31 : i32
      %add3A_35 = arith.constant 0 : i32
      %add3A_36 = arith.addi %mul3A_34, %add3A_35 : i32
      %dma_wait3A_37 = arith.constant 0 : i32
      %dma_wait3A_38 = arith.constant 0 : i32
      %dma_wait3A_39 = tpu.memref_slice %arg2[%dma_wait3A_37, %dma_wait3A_38] : memref<10000x64xf32, #tpu.memory_space<hbm>> -> memref<10000x64xf32, #tpu.memory_space<hbm>>
      tpu.wait_indirect_dma semaphore(%arg15 : memref<!tpu.dma_semaphore, #tpu.memory_space<semaphore_mem>>) src(%dma_wait3A_39 : memref<10000x64xf32, #tpu.memory_space<hbm>>) dst(%arg10 : memref<320x64xf32, #tpu.memory_space<vmem>>)
      %dma_wait3A_40 = arith.constant 0 : i32
      %dma_wait3A_41 = arith.constant 0 : i32
      %dma_wait3A_42 = tpu.memref_slice %arg2[%dma_wait3A_40, %dma_wait3A_41] : memref<10000x64xf32, #tpu.memory_space<hbm>> -> memref<10000x64xf32, #tpu.memory_space<hbm>>
      tpu.wait_indirect_dma semaphore(%arg17 : memref<!tpu.dma_semaphore, #tpu.memory_space<semaphore_mem>>) src(%dma_wait3A_42 : memref<10000x64xf32, #tpu.memory_space<hbm>>) dst(%arg12 : memref<320x64xf32, #tpu.memory_space<vmem>>)
      %add3A_43 = arith.constant 1 : i32
      %add3A_44 = arith.addi %add3A_36, %add3A_43 : i32
      %lt3A = arith.constant 10 : i32
      %lt3A_45 = arith.cmpi slt, %add3A_44, %lt3A : i32
      %convert_element_type3A = arith.extui %lt3A_45 : i1 to i32
      %cond3A = arith.constant 0 : i32
      %cond3A_46 = arith.cmpi ne, %convert_element_type3A, %cond3A : i32
      scf.if %cond3A_46 {
        %add3A_79 = arith.constant 1 : i32
        %add3A_80 = arith.addi %add3A_36, %add3A_79 : i32
        %mul3A_81 = arith.constant 320 : i32
        %mul3A_82 = arith.muli %add3A_80, %mul3A_81 : i32
        %add3A_83 = arith.addi %mul3A_2, %mul3A_82 : i32
        %dma_start3A_84 = tpu.memref_slice %arg3[%add3A_83] : memref<102400xi32, #tpu.memory_space<hbm>> -> memref<320xi32, #tpu.memory_space<hbm>>
        %dma_start3A_85 = tpu.memref_slice %arg3[%add3A_83] : memref<102400xi32, #tpu.memory_space<hbm>> -> memref<320xi32, #tpu.memory_space<hbm>>
        tpu.enqueue_dma source(%dma_start3A_85 : memref<320xi32, #tpu.memory_space<hbm>>) target(%arg7 : memref<320xi32, #tpu.memory_space<vmem>>) target_semaphore(%arg20 : memref<!tpu.dma_semaphore, #tpu.memory_space<semaphore_mem>>)
        %dma_start3A_86 = tpu.memref_slice %arg4[%add3A_83] : memref<102400xi32, #tpu.memory_space<hbm>> -> memref<320xi32, #tpu.memory_space<hbm>>
        %dma_start3A_87 = tpu.memref_slice %arg4[%add3A_83] : memref<102400xi32, #tpu.memory_space<hbm>> -> memref<320xi32, #tpu.memory_space<hbm>>
        tpu.enqueue_dma source(%dma_start3A_87 : memref<320xi32, #tpu.memory_space<hbm>>) target(%arg9 : memref<320xi32, #tpu.memory_space<vmem>>) target_semaphore(%arg22 : memref<!tpu.dma_semaphore, #tpu.memory_space<semaphore_mem>>)
        %dma_wait3A_88 = arith.constant 0 : i32
        %dma_wait3A_89 = tpu.memref_slice %arg3[%dma_wait3A_88] : memref<102400xi32, #tpu.memory_space<hbm>> -> memref<320xi32, #tpu.memory_space<hbm>>
        %dma_wait3A_90 = arith.constant 0 : i32
        %dma_wait3A_91 = tpu.memref_slice %arg3[%dma_wait3A_90] : memref<102400xi32, #tpu.memory_space<hbm>> -> memref<320xi32, #tpu.memory_space<hbm>>
        tpu.wait_dma2 semaphore(%arg20 : memref<!tpu.dma_semaphore, #tpu.memory_space<semaphore_mem>>) src(%dma_wait3A_91 : memref<320xi32, #tpu.memory_space<hbm>>) dst(%arg7 : memref<320xi32, #tpu.memory_space<vmem>>)
        %dma_wait3A_92 = arith.constant 0 : i32
        %dma_wait3A_93 = tpu.memref_slice %arg4[%dma_wait3A_92] : memref<102400xi32, #tpu.memory_space<hbm>> -> memref<320xi32, #tpu.memory_space<hbm>>
        %dma_wait3A_94 = arith.constant 0 : i32
        %dma_wait3A_95 = tpu.memref_slice %arg4[%dma_wait3A_94] : memref<102400xi32, #tpu.memory_space<hbm>> -> memref<320xi32, #tpu.memory_space<hbm>>
        tpu.wait_dma2 semaphore(%arg22 : memref<!tpu.dma_semaphore, #tpu.memory_space<semaphore_mem>>) src(%dma_wait3A_95 : memref<320xi32, #tpu.memory_space<hbm>>) dst(%arg9 : memref<320xi32, #tpu.memory_space<vmem>>)
        %dma_start3A_96 = arith.constant 0 : i32
        %dma_start3A_97 = arith.constant 0 : i32
        %dma_start3A_98 = tpu.memref_slice %arg2[%dma_start3A_96, %dma_start3A_97] : memref<10000x64xf32, #tpu.memory_space<hbm>> -> memref<10000x64xf32, #tpu.memory_space<hbm>>
        tpu.enqueue_indirect_dma source(%dma_start3A_98 : memref<10000x64xf32, #tpu.memory_space<hbm>>) target(%arg11 : memref<320x64xf32, #tpu.memory_space<vmem>>) offsets(%arg7 : memref<320xi32, #tpu.memory_space<vmem>>) semaphore(%arg16 : memref<!tpu.dma_semaphore, #tpu.memory_space<semaphore_mem>>)
        %dma_start3A_99 = arith.constant 0 : i32
        %dma_start3A_100 = arith.constant 0 : i32
        %dma_start3A_101 = tpu.memref_slice %arg2[%dma_start3A_99, %dma_start3A_100] : memref<10000x64xf32, #tpu.memory_space<hbm>> -> memref<10000x64xf32, #tpu.memory_space<hbm>>
        tpu.enqueue_indirect_dma source(%dma_start3A_101 : memref<10000x64xf32, #tpu.memory_space<hbm>>) target(%arg13 : memref<320x64xf32, #tpu.memory_space<vmem>>) offsets(%arg9 : memref<320xi32, #tpu.memory_space<vmem>>) semaphore(%arg18 : memref<!tpu.dma_semaphore, #tpu.memory_space<semaphore_mem>>)
      } else {
      }
      %scan3A_47 = arith.constant 0 : i32
      %scan3A_48 = arith.constant 0 : i32
      %scan3A_49 = arith.constant 20 : i32
      %scan3A_50 = arith.addi %scan3A_48, %scan3A_49 : i32
      %scan3A_51 = arith.constant 1 : i32
      %scan3A_52 = scf.for %scan3A_79 = %scan3A_48 to %scan3A_50 step %scan3A_51 iter_args(%scan3A_80 = %scan3A_47) -> (i32)  : i32 {
        %mul3A_81 = arith.constant 16 : i32
        %mul3A_82 = arith.muli %scan3A_79, %mul3A_81 : i32
        %add3A_83 = vector.broadcast %mul3A_82 : i32 to vector<16xi32>
        %add3A_84 = arith.addi %add3A_83, %iota3A : vector<16xi32>
        %broadcast_in_dim3A = arith.constant 0.000000e+00 : f32
        %broadcast_in_dim3A_85 = vector.broadcast %broadcast_in_dim3A : f32 to vector<16xf32>
        %scan3A_86 = arith.constant 0 : i32
        %scan3A_87 = arith.constant 16 : i32
        %scan3A_88 = arith.addi %scan3A_86, %scan3A_87 : i32
        %scan3A_89 = arith.constant 1 : i32
        %scan3A_90 = scf.for %scan3A_99 = %scan3A_86 to %scan3A_88 step %scan3A_89 iter_args(%scan3A_100 = %broadcast_in_dim3A_85) -> (vector<16xf32>)  : i32 {
          %mul3A_101 = arith.constant 4 : i32
          %mul3A_102 = arith.muli %mul3A_101, %scan3A_99 : i32
          %add3A_103 = arith.constant 0 : i32
          %add3A_104 = arith.addi %mul3A_102, %add3A_103 : i32
          %broadcast_in_dim3A_105 = vector.broadcast %add3A_104 : i32 to vector<16xi32>
          %gather3A = tpu.vector_load_idx %arg10[%add3A_84, %broadcast_in_dim3A_105] : memref<320x64xf32, #tpu.memory_space<vmem>>[vector<16xi32>, vector<16xi32>], vector<16xf32>,
          %gather3A_106 = tpu.vector_load_idx %arg12[%add3A_84, %broadcast_in_dim3A_105] : memref<320x64xf32, #tpu.memory_space<vmem>>[vector<16xi32>, vector<16xi32>], vector<16xf32>,
          %mul3A_107 = arith.mulf %gather3A, %gather3A_106 : vector<16xf32>
          %add3A_108 = arith.addf %scan3A_100, %mul3A_107 : vector<16xf32>
          %mul3A_109 = arith.constant 4 : i32
          %mul3A_110 = arith.muli %mul3A_109, %scan3A_99 : i32
          %add3A_111 = arith.constant 1 : i32
          %add3A_112 = arith.addi %mul3A_110, %add3A_111 : i32
          %broadcast_in_dim3A_113 = vector.broadcast %add3A_112 : i32 to vector<16xi32>
          %gather3A_114 = tpu.vector_load_idx %arg10[%add3A_84, %broadcast_in_dim3A_113] : memref<320x64xf32, #tpu.memory_space<vmem>>[vector<16xi32>, vector<16xi32>], vector<16xf32>,
          %gather3A_115 = tpu.vector_load_idx %arg12[%add3A_84, %broadcast_in_dim3A_113] : memref<320x64xf32, #tpu.memory_space<vmem>>[vector<16xi32>, vector<16xi32>], vector<16xf32>,
          %mul3A_116 = arith.mulf %gather3A_114, %gather3A_115 : vector<16xf32>
          %add3A_117 = arith.addf %add3A_108, %mul3A_116 : vector<16xf32>
          %mul3A_118 = arith.constant 4 : i32
          %mul3A_119 = arith.muli %mul3A_118, %scan3A_99 : i32
          %add3A_120 = arith.constant 2 : i32
          %add3A_121 = arith.addi %mul3A_119, %add3A_120 : i32
          %broadcast_in_dim3A_122 = vector.broadcast %add3A_121 : i32 to vector<16xi32>
          %gather3A_123 = tpu.vector_load_idx %arg10[%add3A_84, %broadcast_in_dim3A_122] : memref<320x64xf32, #tpu.memory_space<vmem>>[vector<16xi32>, vector<16xi32>], vector<16xf32>,
          %gather3A_124 = tpu.vector_load_idx %arg12[%add3A_84, %broadcast_in_dim3A_122] : memref<320x64xf32, #tpu.memory_space<vmem>>[vector<16xi32>, vector<16xi32>], vector<16xf32>,
          %mul3A_125 = arith.mulf %gather3A_123, %gather3A_124 : vector<16xf32>
          %add3A_126 = arith.addf %add3A_117, %mul3A_125 : vector<16xf32>
          %mul3A_127 = arith.constant 4 : i32
          %mul3A_128 = arith.muli %mul3A_127, %scan3A_99 : i32
          %add3A_129 = arith.constant 3 : i32
          %add3A_130 = arith.addi %mul3A_128, %add3A_129 : i32
          %broadcast_in_dim3A_131 = vector.broadcast %add3A_130 : i32 to vector<16xi32>
          %gather3A_132 = tpu.vector_load_idx %arg10[%add3A_84, %broadcast_in_dim3A_131] : memref<320x64xf32, #tpu.memory_space<vmem>>[vector<16xi32>, vector<16xi32>], vector<16xf32>,
          %gather3A_133 = tpu.vector_load_idx %arg12[%add3A_84, %broadcast_in_dim3A_131] : memref<320x64xf32, #tpu.memory_space<vmem>>[vector<16xi32>, vector<16xi32>], vector<16xf32>,
          %mul3A_134 = arith.mulf %gather3A_132, %gather3A_133 : vector<16xf32>
          %add3A_135 = arith.addf %add3A_126, %mul3A_134 : vector<16xf32>
          scf.yield %add3A_135 : vector<16xf32>
        }
        %scan3A_91 = arith.constant 16 : i32
        %mul3A_92 = arith.constant 320 : i32
        %mul3A_93 = arith.muli %add3A_36, %mul3A_92 : i32
        %mul3A_94 = arith.constant 16 : i32
        %mul3A_95 = arith.muli %scan3A_79, %mul3A_94 : i32
        %add3A_96 = arith.addi %mul3A_93, %mul3A_95 : i32
        %swap3A = arith.index_cast %add3A_96 : i32 to index
        %swap3A_97 = tpu.vector_load %arg14[%swap3A] {strides = array<i32>} : memref<3200xf32, #tpu.memory_space<vmem>>, vector<16xf32>,
        tpu.vector_store %arg14[%swap3A], %scan3A_90 {strides = array<i32>} : memref<3200xf32, #tpu.memory_space<vmem>>, vector<16xf32>,
        %scan3A_98 = arith.constant 0 : i32
        scf.yield %scan3A_98 : i32
      }
      %scan3A_53 = arith.constant 20 : i32
      %mul3A_54 = arith.constant 2 : i32
      %mul3A_55 = arith.muli %mul3A_54, %scan3A_31 : i32
      %add3A_56 = arith.constant 1 : i32
      %add3A_57 = arith.addi %mul3A_55, %add3A_56 : i32
      %dma_wait3A_58 = arith.constant 0 : i32
      %dma_wait3A_59 = arith.constant 0 : i32
      %dma_wait3A_60 = tpu.memref_slice %arg2[%dma_wait3A_58, %dma_wait3A_59] : memref<10000x64xf32, #tpu.memory_space<hbm>> -> memref<10000x64xf32, #tpu.memory_space<hbm>>
      tpu.wait_indirect_dma semaphore(%arg16 : memref<!tpu.dma_semaphore, #tpu.memory_space<semaphore_mem>>) src(%dma_wait3A_60 : memref<10000x64xf32, #tpu.memory_space<hbm>>) dst(%arg11 : memref<320x64xf32, #tpu.memory_space<vmem>>)
      %dma_wait3A_61 = arith.constant 0 : i32
      %dma_wait3A_62 = arith.constant 0 : i32
      %dma_wait3A_63 = tpu.memref_slice %arg2[%dma_wait3A_61, %dma_wait3A_62] : memref<10000x64xf32, #tpu.memory_space<hbm>> -> memref<10000x64xf32, #tpu.memory_space<hbm>>
      tpu.wait_indirect_dma semaphore(%arg18 : memref<!tpu.dma_semaphore, #tpu.memory_space<semaphore_mem>>) src(%dma_wait3A_63 : memref<10000x64xf32, #tpu.memory_space<hbm>>) dst(%arg13 : memref<320x64xf32, #tpu.memory_space<vmem>>)
      %add3A_64 = arith.constant 1 : i32
      %add3A_65 = arith.addi %add3A_57, %add3A_64 : i32
      %lt3A_66 = arith.constant 10 : i32
      %lt3A_67 = arith.cmpi slt, %add3A_65, %lt3A_66 : i32
      %convert_element_type3A_68 = arith.extui %lt3A_67 : i1 to i32
      %cond3A_69 = arith.constant 0 : i32
      %cond3A_70 = arith.cmpi ne, %convert_element_type3A_68, %cond3A_69 : i32
      scf.if %cond3A_70 {
        %add3A_79 = arith.constant 1 : i32
        %add3A_80 = arith.addi %add3A_57, %add3A_79 : i32
        %mul3A_81 = arith.constant 320 : i32
        %mul3A_82 = arith.muli %add3A_80, %mul3A_81 : i32
        %add3A_83 = arith.addi %mul3A_2, %mul3A_82 : i32
        %dma_start3A_84 = tpu.memref_slice %arg3[%add3A_83] : memref<102400xi32, #tpu.memory_space<hbm>> -> memref<320xi32, #tpu.memory_space<hbm>>
        %dma_start3A_85 = tpu.memref_slice %arg3[%add3A_83] : memref<102400xi32, #tpu.memory_space<hbm>> -> memref<320xi32, #tpu.memory_space<hbm>>
        tpu.enqueue_dma source(%dma_start3A_85 : memref<320xi32, #tpu.memory_space<hbm>>) target(%arg6 : memref<320xi32, #tpu.memory_space<vmem>>) target_semaphore(%arg19 : memref<!tpu.dma_semaphore, #tpu.memory_space<semaphore_mem>>)
        %dma_start3A_86 = tpu.memref_slice %arg4[%add3A_83] : memref<102400xi32, #tpu.memory_space<hbm>> -> memref<320xi32, #tpu.memory_space<hbm>>
        %dma_start3A_87 = tpu.memref_slice %arg4[%add3A_83] : memref<102400xi32, #tpu.memory_space<hbm>> -> memref<320xi32, #tpu.memory_space<hbm>>
        tpu.enqueue_dma source(%dma_start3A_87 : memref<320xi32, #tpu.memory_space<hbm>>) target(%arg8 : memref<320xi32, #tpu.memory_space<vmem>>) target_semaphore(%arg21 : memref<!tpu.dma_semaphore, #tpu.memory_space<semaphore_mem>>)
        %dma_wait3A_88 = arith.constant 0 : i32
        %dma_wait3A_89 = tpu.memref_slice %arg3[%dma_wait3A_88] : memref<102400xi32, #tpu.memory_space<hbm>> -> memref<320xi32, #tpu.memory_space<hbm>>
        %dma_wait3A_90 = arith.constant 0 : i32
        %dma_wait3A_91 = tpu.memref_slice %arg3[%dma_wait3A_90] : memref<102400xi32, #tpu.memory_space<hbm>> -> memref<320xi32, #tpu.memory_space<hbm>>
        tpu.wait_dma2 semaphore(%arg19 : memref<!tpu.dma_semaphore, #tpu.memory_space<semaphore_mem>>) src(%dma_wait3A_91 : memref<320xi32, #tpu.memory_space<hbm>>) dst(%arg6 : memref<320xi32, #tpu.memory_space<vmem>>)
        %dma_wait3A_92 = arith.constant 0 : i32
        %dma_wait3A_93 = tpu.memref_slice %arg4[%dma_wait3A_92] : memref<102400xi32, #tpu.memory_space<hbm>> -> memref<320xi32, #tpu.memory_space<hbm>>
        %dma_wait3A_94 = arith.constant 0 : i32
        %dma_wait3A_95 = tpu.memref_slice %arg4[%dma_wait3A_94] : memref<102400xi32, #tpu.memory_space<hbm>> -> memref<320xi32, #tpu.memory_space<hbm>>
        tpu.wait_dma2 semaphore(%arg21 : memref<!tpu.dma_semaphore, #tpu.memory_space<semaphore_mem>>) src(%dma_wait3A_95 : memref<320xi32, #tpu.memory_space<hbm>>) dst(%arg8 : memref<320xi32, #tpu.memory_space<vmem>>)
        %dma_start3A_96 = arith.constant 0 : i32
        %dma_start3A_97 = arith.constant 0 : i32
        %dma_start3A_98 = tpu.memref_slice %arg2[%dma_start3A_96, %dma_start3A_97] : memref<10000x64xf32, #tpu.memory_space<hbm>> -> memref<10000x64xf32, #tpu.memory_space<hbm>>
        tpu.enqueue_indirect_dma source(%dma_start3A_98 : memref<10000x64xf32, #tpu.memory_space<hbm>>) target(%arg10 : memref<320x64xf32, #tpu.memory_space<vmem>>) offsets(%arg6 : memref<320xi32, #tpu.memory_space<vmem>>) semaphore(%arg15 : memref<!tpu.dma_semaphore, #tpu.memory_space<semaphore_mem>>)
        %dma_start3A_99 = arith.constant 0 : i32
        %dma_start3A_100 = arith.constant 0 : i32
        %dma_start3A_101 = tpu.memref_slice %arg2[%dma_start3A_99, %dma_start3A_100] : memref<10000x64xf32, #tpu.memory_space<hbm>> -> memref<10000x64xf32, #tpu.memory_space<hbm>>
        tpu.enqueue_indirect_dma source(%dma_start3A_101 : memref<10000x64xf32, #tpu.memory_space<hbm>>) target(%arg12 : memref<320x64xf32, #tpu.memory_space<vmem>>) offsets(%arg8 : memref<320xi32, #tpu.memory_space<vmem>>) semaphore(%arg17 : memref<!tpu.dma_semaphore, #tpu.memory_space<semaphore_mem>>)
      } else {
      }
      %scan3A_71 = arith.constant 0 : i32
      %scan3A_72 = arith.constant 0 : i32
      %scan3A_73 = arith.constant 20 : i32
      %scan3A_74 = arith.addi %scan3A_72, %scan3A_73 : i32
      %scan3A_75 = arith.constant 1 : i32
      %scan3A_76 = scf.for %scan3A_79 = %scan3A_72 to %scan3A_74 step %scan3A_75 iter_args(%scan3A_80 = %scan3A_71) -> (i32)  : i32 {
        %mul3A_81 = arith.constant 16 : i32
        %mul3A_82 = arith.muli %scan3A_79, %mul3A_81 : i32
        %add3A_83 = vector.broadcast %mul3A_82 : i32 to vector<16xi32>
        %add3A_84 = arith.addi %add3A_83, %iota3A : vector<16xi32>
        %broadcast_in_dim3A = arith.constant 0.000000e+00 : f32
        %broadcast_in_dim3A_85 = vector.broadcast %broadcast_in_dim3A : f32 to vector<16xf32>
        %scan3A_86 = arith.constant 0 : i32
        %scan3A_87 = arith.constant 16 : i32
        %scan3A_88 = arith.addi %scan3A_86, %scan3A_87 : i32
        %scan3A_89 = arith.constant 1 : i32
        %scan3A_90 = scf.for %scan3A_99 = %scan3A_86 to %scan3A_88 step %scan3A_89 iter_args(%scan3A_100 = %broadcast_in_dim3A_85) -> (vector<16xf32>)  : i32 {
          %mul3A_101 = arith.constant 4 : i32
          %mul3A_102 = arith.muli %mul3A_101, %scan3A_99 : i32
          %add3A_103 = arith.constant 0 : i32
          %add3A_104 = arith.addi %mul3A_102, %add3A_103 : i32
          %broadcast_in_dim3A_105 = vector.broadcast %add3A_104 : i32 to vector<16xi32>
          %gather3A = tpu.vector_load_idx %arg11[%add3A_84, %broadcast_in_dim3A_105] : memref<320x64xf32, #tpu.memory_space<vmem>>[vector<16xi32>, vector<16xi32>], vector<16xf32>,
          %gather3A_106 = tpu.vector_load_idx %arg13[%add3A_84, %broadcast_in_dim3A_105] : memref<320x64xf32, #tpu.memory_space<vmem>>[vector<16xi32>, vector<16xi32>], vector<16xf32>,
          %mul3A_107 = arith.mulf %gather3A, %gather3A_106 : vector<16xf32>
          %add3A_108 = arith.addf %scan3A_100, %mul3A_107 : vector<16xf32>
          %mul3A_109 = arith.constant 4 : i32
          %mul3A_110 = arith.muli %mul3A_109, %scan3A_99 : i32
          %add3A_111 = arith.constant 1 : i32
          %add3A_112 = arith.addi %mul3A_110, %add3A_111 : i32
          %broadcast_in_dim3A_113 = vector.broadcast %add3A_112 : i32 to vector<16xi32>
          %gather3A_114 = tpu.vector_load_idx %arg11[%add3A_84, %broadcast_in_dim3A_113] : memref<320x64xf32, #tpu.memory_space<vmem>>[vector<16xi32>, vector<16xi32>], vector<16xf32>,
          %gather3A_115 = tpu.vector_load_idx %arg13[%add3A_84, %broadcast_in_dim3A_113] : memref<320x64xf32, #tpu.memory_space<vmem>>[vector<16xi32>, vector<16xi32>], vector<16xf32>,
          %mul3A_116 = arith.mulf %gather3A_114, %gather3A_115 : vector<16xf32>
          %add3A_117 = arith.addf %add3A_108, %mul3A_116 : vector<16xf32>
          %mul3A_118 = arith.constant 4 : i32
          %mul3A_119 = arith.muli %mul3A_118, %scan3A_99 : i32
          %add3A_120 = arith.constant 2 : i32
          %add3A_121 = arith.addi %mul3A_119, %add3A_120 : i32
          %broadcast_in_dim3A_122 = vector.broadcast %add3A_121 : i32 to vector<16xi32>
          %gather3A_123 = tpu.vector_load_idx %arg11[%add3A_84, %broadcast_in_dim3A_122] : memref<320x64xf32, #tpu.memory_space<vmem>>[vector<16xi32>, vector<16xi32>], vector<16xf32>,
          %gather3A_124 = tpu.vector_load_idx %arg13[%add3A_84, %broadcast_in_dim3A_122] : memref<320x64xf32, #tpu.memory_space<vmem>>[vector<16xi32>, vector<16xi32>], vector<16xf32>,
          %mul3A_125 = arith.mulf %gather3A_123, %gather3A_124 : vector<16xf32>
          %add3A_126 = arith.addf %add3A_117, %mul3A_125 : vector<16xf32>
          %mul3A_127 = arith.constant 4 : i32
          %mul3A_128 = arith.muli %mul3A_127, %scan3A_99 : i32
          %add3A_129 = arith.constant 3 : i32
          %add3A_130 = arith.addi %mul3A_128, %add3A_129 : i32
          %broadcast_in_dim3A_131 = vector.broadcast %add3A_130 : i32 to vector<16xi32>
          %gather3A_132 = tpu.vector_load_idx %arg11[%add3A_84, %broadcast_in_dim3A_131] : memref<320x64xf32, #tpu.memory_space<vmem>>[vector<16xi32>, vector<16xi32>], vector<16xf32>,
          %gather3A_133 = tpu.vector_load_idx %arg13[%add3A_84, %broadcast_in_dim3A_131] : memref<320x64xf32, #tpu.memory_space<vmem>>[vector<16xi32>, vector<16xi32>], vector<16xf32>,
          %mul3A_134 = arith.mulf %gather3A_132, %gather3A_133 : vector<16xf32>
          %add3A_135 = arith.addf %add3A_126, %mul3A_134 : vector<16xf32>
          scf.yield %add3A_135 : vector<16xf32>
        }
        %scan3A_91 = arith.constant 16 : i32
        %mul3A_92 = arith.constant 320 : i32
        %mul3A_93 = arith.muli %add3A_57, %mul3A_92 : i32
        %mul3A_94 = arith.constant 16 : i32
        %mul3A_95 = arith.muli %scan3A_79, %mul3A_94 : i32
        %add3A_96 = arith.addi %mul3A_93, %mul3A_95 : i32
        %swap3A = arith.index_cast %add3A_96 : i32 to index
        %swap3A_97 = tpu.vector_load %arg14[%swap3A] {strides = array<i32>} : memref<3200xf32, #tpu.memory_space<vmem>>, vector<16xf32>,
        tpu.vector_store %arg14[%swap3A], %scan3A_90 {strides = array<i32>} : memref<3200xf32, #tpu.memory_space<vmem>>, vector<16xf32>,
        %scan3A_98 = arith.constant 0 : i32
        scf.yield %scan3A_98 : i32
      }
      %scan3A_77 = arith.constant 20 : i32
      %scan3A_78 = arith.constant 0 : i32
      scf.yield %scan3A_78 : i32
    }
    %scan3A_26 = arith.constant 5 : i32
    %dma_start3A_27 = tpu.memref_slice %arg5[%mul3A_2] : memref<102400xf32, #tpu.memory_space<hbm>> -> memref<3200xf32, #tpu.memory_space<hbm>>
    %dma_start3A_28 = tpu.memref_slice %arg5[%mul3A_2] : memref<102400xf32, #tpu.memory_space<hbm>> -> memref<3200xf32, #tpu.memory_space<hbm>>
    tpu.enqueue_dma source(%arg14 : memref<3200xf32, #tpu.memory_space<vmem>>) target(%dma_start3A_28 : memref<3200xf32, #tpu.memory_space<hbm>>) target_semaphore(%arg23 : memref<!tpu.dma_semaphore, #tpu.memory_space<semaphore_mem>>)
    %dma_wait3A_29 = tpu.memref_slice %arg5[%mul3A_2] : memref<102400xf32, #tpu.memory_space<hbm>> -> memref<3200xf32, #tpu.memory_space<hbm>>
    %dma_wait3A_30 = tpu.memref_slice %arg5[%mul3A_2] : memref<102400xf32, #tpu.memory_space<hbm>> -> memref<3200xf32, #tpu.memory_space<hbm>>
    tpu.wait_dma2 semaphore(%arg23 : memref<!tpu.dma_semaphore, #tpu.memory_space<semaphore_mem>>) src(%arg14 : memref<3200xf32, #tpu.memory_space<vmem>>) dst(%dma_wait3A_30 : memref<3200xf32, #tpu.memory_space<hbm>>)
    return
  }
}

#map = affine_map<(d0, d1) -> (0, 0)>
#map1 = affine_map<(d0, d1) -> (0)>
#map2 = affine_map<(d0, d1) -> (0, 0, 0)>
module attributes {stable_mosaic.version = 14 : i64} {
  func.func @body(%arg0: i32, %arg1: i32, %arg2: memref<10000x128xf32, #tpu.memory_space<hbm>>, %arg3: memref<320000xi32, #tpu.memory_space<hbm>>, %arg4: memref<320000xi32, #tpu.memory_space<hbm>>, %arg5: memref<2x10112x128xf32, #tpu.memory_space<hbm>>, %arg6: memref<2x10240xf32, #tpu.memory_space<hbm>>, %arg7: memref<10112x128xf32, #tpu.memory_space<vmem_shared>>, %arg8: memref<176xi32, #tpu.memory_space<vmem>>, %arg9: memref<176xi32, #tpu.memory_space<vmem>>, %arg10: memref<176xi32, #tpu.memory_space<vmem>>, %arg11: memref<176xi32, #tpu.memory_space<vmem>>, %arg12: memref<176xi32, #tpu.memory_space<vmem>>, %arg13: memref<176xi32, #tpu.memory_space<vmem>>, %arg14: memref<176xi32, #tpu.memory_space<vmem>>, %arg15: memref<176xi32, #tpu.memory_space<vmem>>, %arg16: memref<176x128xf32, #tpu.memory_space<vmem>>, %arg17: memref<176x128xf32, #tpu.memory_space<vmem>>, %arg18: memref<144xi32, #tpu.memory_space<vmem>>, %arg19: memref<!tpu.dma_semaphore, #tpu.memory_space<semaphore_mem>>, %arg20: memref<!tpu.dma_semaphore, #tpu.memory_space<semaphore_mem>>, %arg21: memref<!tpu.dma_semaphore, #tpu.memory_space<semaphore_mem>>, %arg22: memref<!tpu.dma_semaphore, #tpu.memory_space<semaphore_mem>>, %arg23: memref<!tpu.dma_semaphore, #tpu.memory_space<semaphore_mem>>, %arg24: memref<!tpu.dma_semaphore, #tpu.memory_space<semaphore_mem>>, %arg25: memref<!tpu.dma_semaphore, #tpu.memory_space<semaphore_mem>>, %arg26: memref<!tpu.dma_semaphore, #tpu.memory_space<semaphore_mem>>, %arg27: memref<!tpu.dma_semaphore, #tpu.memory_space<semaphore_mem>>, %arg28: memref<!tpu.dma_semaphore, #tpu.memory_space<semaphore_mem>>, %arg29: memref<!tpu.dma_semaphore, #tpu.memory_space<semaphore_mem>>, %arg30: memref<!tpu.dma_semaphore, #tpu.memory_space<semaphore_mem>>, %arg31: memref<10240xf32, #tpu.memory_space<vmem_shared>>, %arg32: memref<192xf32, #tpu.memory_space<vmem>>, %arg33: memref<640xf32, #tpu.memory_space<vmem>>, %arg34: memref<!tpu.dma_semaphore, #tpu.memory_space<semaphore_mem>>, %arg35: memref<!tpu.dma_semaphore, #tpu.memory_space<semaphore_mem>>) attributes {dimension_semantics = [#tpu.dimension_semantics<core_parallel>, #tpu.dimension_semantics<subcore_parallel>], iteration_bounds = array<i64: 2, 16>, scalar_prefetch = 0 : i64, scratch_operands = 29 : i64, tpu.core_type = #tpu.core_type<sc_vector_subcore>, window_params = [{transform_indices = #map}, {transform_indices = #map1}, {transform_indices = #map1}, {transform_indices = #map2}, {transform_indices = #map}]} {
    %mul3A = arith.constant 16 : i32
    %mul3A_0 = arith.muli %arg0, %mul3A : i32
    %add3A = arith.addi %mul3A_0, %arg1 : i32
    %mul3A_1 = arith.constant 632 : i32
    %mul3A_2 = arith.muli %arg1, %mul3A_1 : i32
    %mul3A_3 = arith.constant 10000 : i32
    %mul3A_4 = arith.muli %add3A, %mul3A_3 : i32
    %scan3A = arith.constant 0 : i32
    %scan3A_5 = arith.constant 0 : i32
    %scan3A_6 = arith.constant 1408 : i32
    %scan3A_7 = arith.addi %scan3A_5, %scan3A_6 : i32
    %scan3A_8 = arith.constant 1 : i32
    %scan3A_9 = scf.for %scan3A_133 = %scan3A_5 to %scan3A_7 step %scan3A_8 iter_args(%scan3A_134 = %scan3A) -> (i32)  : i32 {
      %jit3A = arith.constant 8 : i32
      %div3A = arith.divsi %scan3A_133, %jit3A : i32
      %sign3A = arith.constant 0 : i32
      %sign3A_135 = arith.cmpi sgt, %scan3A_133, %sign3A : i32
      %sign3A_136 = arith.extui %sign3A_135 : i1 to i32
      %sign3A_137 = arith.constant 0 : i32
      %sign3A_138 = arith.cmpi slt, %scan3A_133, %sign3A_137 : i32
      %sign3A_139 = arith.extui %sign3A_138 : i1 to i32
      %sign3A_140 = arith.subi %sign3A_136, %sign3A_139 : i32
      %sign3A_141 = arith.constant 0 : i32
      %sign3A_142 = arith.cmpi sgt, %jit3A, %sign3A_141 : i32
      %sign3A_143 = arith.extui %sign3A_142 : i1 to i32
      %sign3A_144 = arith.constant 0 : i32
      %sign3A_145 = arith.cmpi slt, %jit3A, %sign3A_144 : i32
      %sign3A_146 = arith.extui %sign3A_145 : i1 to i32
      %sign3A_147 = arith.subi %sign3A_143, %sign3A_146 : i32
      %ne3A = arith.cmpi ne, %sign3A_140, %sign3A_147 : i32
      %rem3A = arith.remsi %scan3A_133, %jit3A : i32
      %ne3A_148 = arith.constant 0 : i32
      %ne3A_149 = arith.cmpi ne, %rem3A, %ne3A_148 : i32
      %and3A = arith.andi %ne3A, %ne3A_149 : i1
      %sub3A = arith.constant 1 : i32
      %sub3A_150 = arith.subi %div3A, %sub3A : i32
      %select_n3A = arith.select %and3A, %sub3A_150, %div3A : i32
      %mul3A_151 = arith.constant 8 : i32
      %mul3A_152 = arith.muli %select_n3A, %mul3A_151 : i32
      %sub3A_153 = arith.subi %scan3A_133, %mul3A_152 : i32
      %broadcast_in_dim3A = arith.constant 0.000000e+00 : f32
      %broadcast_in_dim3A_154 = vector.broadcast %broadcast_in_dim3A : f32 to vector<16xf32>
      %mul3A_155 = arith.constant 16 : i32
      %mul3A_156 = arith.muli %sub3A_153, %mul3A_155 : i32
      %swap3A = arith.index_cast %select_n3A : i32 to index
      %swap3A_157 = arith.index_cast %mul3A_156 : i32 to index
      %swap3A_158 = tpu.vector_load %arg16[%swap3A, %swap3A_157] {strides = array<i32>} : memref<176x128xf32, #tpu.memory_space<vmem>>, vector<1x16xf32>,
      %swap3A_159 = vector.shape_cast %swap3A_158 : vector<1x16xf32> to vector<16xf32>
      %swap3A_160 = vector.shape_cast %broadcast_in_dim3A_154 : vector<16xf32> to vector<1x16xf32>
      tpu.vector_store %arg16[%swap3A, %swap3A_157], %swap3A_160 {strides = array<i32>} : memref<176x128xf32, #tpu.memory_space<vmem>>, vector<1x16xf32>,
      %scan3A_161 = arith.constant 0 : i32
      scf.yield %scan3A_161 : i32
    }
    %scan3A_10 = arith.constant 1408 : i32
    %add3A_11 = arith.constant 0 : i32
    %add3A_12 = arith.addi %mul3A_2, %add3A_11 : i32
    "tpu.region"() ({
      %run_scoped3A = tpu.sem_alloc : memref<!tpu.dma_semaphore, #tpu.memory_space<semaphore_mem>>
      %dma_start3A_133 = arith.constant 0 : i32
      %dma_start3A_134 = arith.constant 0 : i32
      %dma_start3A_135 = tpu.memref_slice %arg16[%dma_start3A_133, %dma_start3A_134] : memref<176x128xf32, #tpu.memory_space<vmem>> -> memref<176x128xf32, #tpu.memory_space<vmem>>
      %dma_start3A_136 = arith.constant 0 : i32
      %dma_start3A_137 = tpu.memref_slice %arg7[%add3A_12, %dma_start3A_136] : memref<10112x128xf32, #tpu.memory_space<vmem_shared>> -> memref<176x128xf32, #tpu.memory_space<vmem_shared>>
      %dma_start3A_138 = arith.constant 0 : i32
      %dma_start3A_139 = tpu.memref_slice %arg7[%add3A_12, %dma_start3A_138] : memref<10112x128xf32, #tpu.memory_space<vmem_shared>> -> memref<176x128xf32, #tpu.memory_space<vmem_shared>>
      %dma_start3A_140 = arith.constant 0 : i32
      %dma_start3A_141 = arith.constant 0 : i32
      %dma_start3A_142 = tpu.memref_slice %arg16[%dma_start3A_140, %dma_start3A_141] : memref<176x128xf32, #tpu.memory_space<vmem>> -> memref<176x128xf32, #tpu.memory_space<vmem>>
      tpu.enqueue_dma source(%dma_start3A_142 : memref<176x128xf32, #tpu.memory_space<vmem>>) target(%dma_start3A_139 : memref<176x128xf32, #tpu.memory_space<vmem_shared>>) target_semaphore(%run_scoped3A : memref<!tpu.dma_semaphore, #tpu.memory_space<semaphore_mem>>)
      %dma_wait3A_143 = arith.constant 0 : i32
      %dma_wait3A_144 = arith.constant 0 : i32
      %dma_wait3A_145 = tpu.memref_slice %arg16[%dma_wait3A_143, %dma_wait3A_144] : memref<176x128xf32, #tpu.memory_space<vmem>> -> memref<176x128xf32, #tpu.memory_space<vmem>>
      %dma_wait3A_146 = arith.constant 0 : i32
      %dma_wait3A_147 = tpu.memref_slice %arg7[%add3A_12, %dma_wait3A_146] : memref<10112x128xf32, #tpu.memory_space<vmem_shared>> -> memref<176x128xf32, #tpu.memory_space<vmem_shared>>
      %dma_wait3A_148 = arith.constant 0 : i32
      %dma_wait3A_149 = tpu.memref_slice %arg7[%add3A_12, %dma_wait3A_148] : memref<10112x128xf32, #tpu.memory_space<vmem_shared>> -> memref<176x128xf32, #tpu.memory_space<vmem_shared>>
      %dma_wait3A_150 = arith.constant 0 : i32
      %dma_wait3A_151 = arith.constant 0 : i32
      %dma_wait3A_152 = tpu.memref_slice %arg16[%dma_wait3A_150, %dma_wait3A_151] : memref<176x128xf32, #tpu.memory_space<vmem>> -> memref<176x128xf32, #tpu.memory_space<vmem>>
      tpu.wait_dma2 semaphore(%run_scoped3A : memref<!tpu.dma_semaphore, #tpu.memory_space<semaphore_mem>>) src(%dma_wait3A_152 : memref<176x128xf32, #tpu.memory_space<vmem>>) dst(%dma_wait3A_149 : memref<176x128xf32, #tpu.memory_space<vmem_shared>>)
      tpu.yield
    }) : () -> ()
    %add3A_13 = arith.constant 176 : i32
    %add3A_14 = arith.addi %mul3A_2, %add3A_13 : i32
    "tpu.region"() ({
      %run_scoped3A = tpu.sem_alloc : memref<!tpu.dma_semaphore, #tpu.memory_space<semaphore_mem>>
      %dma_start3A_133 = arith.constant 0 : i32
      %dma_start3A_134 = arith.constant 0 : i32
      %dma_start3A_135 = tpu.memref_slice %arg16[%dma_start3A_133, %dma_start3A_134] : memref<176x128xf32, #tpu.memory_space<vmem>> -> memref<176x128xf32, #tpu.memory_space<vmem>>
      %dma_start3A_136 = arith.constant 0 : i32
      %dma_start3A_137 = tpu.memref_slice %arg7[%add3A_14, %dma_start3A_136] : memref<10112x128xf32, #tpu.memory_space<vmem_shared>> -> memref<176x128xf32, #tpu.memory_space<vmem_shared>>
      %dma_start3A_138 = arith.constant 0 : i32
      %dma_start3A_139 = tpu.memref_slice %arg7[%add3A_14, %dma_start3A_138] : memref<10112x128xf32, #tpu.memory_space<vmem_shared>> -> memref<176x128xf32, #tpu.memory_space<vmem_shared>>
      %dma_start3A_140 = arith.constant 0 : i32
      %dma_start3A_141 = arith.constant 0 : i32
      %dma_start3A_142 = tpu.memref_slice %arg16[%dma_start3A_140, %dma_start3A_141] : memref<176x128xf32, #tpu.memory_space<vmem>> -> memref<176x128xf32, #tpu.memory_space<vmem>>
      tpu.enqueue_dma source(%dma_start3A_142 : memref<176x128xf32, #tpu.memory_space<vmem>>) target(%dma_start3A_139 : memref<176x128xf32, #tpu.memory_space<vmem_shared>>) target_semaphore(%run_scoped3A : memref<!tpu.dma_semaphore, #tpu.memory_space<semaphore_mem>>)
      %dma_wait3A_143 = arith.constant 0 : i32
      %dma_wait3A_144 = arith.constant 0 : i32
      %dma_wait3A_145 = tpu.memref_slice %arg16[%dma_wait3A_143, %dma_wait3A_144] : memref<176x128xf32, #tpu.memory_space<vmem>> -> memref<176x128xf32, #tpu.memory_space<vmem>>
      %dma_wait3A_146 = arith.constant 0 : i32
      %dma_wait3A_147 = tpu.memref_slice %arg7[%add3A_14, %dma_wait3A_146] : memref<10112x128xf32, #tpu.memory_space<vmem_shared>> -> memref<176x128xf32, #tpu.memory_space<vmem_shared>>
      %dma_wait3A_148 = arith.constant 0 : i32
      %dma_wait3A_149 = tpu.memref_slice %arg7[%add3A_14, %dma_wait3A_148] : memref<10112x128xf32, #tpu.memory_space<vmem_shared>> -> memref<176x128xf32, #tpu.memory_space<vmem_shared>>
      %dma_wait3A_150 = arith.constant 0 : i32
      %dma_wait3A_151 = arith.constant 0 : i32
      %dma_wait3A_152 = tpu.memref_slice %arg16[%dma_wait3A_150, %dma_wait3A_151] : memref<176x128xf32, #tpu.memory_space<vmem>> -> memref<176x128xf32, #tpu.memory_space<vmem>>
      tpu.wait_dma2 semaphore(%run_scoped3A : memref<!tpu.dma_semaphore, #tpu.memory_space<semaphore_mem>>) src(%dma_wait3A_152 : memref<176x128xf32, #tpu.memory_space<vmem>>) dst(%dma_wait3A_149 : memref<176x128xf32, #tpu.memory_space<vmem_shared>>)
      tpu.yield
    }) : () -> ()
    %add3A_15 = arith.constant 352 : i32
    %add3A_16 = arith.addi %mul3A_2, %add3A_15 : i32
    "tpu.region"() ({
      %run_scoped3A = tpu.sem_alloc : memref<!tpu.dma_semaphore, #tpu.memory_space<semaphore_mem>>
      %dma_start3A_133 = arith.constant 0 : i32
      %dma_start3A_134 = arith.constant 0 : i32
      %dma_start3A_135 = tpu.memref_slice %arg16[%dma_start3A_133, %dma_start3A_134] : memref<176x128xf32, #tpu.memory_space<vmem>> -> memref<176x128xf32, #tpu.memory_space<vmem>>
      %dma_start3A_136 = arith.constant 0 : i32
      %dma_start3A_137 = tpu.memref_slice %arg7[%add3A_16, %dma_start3A_136] : memref<10112x128xf32, #tpu.memory_space<vmem_shared>> -> memref<176x128xf32, #tpu.memory_space<vmem_shared>>
      %dma_start3A_138 = arith.constant 0 : i32
      %dma_start3A_139 = tpu.memref_slice %arg7[%add3A_16, %dma_start3A_138] : memref<10112x128xf32, #tpu.memory_space<vmem_shared>> -> memref<176x128xf32, #tpu.memory_space<vmem_shared>>
      %dma_start3A_140 = arith.constant 0 : i32
      %dma_start3A_141 = arith.constant 0 : i32
      %dma_start3A_142 = tpu.memref_slice %arg16[%dma_start3A_140, %dma_start3A_141] : memref<176x128xf32, #tpu.memory_space<vmem>> -> memref<176x128xf32, #tpu.memory_space<vmem>>
      tpu.enqueue_dma source(%dma_start3A_142 : memref<176x128xf32, #tpu.memory_space<vmem>>) target(%dma_start3A_139 : memref<176x128xf32, #tpu.memory_space<vmem_shared>>) target_semaphore(%run_scoped3A : memref<!tpu.dma_semaphore, #tpu.memory_space<semaphore_mem>>)
      %dma_wait3A_143 = arith.constant 0 : i32
      %dma_wait3A_144 = arith.constant 0 : i32
      %dma_wait3A_145 = tpu.memref_slice %arg16[%dma_wait3A_143, %dma_wait3A_144] : memref<176x128xf32, #tpu.memory_space<vmem>> -> memref<176x128xf32, #tpu.memory_space<vmem>>
      %dma_wait3A_146 = arith.constant 0 : i32
      %dma_wait3A_147 = tpu.memref_slice %arg7[%add3A_16, %dma_wait3A_146] : memref<10112x128xf32, #tpu.memory_space<vmem_shared>> -> memref<176x128xf32, #tpu.memory_space<vmem_shared>>
      %dma_wait3A_148 = arith.constant 0 : i32
      %dma_wait3A_149 = tpu.memref_slice %arg7[%add3A_16, %dma_wait3A_148] : memref<10112x128xf32, #tpu.memory_space<vmem_shared>> -> memref<176x128xf32, #tpu.memory_space<vmem_shared>>
      %dma_wait3A_150 = arith.constant 0 : i32
      %dma_wait3A_151 = arith.constant 0 : i32
      %dma_wait3A_152 = tpu.memref_slice %arg16[%dma_wait3A_150, %dma_wait3A_151] : memref<176x128xf32, #tpu.memory_space<vmem>> -> memref<176x128xf32, #tpu.memory_space<vmem>>
      tpu.wait_dma2 semaphore(%run_scoped3A : memref<!tpu.dma_semaphore, #tpu.memory_space<semaphore_mem>>) src(%dma_wait3A_152 : memref<176x128xf32, #tpu.memory_space<vmem>>) dst(%dma_wait3A_149 : memref<176x128xf32, #tpu.memory_space<vmem_shared>>)
      tpu.yield
    }) : () -> ()
    %add3A_17 = arith.constant 528 : i32
    %add3A_18 = arith.addi %mul3A_2, %add3A_17 : i32
    "tpu.region"() ({
      %run_scoped3A = tpu.sem_alloc : memref<!tpu.dma_semaphore, #tpu.memory_space<semaphore_mem>>
      %dma_start3A_133 = arith.constant 0 : i32
      %dma_start3A_134 = arith.constant 0 : i32
      %dma_start3A_135 = tpu.memref_slice %arg16[%dma_start3A_133, %dma_start3A_134] : memref<176x128xf32, #tpu.memory_space<vmem>> -> memref<104x128xf32, #tpu.memory_space<vmem>>
      %dma_start3A_136 = arith.constant 0 : i32
      %dma_start3A_137 = tpu.memref_slice %arg7[%add3A_18, %dma_start3A_136] : memref<10112x128xf32, #tpu.memory_space<vmem_shared>> -> memref<104x128xf32, #tpu.memory_space<vmem_shared>>
      %dma_start3A_138 = arith.constant 0 : i32
      %dma_start3A_139 = tpu.memref_slice %arg7[%add3A_18, %dma_start3A_138] : memref<10112x128xf32, #tpu.memory_space<vmem_shared>> -> memref<104x128xf32, #tpu.memory_space<vmem_shared>>
      %dma_start3A_140 = arith.constant 0 : i32
      %dma_start3A_141 = arith.constant 0 : i32
      %dma_start3A_142 = tpu.memref_slice %arg16[%dma_start3A_140, %dma_start3A_141] : memref<176x128xf32, #tpu.memory_space<vmem>> -> memref<104x128xf32, #tpu.memory_space<vmem>>
      tpu.enqueue_dma source(%dma_start3A_142 : memref<104x128xf32, #tpu.memory_space<vmem>>) target(%dma_start3A_139 : memref<104x128xf32, #tpu.memory_space<vmem_shared>>) target_semaphore(%run_scoped3A : memref<!tpu.dma_semaphore, #tpu.memory_space<semaphore_mem>>)
      %dma_wait3A_143 = arith.constant 0 : i32
      %dma_wait3A_144 = arith.constant 0 : i32
      %dma_wait3A_145 = tpu.memref_slice %arg16[%dma_wait3A_143, %dma_wait3A_144] : memref<176x128xf32, #tpu.memory_space<vmem>> -> memref<104x128xf32, #tpu.memory_space<vmem>>
      %dma_wait3A_146 = arith.constant 0 : i32
      %dma_wait3A_147 = tpu.memref_slice %arg7[%add3A_18, %dma_wait3A_146] : memref<10112x128xf32, #tpu.memory_space<vmem_shared>> -> memref<104x128xf32, #tpu.memory_space<vmem_shared>>
      %dma_wait3A_148 = arith.constant 0 : i32
      %dma_wait3A_149 = tpu.memref_slice %arg7[%add3A_18, %dma_wait3A_148] : memref<10112x128xf32, #tpu.memory_space<vmem_shared>> -> memref<104x128xf32, #tpu.memory_space<vmem_shared>>
      %dma_wait3A_150 = arith.constant 0 : i32
      %dma_wait3A_151 = arith.constant 0 : i32
      %dma_wait3A_152 = tpu.memref_slice %arg16[%dma_wait3A_150, %dma_wait3A_151] : memref<176x128xf32, #tpu.memory_space<vmem>> -> memref<104x128xf32, #tpu.memory_space<vmem>>
      tpu.wait_dma2 semaphore(%run_scoped3A : memref<!tpu.dma_semaphore, #tpu.memory_space<semaphore_mem>>) src(%dma_wait3A_152 : memref<104x128xf32, #tpu.memory_space<vmem>>) dst(%dma_wait3A_149 : memref<104x128xf32, #tpu.memory_space<vmem_shared>>)
      tpu.yield
    }) : () -> ()
    %scan3A_19 = arith.constant 0 : i32
    %scan3A_20 = arith.constant 0 : i32
    %scan3A_21 = arith.constant 12 : i32
    %scan3A_22 = arith.addi %scan3A_20, %scan3A_21 : i32
    %scan3A_23 = arith.constant 1 : i32
    %scan3A_24 = scf.for %scan3A_133 = %scan3A_20 to %scan3A_22 step %scan3A_23 iter_args(%scan3A_134 = %scan3A_19) -> (i32)  : i32 {
      %broadcast_in_dim3A = arith.constant 1.000000e+00 : f32
      %broadcast_in_dim3A_135 = vector.broadcast %broadcast_in_dim3A : f32 to vector<16xf32>
      %mul3A_136 = arith.constant 16 : i32
      %mul3A_137 = arith.muli %scan3A_133, %mul3A_136 : i32
      %swap3A = arith.index_cast %mul3A_137 : i32 to index
      %swap3A_138 = tpu.vector_load %arg32[%swap3A] {strides = array<i32>} : memref<192xf32, #tpu.memory_space<vmem>>, vector<16xf32>,
      %swap3A_139 = vector.shape_cast %swap3A_138 : vector<16xf32> to vector<16xf32>
      %swap3A_140 = vector.shape_cast %broadcast_in_dim3A_135 : vector<16xf32> to vector<16xf32>
      tpu.vector_store %arg32[%swap3A], %swap3A_140 {strides = array<i32>} : memref<192xf32, #tpu.memory_space<vmem>>, vector<16xf32>,
      %scan3A_141 = arith.constant 0 : i32
      scf.yield %scan3A_141 : i32
    }
    %scan3A_25 = arith.constant 12 : i32
    %scan3A_26 = arith.constant 0 : i32
    %scan3A_27 = arith.constant 0 : i32
    %scan3A_28 = arith.constant 40 : i32
    %scan3A_29 = arith.addi %scan3A_27, %scan3A_28 : i32
    %scan3A_30 = arith.constant 1 : i32
    %scan3A_31 = scf.for %scan3A_133 = %scan3A_27 to %scan3A_29 step %scan3A_30 iter_args(%scan3A_134 = %scan3A_26) -> (i32)  : i32 {
      %broadcast_in_dim3A = arith.constant 0.000000e+00 : f32
      %broadcast_in_dim3A_135 = vector.broadcast %broadcast_in_dim3A : f32 to vector<16xf32>
      %mul3A_136 = arith.constant 16 : i32
      %mul3A_137 = arith.muli %scan3A_133, %mul3A_136 : i32
      %swap3A = arith.index_cast %mul3A_137 : i32 to index
      %swap3A_138 = tpu.vector_load %arg33[%swap3A] {strides = array<i32>} : memref<640xf32, #tpu.memory_space<vmem>>, vector<16xf32>,
      %swap3A_139 = vector.shape_cast %swap3A_138 : vector<16xf32> to vector<16xf32>
      %swap3A_140 = vector.shape_cast %broadcast_in_dim3A_135 : vector<16xf32> to vector<16xf32>
      tpu.vector_store %arg33[%swap3A], %swap3A_140 {strides = array<i32>} : memref<640xf32, #tpu.memory_space<vmem>>, vector<16xf32>,
      %scan3A_141 = arith.constant 0 : i32
      scf.yield %scan3A_141 : i32
    }
    %scan3A_32 = arith.constant 40 : i32
    %mul3A_33 = arith.constant 640 : i32
    %mul3A_34 = arith.muli %arg1, %mul3A_33 : i32
    "tpu.region"() ({
      %run_scoped3A = tpu.sem_alloc : memref<!tpu.dma_semaphore, #tpu.memory_space<semaphore_mem>>
      %dma_start3A_133 = tpu.memref_slice %arg31[%mul3A_34] : memref<10240xf32, #tpu.memory_space<vmem_shared>> -> memref<640xf32, #tpu.memory_space<vmem_shared>>
      %dma_start3A_134 = tpu.memref_slice %arg31[%mul3A_34] : memref<10240xf32, #tpu.memory_space<vmem_shared>> -> memref<640xf32, #tpu.memory_space<vmem_shared>>
      tpu.enqueue_dma source(%arg33 : memref<640xf32, #tpu.memory_space<vmem>>) target(%dma_start3A_134 : memref<640xf32, #tpu.memory_space<vmem_shared>>) target_semaphore(%run_scoped3A : memref<!tpu.dma_semaphore, #tpu.memory_space<semaphore_mem>>)
      %dma_wait3A_135 = tpu.memref_slice %arg31[%mul3A_34] : memref<10240xf32, #tpu.memory_space<vmem_shared>> -> memref<640xf32, #tpu.memory_space<vmem_shared>>
      %dma_wait3A_136 = tpu.memref_slice %arg31[%mul3A_34] : memref<10240xf32, #tpu.memory_space<vmem_shared>> -> memref<640xf32, #tpu.memory_space<vmem_shared>>
      tpu.wait_dma2 semaphore(%run_scoped3A : memref<!tpu.dma_semaphore, #tpu.memory_space<semaphore_mem>>) src(%arg33 : memref<640xf32, #tpu.memory_space<vmem>>) dst(%dma_wait3A_136 : memref<640xf32, #tpu.memory_space<vmem_shared>>)
      tpu.yield
    }) : () -> ()
    %add3A_35 = arith.constant 0 : i32
    %add3A_36 = arith.addi %mul3A_4, %add3A_35 : i32
    %dma_start3A = tpu.memref_slice %arg3[%add3A_36] : memref<320000xi32, #tpu.memory_space<hbm>> -> memref<176xi32, #tpu.memory_space<hbm>>
    %dma_start3A_37 = tpu.memref_slice %arg3[%add3A_36] : memref<320000xi32, #tpu.memory_space<hbm>> -> memref<176xi32, #tpu.memory_space<hbm>>
    tpu.enqueue_dma source(%dma_start3A_37 : memref<176xi32, #tpu.memory_space<hbm>>) target(%arg8 : memref<176xi32, #tpu.memory_space<vmem>>) target_semaphore(%arg19 : memref<!tpu.dma_semaphore, #tpu.memory_space<semaphore_mem>>)
    %dma_start3A_38 = tpu.memref_slice %arg4[%add3A_36] : memref<320000xi32, #tpu.memory_space<hbm>> -> memref<176xi32, #tpu.memory_space<hbm>>
    %dma_start3A_39 = tpu.memref_slice %arg4[%add3A_36] : memref<320000xi32, #tpu.memory_space<hbm>> -> memref<176xi32, #tpu.memory_space<hbm>>
    tpu.enqueue_dma source(%dma_start3A_39 : memref<176xi32, #tpu.memory_space<hbm>>) target(%arg12 : memref<176xi32, #tpu.memory_space<vmem>>) target_semaphore(%arg23 : memref<!tpu.dma_semaphore, #tpu.memory_space<semaphore_mem>>)
    %add3A_40 = arith.constant 176 : i32
    %add3A_41 = arith.addi %mul3A_4, %add3A_40 : i32
    %dma_start3A_42 = tpu.memref_slice %arg3[%add3A_41] : memref<320000xi32, #tpu.memory_space<hbm>> -> memref<176xi32, #tpu.memory_space<hbm>>
    %dma_start3A_43 = tpu.memref_slice %arg3[%add3A_41] : memref<320000xi32, #tpu.memory_space<hbm>> -> memref<176xi32, #tpu.memory_space<hbm>>
    tpu.enqueue_dma source(%dma_start3A_43 : memref<176xi32, #tpu.memory_space<hbm>>) target(%arg9 : memref<176xi32, #tpu.memory_space<vmem>>) target_semaphore(%arg20 : memref<!tpu.dma_semaphore, #tpu.memory_space<semaphore_mem>>)
    %dma_start3A_44 = tpu.memref_slice %arg4[%add3A_41] : memref<320000xi32, #tpu.memory_space<hbm>> -> memref<176xi32, #tpu.memory_space<hbm>>
    %dma_start3A_45 = tpu.memref_slice %arg4[%add3A_41] : memref<320000xi32, #tpu.memory_space<hbm>> -> memref<176xi32, #tpu.memory_space<hbm>>
    tpu.enqueue_dma source(%dma_start3A_45 : memref<176xi32, #tpu.memory_space<hbm>>) target(%arg13 : memref<176xi32, #tpu.memory_space<vmem>>) target_semaphore(%arg24 : memref<!tpu.dma_semaphore, #tpu.memory_space<semaphore_mem>>)
    %barrier3A = arith.constant 0 : index
    tpu.barrier barrier_id(%barrier3A)
    %dma_wait3A = arith.constant 0 : i32
    %dma_wait3A_46 = tpu.memref_slice %arg3[%dma_wait3A] : memref<320000xi32, #tpu.memory_space<hbm>> -> memref<176xi32, #tpu.memory_space<hbm>>
    %dma_wait3A_47 = arith.constant 0 : i32
    %dma_wait3A_48 = tpu.memref_slice %arg3[%dma_wait3A_47] : memref<320000xi32, #tpu.memory_space<hbm>> -> memref<176xi32, #tpu.memory_space<hbm>>
    tpu.wait_dma2 semaphore(%arg19 : memref<!tpu.dma_semaphore, #tpu.memory_space<semaphore_mem>>) src(%dma_wait3A_48 : memref<176xi32, #tpu.memory_space<hbm>>) dst(%arg8 : memref<176xi32, #tpu.memory_space<vmem>>)
    %dma_wait3A_49 = arith.constant 0 : i32
    %dma_wait3A_50 = tpu.memref_slice %arg4[%dma_wait3A_49] : memref<320000xi32, #tpu.memory_space<hbm>> -> memref<176xi32, #tpu.memory_space<hbm>>
    %dma_wait3A_51 = arith.constant 0 : i32
    %dma_wait3A_52 = tpu.memref_slice %arg4[%dma_wait3A_51] : memref<320000xi32, #tpu.memory_space<hbm>> -> memref<176xi32, #tpu.memory_space<hbm>>
    tpu.wait_dma2 semaphore(%arg23 : memref<!tpu.dma_semaphore, #tpu.memory_space<semaphore_mem>>) src(%dma_wait3A_52 : memref<176xi32, #tpu.memory_space<hbm>>) dst(%arg12 : memref<176xi32, #tpu.memory_space<vmem>>)
    %dma_start3A_53 = arith.constant 0 : i32
    %dma_start3A_54 = arith.constant 0 : i32
    %dma_start3A_55 = tpu.memref_slice %arg2[%dma_start3A_53, %dma_start3A_54] : memref<10000x128xf32, #tpu.memory_space<hbm>> -> memref<10000x128xf32, #tpu.memory_space<hbm>>
    tpu.enqueue_indirect_dma source(%dma_start3A_55 : memref<10000x128xf32, #tpu.memory_space<hbm>>) target(%arg16 : memref<176x128xf32, #tpu.memory_space<vmem>>) offsets(%arg8 : memref<176xi32, #tpu.memory_space<vmem>>) semaphore(%arg27 : memref<!tpu.dma_semaphore, #tpu.memory_space<semaphore_mem>>)
    %scan3A_56 = arith.constant 0 : i32
    %scan3A_57 = arith.constant 0 : i32
    %scan3A_58 = arith.constant 14 : i32
    %scan3A_59 = arith.addi %scan3A_57, %scan3A_58 : i32
    %scan3A_60 = arith.constant 1 : i32
    %scan3A_61 = scf.for %scan3A_133 = %scan3A_57 to %scan3A_59 step %scan3A_60 iter_args(%scan3A_134 = %scan3A_56) -> (i32)  : i32 {
      %dma_wait3A_135 = arith.constant 0 : i32
      %dma_wait3A_136 = arith.constant 0 : i32
      %dma_wait3A_137 = tpu.memref_slice %arg2[%dma_wait3A_135, %dma_wait3A_136] : memref<10000x128xf32, #tpu.memory_space<hbm>> -> memref<10000x128xf32, #tpu.memory_space<hbm>>
      tpu.wait_indirect_dma semaphore(%arg27 : memref<!tpu.dma_semaphore, #tpu.memory_space<semaphore_mem>>) src(%dma_wait3A_137 : memref<10000x128xf32, #tpu.memory_space<hbm>>) dst(%arg16 : memref<176x128xf32, #tpu.memory_space<vmem>>)
      %mul3A_138 = arith.constant 4 : i32
      %mul3A_139 = arith.muli %mul3A_138, %scan3A_133 : i32
      %add3A_140 = arith.constant 0 : i32
      %add3A_141 = arith.addi %mul3A_139, %add3A_140 : i32
      %add3A_142 = arith.constant 2 : i32
      %add3A_143 = arith.addi %add3A_141, %add3A_142 : i32
      %mul3A_144 = arith.constant 176 : i32
      %mul3A_145 = arith.muli %add3A_143, %mul3A_144 : i32
      %add3A_146 = arith.addi %mul3A_4, %mul3A_145 : i32
      %dma_start3A_147 = tpu.memref_slice %arg3[%add3A_146] : memref<320000xi32, #tpu.memory_space<hbm>> -> memref<176xi32, #tpu.memory_space<hbm>>
      %dma_start3A_148 = tpu.memref_slice %arg3[%add3A_146] : memref<320000xi32, #tpu.memory_space<hbm>> -> memref<176xi32, #tpu.memory_space<hbm>>
      tpu.enqueue_dma source(%dma_start3A_148 : memref<176xi32, #tpu.memory_space<hbm>>) target(%arg10 : memref<176xi32, #tpu.memory_space<vmem>>) target_semaphore(%arg21 : memref<!tpu.dma_semaphore, #tpu.memory_space<semaphore_mem>>)
      %dma_start3A_149 = tpu.memref_slice %arg4[%add3A_146] : memref<320000xi32, #tpu.memory_space<hbm>> -> memref<176xi32, #tpu.memory_space<hbm>>
      %dma_start3A_150 = tpu.memref_slice %arg4[%add3A_146] : memref<320000xi32, #tpu.memory_space<hbm>> -> memref<176xi32, #tpu.memory_space<hbm>>
      tpu.enqueue_dma source(%dma_start3A_150 : memref<176xi32, #tpu.memory_space<hbm>>) target(%arg14 : memref<176xi32, #tpu.memory_space<vmem>>) target_semaphore(%arg25 : memref<!tpu.dma_semaphore, #tpu.memory_space<semaphore_mem>>)
      %dma_start3A_151 = arith.constant 0 : i32
      %dma_start3A_152 = arith.constant 0 : i32
      %dma_start3A_153 = tpu.memref_slice %arg7[%dma_start3A_151, %dma_start3A_152] : memref<10112x128xf32, #tpu.memory_space<vmem_shared>> -> memref<10112x128xf32, #tpu.memory_space<vmem_shared>>
      tpu.enqueue_indirect_dma source(%arg16 : memref<176x128xf32, #tpu.memory_space<vmem>>) target(%dma_start3A_153 : memref<10112x128xf32, #tpu.memory_space<vmem_shared>>) offsets(%arg12 : memref<176xi32, #tpu.memory_space<vmem>>) semaphore(%arg29 : memref<!tpu.dma_semaphore, #tpu.memory_space<semaphore_mem>>) {add = true}
      %dma_start3A_154 = arith.constant 0 : i32
      %dma_start3A_155 = tpu.memref_slice %arg32[%dma_start3A_154] : memref<192xf32, #tpu.memory_space<vmem>> -> memref<176xf32, #tpu.memory_space<vmem>>
      %dma_start3A_156 = arith.constant 0 : i32
      %dma_start3A_157 = tpu.memref_slice %arg31[%dma_start3A_156] : memref<10240xf32, #tpu.memory_space<vmem_shared>> -> memref<10240xf32, #tpu.memory_space<vmem_shared>>
      tpu.enqueue_indirect_dma source(%dma_start3A_155 : memref<176xf32, #tpu.memory_space<vmem>>) target(%dma_start3A_157 : memref<10240xf32, #tpu.memory_space<vmem_shared>>) offsets(%arg12 : memref<176xi32, #tpu.memory_space<vmem>>) semaphore(%arg34 : memref<!tpu.dma_semaphore, #tpu.memory_space<semaphore_mem>>) {add = true}
      %gt3A = arith.constant 0 : i32
      %gt3A_158 = arith.cmpi sgt, %scan3A_133, %gt3A : i32
      %convert_element_type3A = arith.extui %gt3A_158 : i1 to i32
      %cond3A = arith.constant 0 : i32
      %cond3A_159 = arith.cmpi ne, %convert_element_type3A, %cond3A : i32
      scf.if %cond3A_159 {
        %dma_wait3A_272 = arith.constant 0 : i32
        %dma_wait3A_273 = arith.constant 0 : i32
        %dma_wait3A_274 = tpu.memref_slice %arg7[%dma_wait3A_272, %dma_wait3A_273] : memref<10112x128xf32, #tpu.memory_space<vmem_shared>> -> memref<10112x128xf32, #tpu.memory_space<vmem_shared>>
        tpu.wait_indirect_dma semaphore(%arg30 : memref<!tpu.dma_semaphore, #tpu.memory_space<semaphore_mem>>) src(%arg17 : memref<176x128xf32, #tpu.memory_space<vmem>>) dst(%dma_wait3A_274 : memref<10112x128xf32, #tpu.memory_space<vmem_shared>>)
        %dma_wait3A_275 = arith.constant 0 : i32
        %dma_wait3A_276 = tpu.memref_slice %arg32[%dma_wait3A_275] : memref<192xf32, #tpu.memory_space<vmem>> -> memref<176xf32, #tpu.memory_space<vmem>>
        %dma_wait3A_277 = arith.constant 0 : i32
        %dma_wait3A_278 = tpu.memref_slice %arg31[%dma_wait3A_277] : memref<10240xf32, #tpu.memory_space<vmem_shared>> -> memref<10240xf32, #tpu.memory_space<vmem_shared>>
        tpu.wait_indirect_dma semaphore(%arg35 : memref<!tpu.dma_semaphore, #tpu.memory_space<semaphore_mem>>) src(%dma_wait3A_276 : memref<176xf32, #tpu.memory_space<vmem>>) dst(%dma_wait3A_278 : memref<10240xf32, #tpu.memory_space<vmem_shared>>)
      } else {
      }
      %dma_wait3A_160 = arith.constant 0 : i32
      %dma_wait3A_161 = tpu.memref_slice %arg3[%dma_wait3A_160] : memref<320000xi32, #tpu.memory_space<hbm>> -> memref<176xi32, #tpu.memory_space<hbm>>
      %dma_wait3A_162 = arith.constant 0 : i32
      %dma_wait3A_163 = tpu.memref_slice %arg3[%dma_wait3A_162] : memref<320000xi32, #tpu.memory_space<hbm>> -> memref<176xi32, #tpu.memory_space<hbm>>
      tpu.wait_dma2 semaphore(%arg20 : memref<!tpu.dma_semaphore, #tpu.memory_space<semaphore_mem>>) src(%dma_wait3A_163 : memref<176xi32, #tpu.memory_space<hbm>>) dst(%arg9 : memref<176xi32, #tpu.memory_space<vmem>>)
      %dma_wait3A_164 = arith.constant 0 : i32
      %dma_wait3A_165 = tpu.memref_slice %arg4[%dma_wait3A_164] : memref<320000xi32, #tpu.memory_space<hbm>> -> memref<176xi32, #tpu.memory_space<hbm>>
      %dma_wait3A_166 = arith.constant 0 : i32
      %dma_wait3A_167 = tpu.memref_slice %arg4[%dma_wait3A_166] : memref<320000xi32, #tpu.memory_space<hbm>> -> memref<176xi32, #tpu.memory_space<hbm>>
      tpu.wait_dma2 semaphore(%arg24 : memref<!tpu.dma_semaphore, #tpu.memory_space<semaphore_mem>>) src(%dma_wait3A_167 : memref<176xi32, #tpu.memory_space<hbm>>) dst(%arg13 : memref<176xi32, #tpu.memory_space<vmem>>)
      %dma_start3A_168 = arith.constant 0 : i32
      %dma_start3A_169 = arith.constant 0 : i32
      %dma_start3A_170 = tpu.memref_slice %arg2[%dma_start3A_168, %dma_start3A_169] : memref<10000x128xf32, #tpu.memory_space<hbm>> -> memref<10000x128xf32, #tpu.memory_space<hbm>>
      tpu.enqueue_indirect_dma source(%dma_start3A_170 : memref<10000x128xf32, #tpu.memory_space<hbm>>) target(%arg17 : memref<176x128xf32, #tpu.memory_space<vmem>>) offsets(%arg9 : memref<176xi32, #tpu.memory_space<vmem>>) semaphore(%arg28 : memref<!tpu.dma_semaphore, #tpu.memory_space<semaphore_mem>>)
      %dma_wait3A_171 = arith.constant 0 : i32
      %dma_wait3A_172 = arith.constant 0 : i32
      %dma_wait3A_173 = tpu.memref_slice %arg2[%dma_wait3A_171, %dma_wait3A_172] : memref<10000x128xf32, #tpu.memory_space<hbm>> -> memref<10000x128xf32, #tpu.memory_space<hbm>>
      tpu.wait_indirect_dma semaphore(%arg28 : memref<!tpu.dma_semaphore, #tpu.memory_space<semaphore_mem>>) src(%dma_wait3A_173 : memref<10000x128xf32, #tpu.memory_space<hbm>>) dst(%arg17 : memref<176x128xf32, #tpu.memory_space<vmem>>)
      %mul3A_174 = arith.constant 4 : i32
      %mul3A_175 = arith.muli %mul3A_174, %scan3A_133 : i32
      %add3A_176 = arith.constant 1 : i32
      %add3A_177 = arith.addi %mul3A_175, %add3A_176 : i32
      %add3A_178 = arith.constant 2 : i32
      %add3A_179 = arith.addi %add3A_177, %add3A_178 : i32
      %mul3A_180 = arith.constant 176 : i32
      %mul3A_181 = arith.muli %add3A_179, %mul3A_180 : i32
      %add3A_182 = arith.addi %mul3A_4, %mul3A_181 : i32
      %dma_start3A_183 = tpu.memref_slice %arg3[%add3A_182] : memref<320000xi32, #tpu.memory_space<hbm>> -> memref<176xi32, #tpu.memory_space<hbm>>
      %dma_start3A_184 = tpu.memref_slice %arg3[%add3A_182] : memref<320000xi32, #tpu.memory_space<hbm>> -> memref<176xi32, #tpu.memory_space<hbm>>
      tpu.enqueue_dma source(%dma_start3A_184 : memref<176xi32, #tpu.memory_space<hbm>>) target(%arg11 : memref<176xi32, #tpu.memory_space<vmem>>) target_semaphore(%arg22 : memref<!tpu.dma_semaphore, #tpu.memory_space<semaphore_mem>>)
      %dma_start3A_185 = tpu.memref_slice %arg4[%add3A_182] : memref<320000xi32, #tpu.memory_space<hbm>> -> memref<176xi32, #tpu.memory_space<hbm>>
      %dma_start3A_186 = tpu.memref_slice %arg4[%add3A_182] : memref<320000xi32, #tpu.memory_space<hbm>> -> memref<176xi32, #tpu.memory_space<hbm>>
      tpu.enqueue_dma source(%dma_start3A_186 : memref<176xi32, #tpu.memory_space<hbm>>) target(%arg15 : memref<176xi32, #tpu.memory_space<vmem>>) target_semaphore(%arg26 : memref<!tpu.dma_semaphore, #tpu.memory_space<semaphore_mem>>)
      %dma_start3A_187 = arith.constant 0 : i32
      %dma_start3A_188 = arith.constant 0 : i32
      %dma_start3A_189 = tpu.memref_slice %arg7[%dma_start3A_187, %dma_start3A_188] : memref<10112x128xf32, #tpu.memory_space<vmem_shared>> -> memref<10112x128xf32, #tpu.memory_space<vmem_shared>>
      tpu.enqueue_indirect_dma source(%arg17 : memref<176x128xf32, #tpu.memory_space<vmem>>) target(%dma_start3A_189 : memref<10112x128xf32, #tpu.memory_space<vmem_shared>>) offsets(%arg13 : memref<176xi32, #tpu.memory_space<vmem>>) semaphore(%arg30 : memref<!tpu.dma_semaphore, #tpu.memory_space<semaphore_mem>>) {add = true}
      %dma_start3A_190 = arith.constant 0 : i32
      %dma_start3A_191 = tpu.memref_slice %arg32[%dma_start3A_190] : memref<192xf32, #tpu.memory_space<vmem>> -> memref<176xf32, #tpu.memory_space<vmem>>
      %dma_start3A_192 = arith.constant 0 : i32
      %dma_start3A_193 = tpu.memref_slice %arg31[%dma_start3A_192] : memref<10240xf32, #tpu.memory_space<vmem_shared>> -> memref<10240xf32, #tpu.memory_space<vmem_shared>>
      tpu.enqueue_indirect_dma source(%dma_start3A_191 : memref<176xf32, #tpu.memory_space<vmem>>) target(%dma_start3A_193 : memref<10240xf32, #tpu.memory_space<vmem_shared>>) offsets(%arg13 : memref<176xi32, #tpu.memory_space<vmem>>) semaphore(%arg35 : memref<!tpu.dma_semaphore, #tpu.memory_space<semaphore_mem>>) {add = true}
      %dma_wait3A_194 = arith.constant 0 : i32
      %dma_wait3A_195 = arith.constant 0 : i32
      %dma_wait3A_196 = tpu.memref_slice %arg7[%dma_wait3A_194, %dma_wait3A_195] : memref<10112x128xf32, #tpu.memory_space<vmem_shared>> -> memref<10112x128xf32, #tpu.memory_space<vmem_shared>>
      tpu.wait_indirect_dma semaphore(%arg29 : memref<!tpu.dma_semaphore, #tpu.memory_space<semaphore_mem>>) src(%arg16 : memref<176x128xf32, #tpu.memory_space<vmem>>) dst(%dma_wait3A_196 : memref<10112x128xf32, #tpu.memory_space<vmem_shared>>)
      %dma_wait3A_197 = arith.constant 0 : i32
      %dma_wait3A_198 = tpu.memref_slice %arg32[%dma_wait3A_197] : memref<192xf32, #tpu.memory_space<vmem>> -> memref<176xf32, #tpu.memory_space<vmem>>
      %dma_wait3A_199 = arith.constant 0 : i32
      %dma_wait3A_200 = tpu.memref_slice %arg31[%dma_wait3A_199] : memref<10240xf32, #tpu.memory_space<vmem_shared>> -> memref<10240xf32, #tpu.memory_space<vmem_shared>>
      tpu.wait_indirect_dma semaphore(%arg34 : memref<!tpu.dma_semaphore, #tpu.memory_space<semaphore_mem>>) src(%dma_wait3A_198 : memref<176xf32, #tpu.memory_space<vmem>>) dst(%dma_wait3A_200 : memref<10240xf32, #tpu.memory_space<vmem_shared>>)
      %dma_wait3A_201 = arith.constant 0 : i32
      %dma_wait3A_202 = tpu.memref_slice %arg3[%dma_wait3A_201] : memref<320000xi32, #tpu.memory_space<hbm>> -> memref<176xi32, #tpu.memory_space<hbm>>
      %dma_wait3A_203 = arith.constant 0 : i32
      %dma_wait3A_204 = tpu.memref_slice %arg3[%dma_wait3A_203] : memref<320000xi32, #tpu.memory_space<hbm>> -> memref<176xi32, #tpu.memory_space<hbm>>
      tpu.wait_dma2 semaphore(%arg21 : memref<!tpu.dma_semaphore, #tpu.memory_space<semaphore_mem>>) src(%dma_wait3A_204 : memref<176xi32, #tpu.memory_space<hbm>>) dst(%arg10 : memref<176xi32, #tpu.memory_space<vmem>>)
      %dma_wait3A_205 = arith.constant 0 : i32
      %dma_wait3A_206 = tpu.memref_slice %arg4[%dma_wait3A_205] : memref<320000xi32, #tpu.memory_space<hbm>> -> memref<176xi32, #tpu.memory_space<hbm>>
      %dma_wait3A_207 = arith.constant 0 : i32
      %dma_wait3A_208 = tpu.memref_slice %arg4[%dma_wait3A_207] : memref<320000xi32, #tpu.memory_space<hbm>> -> memref<176xi32, #tpu.memory_space<hbm>>
      tpu.wait_dma2 semaphore(%arg25 : memref<!tpu.dma_semaphore, #tpu.memory_space<semaphore_mem>>) src(%dma_wait3A_208 : memref<176xi32, #tpu.memory_space<hbm>>) dst(%arg14 : memref<176xi32, #tpu.memory_space<vmem>>)
      %dma_start3A_209 = arith.constant 0 : i32
      %dma_start3A_210 = arith.constant 0 : i32
      %dma_start3A_211 = tpu.memref_slice %arg2[%dma_start3A_209, %dma_start3A_210] : memref<10000x128xf32, #tpu.memory_space<hbm>> -> memref<10000x128xf32, #tpu.memory_space<hbm>>
      tpu.enqueue_indirect_dma source(%dma_start3A_211 : memref<10000x128xf32, #tpu.memory_space<hbm>>) target(%arg16 : memref<176x128xf32, #tpu.memory_space<vmem>>) offsets(%arg10 : memref<176xi32, #tpu.memory_space<vmem>>) semaphore(%arg27 : memref<!tpu.dma_semaphore, #tpu.memory_space<semaphore_mem>>)
      %dma_wait3A_212 = arith.constant 0 : i32
      %dma_wait3A_213 = arith.constant 0 : i32
      %dma_wait3A_214 = tpu.memref_slice %arg2[%dma_wait3A_212, %dma_wait3A_213] : memref<10000x128xf32, #tpu.memory_space<hbm>> -> memref<10000x128xf32, #tpu.memory_space<hbm>>
      tpu.wait_indirect_dma semaphore(%arg27 : memref<!tpu.dma_semaphore, #tpu.memory_space<semaphore_mem>>) src(%dma_wait3A_214 : memref<10000x128xf32, #tpu.memory_space<hbm>>) dst(%arg16 : memref<176x128xf32, #tpu.memory_space<vmem>>)
      %lt3A = arith.constant 13 : i32
      %lt3A_215 = arith.cmpi slt, %scan3A_133, %lt3A : i32
      %convert_element_type3A_216 = arith.extui %lt3A_215 : i1 to i32
      %cond3A_217 = arith.constant 0 : i32
      %cond3A_218 = arith.cmpi ne, %convert_element_type3A_216, %cond3A_217 : i32
      scf.if %cond3A_218 {
        %mul3A_272 = arith.constant 4 : i32
        %mul3A_273 = arith.muli %mul3A_272, %scan3A_133 : i32
        %add3A_274 = arith.constant 2 : i32
        %add3A_275 = arith.addi %mul3A_273, %add3A_274 : i32
        %add3A_276 = arith.constant 2 : i32
        %add3A_277 = arith.addi %add3A_275, %add3A_276 : i32
        %mul3A_278 = arith.constant 176 : i32
        %mul3A_279 = arith.muli %add3A_277, %mul3A_278 : i32
        %add3A_280 = arith.addi %mul3A_4, %mul3A_279 : i32
        %dma_start3A_281 = tpu.memref_slice %arg3[%add3A_280] : memref<320000xi32, #tpu.memory_space<hbm>> -> memref<176xi32, #tpu.memory_space<hbm>>
        %dma_start3A_282 = tpu.memref_slice %arg3[%add3A_280] : memref<320000xi32, #tpu.memory_space<hbm>> -> memref<176xi32, #tpu.memory_space<hbm>>
        tpu.enqueue_dma source(%dma_start3A_282 : memref<176xi32, #tpu.memory_space<hbm>>) target(%arg8 : memref<176xi32, #tpu.memory_space<vmem>>) target_semaphore(%arg19 : memref<!tpu.dma_semaphore, #tpu.memory_space<semaphore_mem>>)
        %dma_start3A_283 = tpu.memref_slice %arg4[%add3A_280] : memref<320000xi32, #tpu.memory_space<hbm>> -> memref<176xi32, #tpu.memory_space<hbm>>
        %dma_start3A_284 = tpu.memref_slice %arg4[%add3A_280] : memref<320000xi32, #tpu.memory_space<hbm>> -> memref<176xi32, #tpu.memory_space<hbm>>
        tpu.enqueue_dma source(%dma_start3A_284 : memref<176xi32, #tpu.memory_space<hbm>>) target(%arg12 : memref<176xi32, #tpu.memory_space<vmem>>) target_semaphore(%arg23 : memref<!tpu.dma_semaphore, #tpu.memory_space<semaphore_mem>>)
      } else {
      }
      %dma_start3A_219 = arith.constant 0 : i32
      %dma_start3A_220 = arith.constant 0 : i32
      %dma_start3A_221 = tpu.memref_slice %arg7[%dma_start3A_219, %dma_start3A_220] : memref<10112x128xf32, #tpu.memory_space<vmem_shared>> -> memref<10112x128xf32, #tpu.memory_space<vmem_shared>>
      tpu.enqueue_indirect_dma source(%arg16 : memref<176x128xf32, #tpu.memory_space<vmem>>) target(%dma_start3A_221 : memref<10112x128xf32, #tpu.memory_space<vmem_shared>>) offsets(%arg14 : memref<176xi32, #tpu.memory_space<vmem>>) semaphore(%arg29 : memref<!tpu.dma_semaphore, #tpu.memory_space<semaphore_mem>>) {add = true}
      %dma_start3A_222 = arith.constant 0 : i32
      %dma_start3A_223 = tpu.memref_slice %arg32[%dma_start3A_222] : memref<192xf32, #tpu.memory_space<vmem>> -> memref<176xf32, #tpu.memory_space<vmem>>
      %dma_start3A_224 = arith.constant 0 : i32
      %dma_start3A_225 = tpu.memref_slice %arg31[%dma_start3A_224] : memref<10240xf32, #tpu.memory_space<vmem_shared>> -> memref<10240xf32, #tpu.memory_space<vmem_shared>>
      tpu.enqueue_indirect_dma source(%dma_start3A_223 : memref<176xf32, #tpu.memory_space<vmem>>) target(%dma_start3A_225 : memref<10240xf32, #tpu.memory_space<vmem_shared>>) offsets(%arg14 : memref<176xi32, #tpu.memory_space<vmem>>) semaphore(%arg34 : memref<!tpu.dma_semaphore, #tpu.memory_space<semaphore_mem>>) {add = true}
      %dma_wait3A_226 = arith.constant 0 : i32
      %dma_wait3A_227 = arith.constant 0 : i32
      %dma_wait3A_228 = tpu.memref_slice %arg7[%dma_wait3A_226, %dma_wait3A_227] : memref<10112x128xf32, #tpu.memory_space<vmem_shared>> -> memref<10112x128xf32, #tpu.memory_space<vmem_shared>>
      tpu.wait_indirect_dma semaphore(%arg30 : memref<!tpu.dma_semaphore, #tpu.memory_space<semaphore_mem>>) src(%arg17 : memref<176x128xf32, #tpu.memory_space<vmem>>) dst(%dma_wait3A_228 : memref<10112x128xf32, #tpu.memory_space<vmem_shared>>)
      %dma_wait3A_229 = arith.constant 0 : i32
      %dma_wait3A_230 = tpu.memref_slice %arg32[%dma_wait3A_229] : memref<192xf32, #tpu.memory_space<vmem>> -> memref<176xf32, #tpu.memory_space<vmem>>
      %dma_wait3A_231 = arith.constant 0 : i32
      %dma_wait3A_232 = tpu.memref_slice %arg31[%dma_wait3A_231] : memref<10240xf32, #tpu.memory_space<vmem_shared>> -> memref<10240xf32, #tpu.memory_space<vmem_shared>>
      tpu.wait_indirect_dma semaphore(%arg35 : memref<!tpu.dma_semaphore, #tpu.memory_space<semaphore_mem>>) src(%dma_wait3A_230 : memref<176xf32, #tpu.memory_space<vmem>>) dst(%dma_wait3A_232 : memref<10240xf32, #tpu.memory_space<vmem_shared>>)
      %dma_wait3A_233 = arith.constant 0 : i32
      %dma_wait3A_234 = tpu.memref_slice %arg3[%dma_wait3A_233] : memref<320000xi32, #tpu.memory_space<hbm>> -> memref<176xi32, #tpu.memory_space<hbm>>
      %dma_wait3A_235 = arith.constant 0 : i32
      %dma_wait3A_236 = tpu.memref_slice %arg3[%dma_wait3A_235] : memref<320000xi32, #tpu.memory_space<hbm>> -> memref<176xi32, #tpu.memory_space<hbm>>
      tpu.wait_dma2 semaphore(%arg22 : memref<!tpu.dma_semaphore, #tpu.memory_space<semaphore_mem>>) src(%dma_wait3A_236 : memref<176xi32, #tpu.memory_space<hbm>>) dst(%arg11 : memref<176xi32, #tpu.memory_space<vmem>>)
      %dma_wait3A_237 = arith.constant 0 : i32
      %dma_wait3A_238 = tpu.memref_slice %arg4[%dma_wait3A_237] : memref<320000xi32, #tpu.memory_space<hbm>> -> memref<176xi32, #tpu.memory_space<hbm>>
      %dma_wait3A_239 = arith.constant 0 : i32
      %dma_wait3A_240 = tpu.memref_slice %arg4[%dma_wait3A_239] : memref<320000xi32, #tpu.memory_space<hbm>> -> memref<176xi32, #tpu.memory_space<hbm>>
      tpu.wait_dma2 semaphore(%arg26 : memref<!tpu.dma_semaphore, #tpu.memory_space<semaphore_mem>>) src(%dma_wait3A_240 : memref<176xi32, #tpu.memory_space<hbm>>) dst(%arg15 : memref<176xi32, #tpu.memory_space<vmem>>)
      %dma_start3A_241 = arith.constant 0 : i32
      %dma_start3A_242 = arith.constant 0 : i32
      %dma_start3A_243 = tpu.memref_slice %arg2[%dma_start3A_241, %dma_start3A_242] : memref<10000x128xf32, #tpu.memory_space<hbm>> -> memref<10000x128xf32, #tpu.memory_space<hbm>>
      tpu.enqueue_indirect_dma source(%dma_start3A_243 : memref<10000x128xf32, #tpu.memory_space<hbm>>) target(%arg17 : memref<176x128xf32, #tpu.memory_space<vmem>>) offsets(%arg11 : memref<176xi32, #tpu.memory_space<vmem>>) semaphore(%arg28 : memref<!tpu.dma_semaphore, #tpu.memory_space<semaphore_mem>>)
      %dma_wait3A_244 = arith.constant 0 : i32
      %dma_wait3A_245 = arith.constant 0 : i32
      %dma_wait3A_246 = tpu.memref_slice %arg2[%dma_wait3A_244, %dma_wait3A_245] : memref<10000x128xf32, #tpu.memory_space<hbm>> -> memref<10000x128xf32, #tpu.memory_space<hbm>>
      tpu.wait_indirect_dma semaphore(%arg28 : memref<!tpu.dma_semaphore, #tpu.memory_space<semaphore_mem>>) src(%dma_wait3A_246 : memref<10000x128xf32, #tpu.memory_space<hbm>>) dst(%arg17 : memref<176x128xf32, #tpu.memory_space<vmem>>)
      %lt3A_247 = arith.constant 13 : i32
      %lt3A_248 = arith.cmpi slt, %scan3A_133, %lt3A_247 : i32
      %convert_element_type3A_249 = arith.extui %lt3A_248 : i1 to i32
      %cond3A_250 = arith.constant 0 : i32
      %cond3A_251 = arith.cmpi ne, %convert_element_type3A_249, %cond3A_250 : i32
      scf.if %cond3A_251 {
        %mul3A_272 = arith.constant 4 : i32
        %mul3A_273 = arith.muli %mul3A_272, %scan3A_133 : i32
        %add3A_274 = arith.constant 3 : i32
        %add3A_275 = arith.addi %mul3A_273, %add3A_274 : i32
        %add3A_276 = arith.constant 2 : i32
        %add3A_277 = arith.addi %add3A_275, %add3A_276 : i32
        %mul3A_278 = arith.constant 176 : i32
        %mul3A_279 = arith.muli %add3A_277, %mul3A_278 : i32
        %add3A_280 = arith.addi %mul3A_4, %mul3A_279 : i32
        %dma_start3A_281 = tpu.memref_slice %arg3[%add3A_280] : memref<320000xi32, #tpu.memory_space<hbm>> -> memref<176xi32, #tpu.memory_space<hbm>>
        %dma_start3A_282 = tpu.memref_slice %arg3[%add3A_280] : memref<320000xi32, #tpu.memory_space<hbm>> -> memref<176xi32, #tpu.memory_space<hbm>>
        tpu.enqueue_dma source(%dma_start3A_282 : memref<176xi32, #tpu.memory_space<hbm>>) target(%arg9 : memref<176xi32, #tpu.memory_space<vmem>>) target_semaphore(%arg20 : memref<!tpu.dma_semaphore, #tpu.memory_space<semaphore_mem>>)
        %dma_start3A_283 = tpu.memref_slice %arg4[%add3A_280] : memref<320000xi32, #tpu.memory_space<hbm>> -> memref<176xi32, #tpu.memory_space<hbm>>
        %dma_start3A_284 = tpu.memref_slice %arg4[%add3A_280] : memref<320000xi32, #tpu.memory_space<hbm>> -> memref<176xi32, #tpu.memory_space<hbm>>
        tpu.enqueue_dma source(%dma_start3A_284 : memref<176xi32, #tpu.memory_space<hbm>>) target(%arg13 : memref<176xi32, #tpu.memory_space<vmem>>) target_semaphore(%arg24 : memref<!tpu.dma_semaphore, #tpu.memory_space<semaphore_mem>>)
      } else {
      }
      %dma_start3A_252 = arith.constant 0 : i32
      %dma_start3A_253 = arith.constant 0 : i32
      %dma_start3A_254 = tpu.memref_slice %arg7[%dma_start3A_252, %dma_start3A_253] : memref<10112x128xf32, #tpu.memory_space<vmem_shared>> -> memref<10112x128xf32, #tpu.memory_space<vmem_shared>>
      tpu.enqueue_indirect_dma source(%arg17 : memref<176x128xf32, #tpu.memory_space<vmem>>) target(%dma_start3A_254 : memref<10112x128xf32, #tpu.memory_space<vmem_shared>>) offsets(%arg15 : memref<176xi32, #tpu.memory_space<vmem>>) semaphore(%arg30 : memref<!tpu.dma_semaphore, #tpu.memory_space<semaphore_mem>>) {add = true}
      %dma_start3A_255 = arith.constant 0 : i32
      %dma_start3A_256 = tpu.memref_slice %arg32[%dma_start3A_255] : memref<192xf32, #tpu.memory_space<vmem>> -> memref<176xf32, #tpu.memory_space<vmem>>
      %dma_start3A_257 = arith.constant 0 : i32
      %dma_start3A_258 = tpu.memref_slice %arg31[%dma_start3A_257] : memref<10240xf32, #tpu.memory_space<vmem_shared>> -> memref<10240xf32, #tpu.memory_space<vmem_shared>>
      tpu.enqueue_indirect_dma source(%dma_start3A_256 : memref<176xf32, #tpu.memory_space<vmem>>) target(%dma_start3A_258 : memref<10240xf32, #tpu.memory_space<vmem_shared>>) offsets(%arg15 : memref<176xi32, #tpu.memory_space<vmem>>) semaphore(%arg35 : memref<!tpu.dma_semaphore, #tpu.memory_space<semaphore_mem>>) {add = true}
      %dma_wait3A_259 = arith.constant 0 : i32
      %dma_wait3A_260 = arith.constant 0 : i32
      %dma_wait3A_261 = tpu.memref_slice %arg7[%dma_wait3A_259, %dma_wait3A_260] : memref<10112x128xf32, #tpu.memory_space<vmem_shared>> -> memref<10112x128xf32, #tpu.memory_space<vmem_shared>>
      tpu.wait_indirect_dma semaphore(%arg29 : memref<!tpu.dma_semaphore, #tpu.memory_space<semaphore_mem>>) src(%arg16 : memref<176x128xf32, #tpu.memory_space<vmem>>) dst(%dma_wait3A_261 : memref<10112x128xf32, #tpu.memory_space<vmem_shared>>)
      %dma_wait3A_262 = arith.constant 0 : i32
      %dma_wait3A_263 = tpu.memref_slice %arg32[%dma_wait3A_262] : memref<192xf32, #tpu.memory_space<vmem>> -> memref<176xf32, #tpu.memory_space<vmem>>
      %dma_wait3A_264 = arith.constant 0 : i32
      %dma_wait3A_265 = tpu.memref_slice %arg31[%dma_wait3A_264] : memref<10240xf32, #tpu.memory_space<vmem_shared>> -> memref<10240xf32, #tpu.memory_space<vmem_shared>>
      tpu.wait_indirect_dma semaphore(%arg34 : memref<!tpu.dma_semaphore, #tpu.memory_space<semaphore_mem>>) src(%dma_wait3A_263 : memref<176xf32, #tpu.memory_space<vmem>>) dst(%dma_wait3A_265 : memref<10240xf32, #tpu.memory_space<vmem_shared>>)
      %lt3A_266 = arith.constant 13 : i32
      %lt3A_267 = arith.cmpi slt, %scan3A_133, %lt3A_266 : i32
      %convert_element_type3A_268 = arith.extui %lt3A_267 : i1 to i32
      %cond3A_269 = arith.constant 0 : i32
      %cond3A_270 = arith.cmpi ne, %convert_element_type3A_268, %cond3A_269 : i32
      scf.if %cond3A_270 {
        %dma_wait3A_272 = arith.constant 0 : i32
        %dma_wait3A_273 = tpu.memref_slice %arg3[%dma_wait3A_272] : memref<320000xi32, #tpu.memory_space<hbm>> -> memref<176xi32, #tpu.memory_space<hbm>>
        %dma_wait3A_274 = arith.constant 0 : i32
        %dma_wait3A_275 = tpu.memref_slice %arg3[%dma_wait3A_274] : memref<320000xi32, #tpu.memory_space<hbm>> -> memref<176xi32, #tpu.memory_space<hbm>>
        tpu.wait_dma2 semaphore(%arg19 : memref<!tpu.dma_semaphore, #tpu.memory_space<semaphore_mem>>) src(%dma_wait3A_275 : memref<176xi32, #tpu.memory_space<hbm>>) dst(%arg8 : memref<176xi32, #tpu.memory_space<vmem>>)
        %dma_wait3A_276 = arith.constant 0 : i32
        %dma_wait3A_277 = tpu.memref_slice %arg4[%dma_wait3A_276] : memref<320000xi32, #tpu.memory_space<hbm>> -> memref<176xi32, #tpu.memory_space<hbm>>
        %dma_wait3A_278 = arith.constant 0 : i32
        %dma_wait3A_279 = tpu.memref_slice %arg4[%dma_wait3A_278] : memref<320000xi32, #tpu.memory_space<hbm>> -> memref<176xi32, #tpu.memory_space<hbm>>
        tpu.wait_dma2 semaphore(%arg23 : memref<!tpu.dma_semaphore, #tpu.memory_space<semaphore_mem>>) src(%dma_wait3A_279 : memref<176xi32, #tpu.memory_space<hbm>>) dst(%arg12 : memref<176xi32, #tpu.memory_space<vmem>>)
        %dma_start3A_280 = arith.constant 0 : i32
        %dma_start3A_281 = arith.constant 0 : i32
        %dma_start3A_282 = tpu.memref_slice %arg2[%dma_start3A_280, %dma_start3A_281] : memref<10000x128xf32, #tpu.memory_space<hbm>> -> memref<10000x128xf32, #tpu.memory_space<hbm>>
        tpu.enqueue_indirect_dma source(%dma_start3A_282 : memref<10000x128xf32, #tpu.memory_space<hbm>>) target(%arg16 : memref<176x128xf32, #tpu.memory_space<vmem>>) offsets(%arg8 : memref<176xi32, #tpu.memory_space<vmem>>) semaphore(%arg27 : memref<!tpu.dma_semaphore, #tpu.memory_space<semaphore_mem>>)
      } else {
      }
      %scan3A_271 = arith.constant 0 : i32
      scf.yield %scan3A_271 : i32
    }
    %scan3A_62 = arith.constant 14 : i32
    %dma_wait3A_63 = arith.constant 0 : i32
    %dma_wait3A_64 = arith.constant 0 : i32
    %dma_wait3A_65 = tpu.memref_slice %arg7[%dma_wait3A_63, %dma_wait3A_64] : memref<10112x128xf32, #tpu.memory_space<vmem_shared>> -> memref<10112x128xf32, #tpu.memory_space<vmem_shared>>
    tpu.wait_indirect_dma semaphore(%arg30 : memref<!tpu.dma_semaphore, #tpu.memory_space<semaphore_mem>>) src(%arg17 : memref<176x128xf32, #tpu.memory_space<vmem>>) dst(%dma_wait3A_65 : memref<10112x128xf32, #tpu.memory_space<vmem_shared>>)
    %dma_wait3A_66 = arith.constant 0 : i32
    %dma_wait3A_67 = tpu.memref_slice %arg32[%dma_wait3A_66] : memref<192xf32, #tpu.memory_space<vmem>> -> memref<176xf32, #tpu.memory_space<vmem>>
    %dma_wait3A_68 = arith.constant 0 : i32
    %dma_wait3A_69 = tpu.memref_slice %arg31[%dma_wait3A_68] : memref<10240xf32, #tpu.memory_space<vmem_shared>> -> memref<10240xf32, #tpu.memory_space<vmem_shared>>
    tpu.wait_indirect_dma semaphore(%arg35 : memref<!tpu.dma_semaphore, #tpu.memory_space<semaphore_mem>>) src(%dma_wait3A_67 : memref<176xf32, #tpu.memory_space<vmem>>) dst(%dma_wait3A_69 : memref<10240xf32, #tpu.memory_space<vmem_shared>>)
    %add3A_70 = arith.constant 9856 : i32
    %add3A_71 = arith.addi %mul3A_4, %add3A_70 : i32
    %dma_start3A_72 = arith.constant 0 : i32
    %dma_start3A_73 = tpu.memref_slice %arg8[%dma_start3A_72] : memref<176xi32, #tpu.memory_space<vmem>> -> memref<144xi32, #tpu.memory_space<vmem>>
    %dma_start3A_74 = tpu.memref_slice %arg3[%add3A_71] : memref<320000xi32, #tpu.memory_space<hbm>> -> memref<144xi32, #tpu.memory_space<hbm>>
    %dma_start3A_75 = arith.constant 0 : i32
    %dma_start3A_76 = tpu.memref_slice %arg8[%dma_start3A_75] : memref<176xi32, #tpu.memory_space<vmem>> -> memref<144xi32, #tpu.memory_space<vmem>>
    %dma_start3A_77 = tpu.memref_slice %arg3[%add3A_71] : memref<320000xi32, #tpu.memory_space<hbm>> -> memref<144xi32, #tpu.memory_space<hbm>>
    tpu.enqueue_dma source(%dma_start3A_77 : memref<144xi32, #tpu.memory_space<hbm>>) target(%dma_start3A_76 : memref<144xi32, #tpu.memory_space<vmem>>) target_semaphore(%arg19 : memref<!tpu.dma_semaphore, #tpu.memory_space<semaphore_mem>>)
    %dma_start3A_78 = tpu.memref_slice %arg4[%add3A_71] : memref<320000xi32, #tpu.memory_space<hbm>> -> memref<144xi32, #tpu.memory_space<hbm>>
    %dma_start3A_79 = tpu.memref_slice %arg4[%add3A_71] : memref<320000xi32, #tpu.memory_space<hbm>> -> memref<144xi32, #tpu.memory_space<hbm>>
    tpu.enqueue_dma source(%dma_start3A_79 : memref<144xi32, #tpu.memory_space<hbm>>) target(%arg18 : memref<144xi32, #tpu.memory_space<vmem>>) target_semaphore(%arg23 : memref<!tpu.dma_semaphore, #tpu.memory_space<semaphore_mem>>)
    %dma_wait3A_80 = arith.constant 0 : i32
    %dma_wait3A_81 = tpu.memref_slice %arg8[%dma_wait3A_80] : memref<176xi32, #tpu.memory_space<vmem>> -> memref<144xi32, #tpu.memory_space<vmem>>
    %dma_wait3A_82 = arith.constant 0 : i32
    %dma_wait3A_83 = tpu.memref_slice %arg3[%dma_wait3A_82] : memref<320000xi32, #tpu.memory_space<hbm>> -> memref<144xi32, #tpu.memory_space<hbm>>
    %dma_wait3A_84 = arith.constant 0 : i32
    %dma_wait3A_85 = tpu.memref_slice %arg8[%dma_wait3A_84] : memref<176xi32, #tpu.memory_space<vmem>> -> memref<144xi32, #tpu.memory_space<vmem>>
    %dma_wait3A_86 = arith.constant 0 : i32
    %dma_wait3A_87 = tpu.memref_slice %arg3[%dma_wait3A_86] : memref<320000xi32, #tpu.memory_space<hbm>> -> memref<144xi32, #tpu.memory_space<hbm>>
    tpu.wait_dma2 semaphore(%arg19 : memref<!tpu.dma_semaphore, #tpu.memory_space<semaphore_mem>>) src(%dma_wait3A_87 : memref<144xi32, #tpu.memory_space<hbm>>) dst(%dma_wait3A_85 : memref<144xi32, #tpu.memory_space<vmem>>)
    %dma_wait3A_88 = arith.constant 0 : i32
    %dma_wait3A_89 = tpu.memref_slice %arg4[%dma_wait3A_88] : memref<320000xi32, #tpu.memory_space<hbm>> -> memref<144xi32, #tpu.memory_space<hbm>>
    %dma_wait3A_90 = arith.constant 0 : i32
    %dma_wait3A_91 = tpu.memref_slice %arg4[%dma_wait3A_90] : memref<320000xi32, #tpu.memory_space<hbm>> -> memref<144xi32, #tpu.memory_space<hbm>>
    tpu.wait_dma2 semaphore(%arg23 : memref<!tpu.dma_semaphore, #tpu.memory_space<semaphore_mem>>) src(%dma_wait3A_91 : memref<144xi32, #tpu.memory_space<hbm>>) dst(%arg18 : memref<144xi32, #tpu.memory_space<vmem>>)
    %dma_start3A_92 = arith.constant 0 : i32
    %dma_start3A_93 = arith.constant 0 : i32
    %dma_start3A_94 = tpu.memref_slice %arg16[%dma_start3A_92, %dma_start3A_93] : memref<176x128xf32, #tpu.memory_space<vmem>> -> memref<144x128xf32, #tpu.memory_space<vmem>>
    %dma_start3A_95 = arith.constant 0 : i32
    %dma_start3A_96 = tpu.memref_slice %arg8[%dma_start3A_95] : memref<176xi32, #tpu.memory_space<vmem>> -> memref<144xi32, #tpu.memory_space<vmem>>
    %dma_start3A_97 = arith.constant 0 : i32
    %dma_start3A_98 = arith.constant 0 : i32
    %dma_start3A_99 = tpu.memref_slice %arg2[%dma_start3A_97, %dma_start3A_98] : memref<10000x128xf32, #tpu.memory_space<hbm>> -> memref<10000x128xf32, #tpu.memory_space<hbm>>
    tpu.enqueue_indirect_dma source(%dma_start3A_99 : memref<10000x128xf32, #tpu.memory_space<hbm>>) target(%dma_start3A_94 : memref<144x128xf32, #tpu.memory_space<vmem>>) offsets(%dma_start3A_96 : memref<144xi32, #tpu.memory_space<vmem>>) semaphore(%arg27 : memref<!tpu.dma_semaphore, #tpu.memory_space<semaphore_mem>>)
    %dma_wait3A_100 = arith.constant 0 : i32
    %dma_wait3A_101 = arith.constant 0 : i32
    %dma_wait3A_102 = tpu.memref_slice %arg16[%dma_wait3A_100, %dma_wait3A_101] : memref<176x128xf32, #tpu.memory_space<vmem>> -> memref<144x128xf32, #tpu.memory_space<vmem>>
    %dma_wait3A_103 = arith.constant 0 : i32
    %dma_wait3A_104 = tpu.memref_slice %arg8[%dma_wait3A_103] : memref<176xi32, #tpu.memory_space<vmem>> -> memref<144xi32, #tpu.memory_space<vmem>>
    %dma_wait3A_105 = arith.constant 0 : i32
    %dma_wait3A_106 = arith.constant 0 : i32
    %dma_wait3A_107 = tpu.memref_slice %arg2[%dma_wait3A_105, %dma_wait3A_106] : memref<10000x128xf32, #tpu.memory_space<hbm>> -> memref<10000x128xf32, #tpu.memory_space<hbm>>
    tpu.wait_indirect_dma semaphore(%arg27 : memref<!tpu.dma_semaphore, #tpu.memory_space<semaphore_mem>>) src(%dma_wait3A_107 : memref<10000x128xf32, #tpu.memory_space<hbm>>) dst(%dma_wait3A_102 : memref<144x128xf32, #tpu.memory_space<vmem>>)
    %dma_start3A_108 = arith.constant 0 : i32
    %dma_start3A_109 = arith.constant 0 : i32
    %dma_start3A_110 = tpu.memref_slice %arg16[%dma_start3A_108, %dma_start3A_109] : memref<176x128xf32, #tpu.memory_space<vmem>> -> memref<144x128xf32, #tpu.memory_space<vmem>>
    %dma_start3A_111 = arith.constant 0 : i32
    %dma_start3A_112 = arith.constant 0 : i32
    %dma_start3A_113 = tpu.memref_slice %arg7[%dma_start3A_111, %dma_start3A_112] : memref<10112x128xf32, #tpu.memory_space<vmem_shared>> -> memref<10112x128xf32, #tpu.memory_space<vmem_shared>>
    tpu.enqueue_indirect_dma source(%dma_start3A_110 : memref<144x128xf32, #tpu.memory_space<vmem>>) target(%dma_start3A_113 : memref<10112x128xf32, #tpu.memory_space<vmem_shared>>) offsets(%arg18 : memref<144xi32, #tpu.memory_space<vmem>>) semaphore(%arg29 : memref<!tpu.dma_semaphore, #tpu.memory_space<semaphore_mem>>) {add = true}
    %dma_wait3A_114 = arith.constant 0 : i32
    %dma_wait3A_115 = arith.constant 0 : i32
    %dma_wait3A_116 = tpu.memref_slice %arg16[%dma_wait3A_114, %dma_wait3A_115] : memref<176x128xf32, #tpu.memory_space<vmem>> -> memref<144x128xf32, #tpu.memory_space<vmem>>
    %dma_wait3A_117 = arith.constant 0 : i32
    %dma_wait3A_118 = arith.constant 0 : i32
    %dma_wait3A_119 = tpu.memref_slice %arg7[%dma_wait3A_117, %dma_wait3A_118] : memref<10112x128xf32, #tpu.memory_space<vmem_shared>> -> memref<10112x128xf32, #tpu.memory_space<vmem_shared>>
    tpu.wait_indirect_dma semaphore(%arg29 : memref<!tpu.dma_semaphore, #tpu.memory_space<semaphore_mem>>) src(%dma_wait3A_116 : memref<144x128xf32, #tpu.memory_space<vmem>>) dst(%dma_wait3A_119 : memref<10112x128xf32, #tpu.memory_space<vmem_shared>>)
    %dma_start3A_120 = arith.constant 0 : i32
    %dma_start3A_121 = tpu.memref_slice %arg32[%dma_start3A_120] : memref<192xf32, #tpu.memory_space<vmem>> -> memref<144xf32, #tpu.memory_space<vmem>>
    %dma_start3A_122 = arith.constant 0 : i32
    %dma_start3A_123 = tpu.memref_slice %arg31[%dma_start3A_122] : memref<10240xf32, #tpu.memory_space<vmem_shared>> -> memref<10240xf32, #tpu.memory_space<vmem_shared>>
    tpu.enqueue_indirect_dma source(%dma_start3A_121 : memref<144xf32, #tpu.memory_space<vmem>>) target(%dma_start3A_123 : memref<10240xf32, #tpu.memory_space<vmem_shared>>) offsets(%arg18 : memref<144xi32, #tpu.memory_space<vmem>>) semaphore(%arg34 : memref<!tpu.dma_semaphore, #tpu.memory_space<semaphore_mem>>) {add = true}
    %dma_wait3A_124 = arith.constant 0 : i32
    %dma_wait3A_125 = tpu.memref_slice %arg32[%dma_wait3A_124] : memref<192xf32, #tpu.memory_space<vmem>> -> memref<144xf32, #tpu.memory_space<vmem>>
    %dma_wait3A_126 = arith.constant 0 : i32
    %dma_wait3A_127 = tpu.memref_slice %arg31[%dma_wait3A_126] : memref<10240xf32, #tpu.memory_space<vmem_shared>> -> memref<10240xf32, #tpu.memory_space<vmem_shared>>
    tpu.wait_indirect_dma semaphore(%arg34 : memref<!tpu.dma_semaphore, #tpu.memory_space<semaphore_mem>>) src(%dma_wait3A_125 : memref<144xf32, #tpu.memory_space<vmem>>) dst(%dma_wait3A_127 : memref<10240xf32, #tpu.memory_space<vmem_shared>>)
    %barrier3A_128 = arith.constant 0 : index
    tpu.barrier barrier_id(%barrier3A_128)
    "tpu.region"() ({
      %run_scoped3A = tpu.sem_alloc : memref<!tpu.dma_semaphore, #tpu.memory_space<semaphore_mem>>
      %dma_start3A_133 = arith.constant 0 : i32
      %dma_start3A_134 = tpu.memref_slice %arg5[%arg0, %mul3A_2, %dma_start3A_133] : memref<2x10112x128xf32, #tpu.memory_space<hbm>> -> memref<1x632x128xf32, #tpu.memory_space<hbm>>
      %dma_start3A_135 = tpu.memref_squeeze %dma_start3A_134 : memref<1x632x128xf32, #tpu.memory_space<hbm>> -> memref<632x128xf32, #tpu.memory_space<hbm>>
      %dma_start3A_136 = arith.constant 0 : i32
      %dma_start3A_137 = tpu.memref_slice %arg7[%mul3A_2, %dma_start3A_136] : memref<10112x128xf32, #tpu.memory_space<vmem_shared>> -> memref<632x128xf32, #tpu.memory_space<vmem_shared>>
      tpu.enqueue_dma source(%dma_start3A_137 : memref<632x128xf32, #tpu.memory_space<vmem_shared>>) target(%dma_start3A_135 : memref<632x128xf32, #tpu.memory_space<hbm>>) target_semaphore(%run_scoped3A : memref<!tpu.dma_semaphore, #tpu.memory_space<semaphore_mem>>)
      %dma_wait3A_138 = arith.constant 0 : i32
      %dma_wait3A_139 = tpu.memref_slice %arg5[%arg0, %mul3A_2, %dma_wait3A_138] : memref<2x10112x128xf32, #tpu.memory_space<hbm>> -> memref<1x632x128xf32, #tpu.memory_space<hbm>>
      %dma_wait3A_140 = tpu.memref_squeeze %dma_wait3A_139 : memref<1x632x128xf32, #tpu.memory_space<hbm>> -> memref<632x128xf32, #tpu.memory_space<hbm>>
      %dma_wait3A_141 = arith.constant 0 : i32
      %dma_wait3A_142 = tpu.memref_slice %arg7[%mul3A_2, %dma_wait3A_141] : memref<10112x128xf32, #tpu.memory_space<vmem_shared>> -> memref<632x128xf32, #tpu.memory_space<vmem_shared>>
      tpu.wait_dma2 semaphore(%run_scoped3A : memref<!tpu.dma_semaphore, #tpu.memory_space<semaphore_mem>>) src(%dma_wait3A_142 : memref<632x128xf32, #tpu.memory_space<vmem_shared>>) dst(%dma_wait3A_140 : memref<632x128xf32, #tpu.memory_space<hbm>>)
      tpu.yield
    }) : () -> ()
    %mul3A_129 = arith.constant 640 : i32
    %mul3A_130 = arith.muli %arg1, %mul3A_129 : i32
    %mul3A_131 = arith.constant 640 : i32
    %mul3A_132 = arith.muli %arg1, %mul3A_131 : i32
    "tpu.region"() ({
      %run_scoped3A = tpu.sem_alloc : memref<!tpu.dma_semaphore, #tpu.memory_space<semaphore_mem>>
      %dma_start3A_133 = tpu.memref_slice %arg6[%arg0, %mul3A_132] : memref<2x10240xf32, #tpu.memory_space<hbm>> -> memref<1x640xf32, #tpu.memory_space<hbm>>
      %dma_start3A_134 = tpu.memref_squeeze %dma_start3A_133 : memref<1x640xf32, #tpu.memory_space<hbm>> -> memref<640xf32, #tpu.memory_space<hbm>>
      %dma_start3A_135 = tpu.memref_slice %arg31[%mul3A_130] : memref<10240xf32, #tpu.memory_space<vmem_shared>> -> memref<640xf32, #tpu.memory_space<vmem_shared>>
      tpu.enqueue_dma source(%dma_start3A_135 : memref<640xf32, #tpu.memory_space<vmem_shared>>) target(%dma_start3A_134 : memref<640xf32, #tpu.memory_space<hbm>>) target_semaphore(%run_scoped3A : memref<!tpu.dma_semaphore, #tpu.memory_space<semaphore_mem>>)
      %dma_wait3A_136 = tpu.memref_slice %arg6[%arg0, %mul3A_132] : memref<2x10240xf32, #tpu.memory_space<hbm>> -> memref<1x640xf32, #tpu.memory_space<hbm>>
      %dma_wait3A_137 = tpu.memref_squeeze %dma_wait3A_136 : memref<1x640xf32, #tpu.memory_space<hbm>> -> memref<640xf32, #tpu.memory_space<hbm>>
      %dma_wait3A_138 = tpu.memref_slice %arg31[%mul3A_130] : memref<10240xf32, #tpu.memory_space<vmem_shared>> -> memref<640xf32, #tpu.memory_space<vmem_shared>>
      tpu.wait_dma2 semaphore(%run_scoped3A : memref<!tpu.dma_semaphore, #tpu.memory_space<semaphore_mem>>) src(%dma_wait3A_138 : memref<640xf32, #tpu.memory_space<vmem_shared>>) dst(%dma_wait3A_137 : memref<640xf32, #tpu.memory_space<hbm>>)
      tpu.yield
    }) : () -> ()
    return
  }
}

#map = affine_map<(d0, d1) -> (0, 0)>
#map1 = affine_map<(d0, d1) -> (0)>
#map2 = affine_map<(d0, d1) -> (0, 0, 0)>
module attributes {stable_mosaic.version = 14 : i64} {
  func.func @body(%arg0: i32, %arg1: i32, %arg2: memref<10000x128xf32, #tpu.memory_space<hbm>>, %arg3: memref<320000xi32, #tpu.memory_space<hbm>>, %arg4: memref<320000xi32, #tpu.memory_space<hbm>>, %arg5: memref<2x10112x128xf32, #tpu.memory_space<hbm>>, %arg6: memref<10112x128xf32, #tpu.memory_space<vmem_shared>>, %arg7: memref<176xi32, #tpu.memory_space<vmem>>, %arg8: memref<176xi32, #tpu.memory_space<vmem>>, %arg9: memref<176xi32, #tpu.memory_space<vmem>>, %arg10: memref<176xi32, #tpu.memory_space<vmem>>, %arg11: memref<176xi32, #tpu.memory_space<vmem>>, %arg12: memref<176xi32, #tpu.memory_space<vmem>>, %arg13: memref<176xi32, #tpu.memory_space<vmem>>, %arg14: memref<176xi32, #tpu.memory_space<vmem>>, %arg15: memref<176x128xf32, #tpu.memory_space<vmem>>, %arg16: memref<176x128xf32, #tpu.memory_space<vmem>>, %arg17: memref<144xi32, #tpu.memory_space<vmem>>, %arg18: memref<!tpu.dma_semaphore, #tpu.memory_space<semaphore_mem>>, %arg19: memref<!tpu.dma_semaphore, #tpu.memory_space<semaphore_mem>>, %arg20: memref<!tpu.dma_semaphore, #tpu.memory_space<semaphore_mem>>, %arg21: memref<!tpu.dma_semaphore, #tpu.memory_space<semaphore_mem>>, %arg22: memref<!tpu.dma_semaphore, #tpu.memory_space<semaphore_mem>>, %arg23: memref<!tpu.dma_semaphore, #tpu.memory_space<semaphore_mem>>, %arg24: memref<!tpu.dma_semaphore, #tpu.memory_space<semaphore_mem>>, %arg25: memref<!tpu.dma_semaphore, #tpu.memory_space<semaphore_mem>>, %arg26: memref<!tpu.dma_semaphore, #tpu.memory_space<semaphore_mem>>, %arg27: memref<!tpu.dma_semaphore, #tpu.memory_space<semaphore_mem>>, %arg28: memref<!tpu.dma_semaphore, #tpu.memory_space<semaphore_mem>>, %arg29: memref<!tpu.dma_semaphore, #tpu.memory_space<semaphore_mem>>) attributes {dimension_semantics = [#tpu.dimension_semantics<core_parallel>, #tpu.dimension_semantics<subcore_parallel>], iteration_bounds = array<i64: 2, 16>, scalar_prefetch = 0 : i64, scratch_operands = 24 : i64, tpu.core_type = #tpu.core_type<sc_vector_subcore>, window_params = [{transform_indices = #map}, {transform_indices = #map1}, {transform_indices = #map1}, {transform_indices = #map2}]} {
    %mul3A = arith.constant 16 : i32
    %mul3A_0 = arith.muli %arg0, %mul3A : i32
    %add3A = arith.addi %mul3A_0, %arg1 : i32
    %mul3A_1 = arith.constant 632 : i32
    %mul3A_2 = arith.muli %arg1, %mul3A_1 : i32
    %mul3A_3 = arith.constant 10000 : i32
    %mul3A_4 = arith.muli %add3A, %mul3A_3 : i32
    %scan3A = arith.constant 0 : i32
    %scan3A_5 = arith.constant 0 : i32
    %scan3A_6 = arith.constant 1408 : i32
    %scan3A_7 = arith.addi %scan3A_5, %scan3A_6 : i32
    %scan3A_8 = arith.constant 1 : i32
    %scan3A_9 = scf.for %scan3A_101 = %scan3A_5 to %scan3A_7 step %scan3A_8 iter_args(%scan3A_102 = %scan3A) -> (i32)  : i32 {
      %jit3A = arith.constant 8 : i32
      %div3A = arith.divsi %scan3A_101, %jit3A : i32
      %sign3A = arith.constant 0 : i32
      %sign3A_103 = arith.cmpi sgt, %scan3A_101, %sign3A : i32
      %sign3A_104 = arith.extui %sign3A_103 : i1 to i32
      %sign3A_105 = arith.constant 0 : i32
      %sign3A_106 = arith.cmpi slt, %scan3A_101, %sign3A_105 : i32
      %sign3A_107 = arith.extui %sign3A_106 : i1 to i32
      %sign3A_108 = arith.subi %sign3A_104, %sign3A_107 : i32
      %sign3A_109 = arith.constant 0 : i32
      %sign3A_110 = arith.cmpi sgt, %jit3A, %sign3A_109 : i32
      %sign3A_111 = arith.extui %sign3A_110 : i1 to i32
      %sign3A_112 = arith.constant 0 : i32
      %sign3A_113 = arith.cmpi slt, %jit3A, %sign3A_112 : i32
      %sign3A_114 = arith.extui %sign3A_113 : i1 to i32
      %sign3A_115 = arith.subi %sign3A_111, %sign3A_114 : i32
      %ne3A = arith.cmpi ne, %sign3A_108, %sign3A_115 : i32
      %rem3A = arith.remsi %scan3A_101, %jit3A : i32
      %ne3A_116 = arith.constant 0 : i32
      %ne3A_117 = arith.cmpi ne, %rem3A, %ne3A_116 : i32
      %and3A = arith.andi %ne3A, %ne3A_117 : i1
      %sub3A = arith.constant 1 : i32
      %sub3A_118 = arith.subi %div3A, %sub3A : i32
      %select_n3A = arith.select %and3A, %sub3A_118, %div3A : i32
      %mul3A_119 = arith.constant 8 : i32
      %mul3A_120 = arith.muli %select_n3A, %mul3A_119 : i32
      %sub3A_121 = arith.subi %scan3A_101, %mul3A_120 : i32
      %broadcast_in_dim3A = arith.constant 0.000000e+00 : f32
      %broadcast_in_dim3A_122 = vector.broadcast %broadcast_in_dim3A : f32 to vector<16xf32>
      %mul3A_123 = arith.constant 16 : i32
      %mul3A_124 = arith.muli %sub3A_121, %mul3A_123 : i32
      %swap3A = arith.index_cast %select_n3A : i32 to index
      %swap3A_125 = arith.index_cast %mul3A_124 : i32 to index
      %swap3A_126 = tpu.vector_load %arg15[%swap3A, %swap3A_125] {strides = array<i32>} : memref<176x128xf32, #tpu.memory_space<vmem>>, vector<1x16xf32>,
      %swap3A_127 = vector.shape_cast %swap3A_126 : vector<1x16xf32> to vector<16xf32>
      %swap3A_128 = vector.shape_cast %broadcast_in_dim3A_122 : vector<16xf32> to vector<1x16xf32>
      tpu.vector_store %arg15[%swap3A, %swap3A_125], %swap3A_128 {strides = array<i32>} : memref<176x128xf32, #tpu.memory_space<vmem>>, vector<1x16xf32>,
      %scan3A_129 = arith.constant 0 : i32
      scf.yield %scan3A_129 : i32
    }
    %scan3A_10 = arith.constant 1408 : i32
    %add3A_11 = arith.constant 0 : i32
    %add3A_12 = arith.addi %mul3A_2, %add3A_11 : i32
    "tpu.region"() ({
      %run_scoped3A = tpu.sem_alloc : memref<!tpu.dma_semaphore, #tpu.memory_space<semaphore_mem>>
      %dma_start3A_101 = arith.constant 0 : i32
      %dma_start3A_102 = arith.constant 0 : i32
      %dma_start3A_103 = tpu.memref_slice %arg15[%dma_start3A_101, %dma_start3A_102] : memref<176x128xf32, #tpu.memory_space<vmem>> -> memref<176x128xf32, #tpu.memory_space<vmem>>
      %dma_start3A_104 = arith.constant 0 : i32
      %dma_start3A_105 = tpu.memref_slice %arg6[%add3A_12, %dma_start3A_104] : memref<10112x128xf32, #tpu.memory_space<vmem_shared>> -> memref<176x128xf32, #tpu.memory_space<vmem_shared>>
      %dma_start3A_106 = arith.constant 0 : i32
      %dma_start3A_107 = tpu.memref_slice %arg6[%add3A_12, %dma_start3A_106] : memref<10112x128xf32, #tpu.memory_space<vmem_shared>> -> memref<176x128xf32, #tpu.memory_space<vmem_shared>>
      %dma_start3A_108 = arith.constant 0 : i32
      %dma_start3A_109 = arith.constant 0 : i32
      %dma_start3A_110 = tpu.memref_slice %arg15[%dma_start3A_108, %dma_start3A_109] : memref<176x128xf32, #tpu.memory_space<vmem>> -> memref<176x128xf32, #tpu.memory_space<vmem>>
      tpu.enqueue_dma source(%dma_start3A_110 : memref<176x128xf32, #tpu.memory_space<vmem>>) target(%dma_start3A_107 : memref<176x128xf32, #tpu.memory_space<vmem_shared>>) target_semaphore(%run_scoped3A : memref<!tpu.dma_semaphore, #tpu.memory_space<semaphore_mem>>)
      %dma_wait3A_111 = arith.constant 0 : i32
      %dma_wait3A_112 = arith.constant 0 : i32
      %dma_wait3A_113 = tpu.memref_slice %arg15[%dma_wait3A_111, %dma_wait3A_112] : memref<176x128xf32, #tpu.memory_space<vmem>> -> memref<176x128xf32, #tpu.memory_space<vmem>>
      %dma_wait3A_114 = arith.constant 0 : i32
      %dma_wait3A_115 = tpu.memref_slice %arg6[%add3A_12, %dma_wait3A_114] : memref<10112x128xf32, #tpu.memory_space<vmem_shared>> -> memref<176x128xf32, #tpu.memory_space<vmem_shared>>
      %dma_wait3A_116 = arith.constant 0 : i32
      %dma_wait3A_117 = tpu.memref_slice %arg6[%add3A_12, %dma_wait3A_116] : memref<10112x128xf32, #tpu.memory_space<vmem_shared>> -> memref<176x128xf32, #tpu.memory_space<vmem_shared>>
      %dma_wait3A_118 = arith.constant 0 : i32
      %dma_wait3A_119 = arith.constant 0 : i32
      %dma_wait3A_120 = tpu.memref_slice %arg15[%dma_wait3A_118, %dma_wait3A_119] : memref<176x128xf32, #tpu.memory_space<vmem>> -> memref<176x128xf32, #tpu.memory_space<vmem>>
      tpu.wait_dma2 semaphore(%run_scoped3A : memref<!tpu.dma_semaphore, #tpu.memory_space<semaphore_mem>>) src(%dma_wait3A_120 : memref<176x128xf32, #tpu.memory_space<vmem>>) dst(%dma_wait3A_117 : memref<176x128xf32, #tpu.memory_space<vmem_shared>>)
      tpu.yield
    }) : () -> ()
    %add3A_13 = arith.constant 176 : i32
    %add3A_14 = arith.addi %mul3A_2, %add3A_13 : i32
    "tpu.region"() ({
      %run_scoped3A = tpu.sem_alloc : memref<!tpu.dma_semaphore, #tpu.memory_space<semaphore_mem>>
      %dma_start3A_101 = arith.constant 0 : i32
      %dma_start3A_102 = arith.constant 0 : i32
      %dma_start3A_103 = tpu.memref_slice %arg15[%dma_start3A_101, %dma_start3A_102] : memref<176x128xf32, #tpu.memory_space<vmem>> -> memref<176x128xf32, #tpu.memory_space<vmem>>
      %dma_start3A_104 = arith.constant 0 : i32
      %dma_start3A_105 = tpu.memref_slice %arg6[%add3A_14, %dma_start3A_104] : memref<10112x128xf32, #tpu.memory_space<vmem_shared>> -> memref<176x128xf32, #tpu.memory_space<vmem_shared>>
      %dma_start3A_106 = arith.constant 0 : i32
      %dma_start3A_107 = tpu.memref_slice %arg6[%add3A_14, %dma_start3A_106] : memref<10112x128xf32, #tpu.memory_space<vmem_shared>> -> memref<176x128xf32, #tpu.memory_space<vmem_shared>>
      %dma_start3A_108 = arith.constant 0 : i32
      %dma_start3A_109 = arith.constant 0 : i32
      %dma_start3A_110 = tpu.memref_slice %arg15[%dma_start3A_108, %dma_start3A_109] : memref<176x128xf32, #tpu.memory_space<vmem>> -> memref<176x128xf32, #tpu.memory_space<vmem>>
      tpu.enqueue_dma source(%dma_start3A_110 : memref<176x128xf32, #tpu.memory_space<vmem>>) target(%dma_start3A_107 : memref<176x128xf32, #tpu.memory_space<vmem_shared>>) target_semaphore(%run_scoped3A : memref<!tpu.dma_semaphore, #tpu.memory_space<semaphore_mem>>)
      %dma_wait3A_111 = arith.constant 0 : i32
      %dma_wait3A_112 = arith.constant 0 : i32
      %dma_wait3A_113 = tpu.memref_slice %arg15[%dma_wait3A_111, %dma_wait3A_112] : memref<176x128xf32, #tpu.memory_space<vmem>> -> memref<176x128xf32, #tpu.memory_space<vmem>>
      %dma_wait3A_114 = arith.constant 0 : i32
      %dma_wait3A_115 = tpu.memref_slice %arg6[%add3A_14, %dma_wait3A_114] : memref<10112x128xf32, #tpu.memory_space<vmem_shared>> -> memref<176x128xf32, #tpu.memory_space<vmem_shared>>
      %dma_wait3A_116 = arith.constant 0 : i32
      %dma_wait3A_117 = tpu.memref_slice %arg6[%add3A_14, %dma_wait3A_116] : memref<10112x128xf32, #tpu.memory_space<vmem_shared>> -> memref<176x128xf32, #tpu.memory_space<vmem_shared>>
      %dma_wait3A_118 = arith.constant 0 : i32
      %dma_wait3A_119 = arith.constant 0 : i32
      %dma_wait3A_120 = tpu.memref_slice %arg15[%dma_wait3A_118, %dma_wait3A_119] : memref<176x128xf32, #tpu.memory_space<vmem>> -> memref<176x128xf32, #tpu.memory_space<vmem>>
      tpu.wait_dma2 semaphore(%run_scoped3A : memref<!tpu.dma_semaphore, #tpu.memory_space<semaphore_mem>>) src(%dma_wait3A_120 : memref<176x128xf32, #tpu.memory_space<vmem>>) dst(%dma_wait3A_117 : memref<176x128xf32, #tpu.memory_space<vmem_shared>>)
      tpu.yield
    }) : () -> ()
    %add3A_15 = arith.constant 352 : i32
    %add3A_16 = arith.addi %mul3A_2, %add3A_15 : i32
    "tpu.region"() ({
      %run_scoped3A = tpu.sem_alloc : memref<!tpu.dma_semaphore, #tpu.memory_space<semaphore_mem>>
      %dma_start3A_101 = arith.constant 0 : i32
      %dma_start3A_102 = arith.constant 0 : i32
      %dma_start3A_103 = tpu.memref_slice %arg15[%dma_start3A_101, %dma_start3A_102] : memref<176x128xf32, #tpu.memory_space<vmem>> -> memref<176x128xf32, #tpu.memory_space<vmem>>
      %dma_start3A_104 = arith.constant 0 : i32
      %dma_start3A_105 = tpu.memref_slice %arg6[%add3A_16, %dma_start3A_104] : memref<10112x128xf32, #tpu.memory_space<vmem_shared>> -> memref<176x128xf32, #tpu.memory_space<vmem_shared>>
      %dma_start3A_106 = arith.constant 0 : i32
      %dma_start3A_107 = tpu.memref_slice %arg6[%add3A_16, %dma_start3A_106] : memref<10112x128xf32, #tpu.memory_space<vmem_shared>> -> memref<176x128xf32, #tpu.memory_space<vmem_shared>>
      %dma_start3A_108 = arith.constant 0 : i32
      %dma_start3A_109 = arith.constant 0 : i32
      %dma_start3A_110 = tpu.memref_slice %arg15[%dma_start3A_108, %dma_start3A_109] : memref<176x128xf32, #tpu.memory_space<vmem>> -> memref<176x128xf32, #tpu.memory_space<vmem>>
      tpu.enqueue_dma source(%dma_start3A_110 : memref<176x128xf32, #tpu.memory_space<vmem>>) target(%dma_start3A_107 : memref<176x128xf32, #tpu.memory_space<vmem_shared>>) target_semaphore(%run_scoped3A : memref<!tpu.dma_semaphore, #tpu.memory_space<semaphore_mem>>)
      %dma_wait3A_111 = arith.constant 0 : i32
      %dma_wait3A_112 = arith.constant 0 : i32
      %dma_wait3A_113 = tpu.memref_slice %arg15[%dma_wait3A_111, %dma_wait3A_112] : memref<176x128xf32, #tpu.memory_space<vmem>> -> memref<176x128xf32, #tpu.memory_space<vmem>>
      %dma_wait3A_114 = arith.constant 0 : i32
      %dma_wait3A_115 = tpu.memref_slice %arg6[%add3A_16, %dma_wait3A_114] : memref<10112x128xf32, #tpu.memory_space<vmem_shared>> -> memref<176x128xf32, #tpu.memory_space<vmem_shared>>
      %dma_wait3A_116 = arith.constant 0 : i32
      %dma_wait3A_117 = tpu.memref_slice %arg6[%add3A_16, %dma_wait3A_116] : memref<10112x128xf32, #tpu.memory_space<vmem_shared>> -> memref<176x128xf32, #tpu.memory_space<vmem_shared>>
      %dma_wait3A_118 = arith.constant 0 : i32
      %dma_wait3A_119 = arith.constant 0 : i32
      %dma_wait3A_120 = tpu.memref_slice %arg15[%dma_wait3A_118, %dma_wait3A_119] : memref<176x128xf32, #tpu.memory_space<vmem>> -> memref<176x128xf32, #tpu.memory_space<vmem>>
      tpu.wait_dma2 semaphore(%run_scoped3A : memref<!tpu.dma_semaphore, #tpu.memory_space<semaphore_mem>>) src(%dma_wait3A_120 : memref<176x128xf32, #tpu.memory_space<vmem>>) dst(%dma_wait3A_117 : memref<176x128xf32, #tpu.memory_space<vmem_shared>>)
      tpu.yield
    }) : () -> ()
    %add3A_17 = arith.constant 528 : i32
    %add3A_18 = arith.addi %mul3A_2, %add3A_17 : i32
    "tpu.region"() ({
      %run_scoped3A = tpu.sem_alloc : memref<!tpu.dma_semaphore, #tpu.memory_space<semaphore_mem>>
      %dma_start3A_101 = arith.constant 0 : i32
      %dma_start3A_102 = arith.constant 0 : i32
      %dma_start3A_103 = tpu.memref_slice %arg15[%dma_start3A_101, %dma_start3A_102] : memref<176x128xf32, #tpu.memory_space<vmem>> -> memref<104x128xf32, #tpu.memory_space<vmem>>
      %dma_start3A_104 = arith.constant 0 : i32
      %dma_start3A_105 = tpu.memref_slice %arg6[%add3A_18, %dma_start3A_104] : memref<10112x128xf32, #tpu.memory_space<vmem_shared>> -> memref<104x128xf32, #tpu.memory_space<vmem_shared>>
      %dma_start3A_106 = arith.constant 0 : i32
      %dma_start3A_107 = tpu.memref_slice %arg6[%add3A_18, %dma_start3A_106] : memref<10112x128xf32, #tpu.memory_space<vmem_shared>> -> memref<104x128xf32, #tpu.memory_space<vmem_shared>>
      %dma_start3A_108 = arith.constant 0 : i32
      %dma_start3A_109 = arith.constant 0 : i32
      %dma_start3A_110 = tpu.memref_slice %arg15[%dma_start3A_108, %dma_start3A_109] : memref<176x128xf32, #tpu.memory_space<vmem>> -> memref<104x128xf32, #tpu.memory_space<vmem>>
      tpu.enqueue_dma source(%dma_start3A_110 : memref<104x128xf32, #tpu.memory_space<vmem>>) target(%dma_start3A_107 : memref<104x128xf32, #tpu.memory_space<vmem_shared>>) target_semaphore(%run_scoped3A : memref<!tpu.dma_semaphore, #tpu.memory_space<semaphore_mem>>)
      %dma_wait3A_111 = arith.constant 0 : i32
      %dma_wait3A_112 = arith.constant 0 : i32
      %dma_wait3A_113 = tpu.memref_slice %arg15[%dma_wait3A_111, %dma_wait3A_112] : memref<176x128xf32, #tpu.memory_space<vmem>> -> memref<104x128xf32, #tpu.memory_space<vmem>>
      %dma_wait3A_114 = arith.constant 0 : i32
      %dma_wait3A_115 = tpu.memref_slice %arg6[%add3A_18, %dma_wait3A_114] : memref<10112x128xf32, #tpu.memory_space<vmem_shared>> -> memref<104x128xf32, #tpu.memory_space<vmem_shared>>
      %dma_wait3A_116 = arith.constant 0 : i32
      %dma_wait3A_117 = tpu.memref_slice %arg6[%add3A_18, %dma_wait3A_116] : memref<10112x128xf32, #tpu.memory_space<vmem_shared>> -> memref<104x128xf32, #tpu.memory_space<vmem_shared>>
      %dma_wait3A_118 = arith.constant 0 : i32
      %dma_wait3A_119 = arith.constant 0 : i32
      %dma_wait3A_120 = tpu.memref_slice %arg15[%dma_wait3A_118, %dma_wait3A_119] : memref<176x128xf32, #tpu.memory_space<vmem>> -> memref<104x128xf32, #tpu.memory_space<vmem>>
      tpu.wait_dma2 semaphore(%run_scoped3A : memref<!tpu.dma_semaphore, #tpu.memory_space<semaphore_mem>>) src(%dma_wait3A_120 : memref<104x128xf32, #tpu.memory_space<vmem>>) dst(%dma_wait3A_117 : memref<104x128xf32, #tpu.memory_space<vmem_shared>>)
      tpu.yield
    }) : () -> ()
    %add3A_19 = arith.constant 0 : i32
    %add3A_20 = arith.addi %mul3A_4, %add3A_19 : i32
    %dma_start3A = tpu.memref_slice %arg3[%add3A_20] : memref<320000xi32, #tpu.memory_space<hbm>> -> memref<176xi32, #tpu.memory_space<hbm>>
    %dma_start3A_21 = tpu.memref_slice %arg3[%add3A_20] : memref<320000xi32, #tpu.memory_space<hbm>> -> memref<176xi32, #tpu.memory_space<hbm>>
    tpu.enqueue_dma source(%dma_start3A_21 : memref<176xi32, #tpu.memory_space<hbm>>) target(%arg7 : memref<176xi32, #tpu.memory_space<vmem>>) target_semaphore(%arg18 : memref<!tpu.dma_semaphore, #tpu.memory_space<semaphore_mem>>)
    %dma_start3A_22 = tpu.memref_slice %arg4[%add3A_20] : memref<320000xi32, #tpu.memory_space<hbm>> -> memref<176xi32, #tpu.memory_space<hbm>>
    %dma_start3A_23 = tpu.memref_slice %arg4[%add3A_20] : memref<320000xi32, #tpu.memory_space<hbm>> -> memref<176xi32, #tpu.memory_space<hbm>>
    tpu.enqueue_dma source(%dma_start3A_23 : memref<176xi32, #tpu.memory_space<hbm>>) target(%arg11 : memref<176xi32, #tpu.memory_space<vmem>>) target_semaphore(%arg22 : memref<!tpu.dma_semaphore, #tpu.memory_space<semaphore_mem>>)
    %add3A_24 = arith.constant 176 : i32
    %add3A_25 = arith.addi %mul3A_4, %add3A_24 : i32
    %dma_start3A_26 = tpu.memref_slice %arg3[%add3A_25] : memref<320000xi32, #tpu.memory_space<hbm>> -> memref<176xi32, #tpu.memory_space<hbm>>
    %dma_start3A_27 = tpu.memref_slice %arg3[%add3A_25] : memref<320000xi32, #tpu.memory_space<hbm>> -> memref<176xi32, #tpu.memory_space<hbm>>
    tpu.enqueue_dma source(%dma_start3A_27 : memref<176xi32, #tpu.memory_space<hbm>>) target(%arg8 : memref<176xi32, #tpu.memory_space<vmem>>) target_semaphore(%arg19 : memref<!tpu.dma_semaphore, #tpu.memory_space<semaphore_mem>>)
    %dma_start3A_28 = tpu.memref_slice %arg4[%add3A_25] : memref<320000xi32, #tpu.memory_space<hbm>> -> memref<176xi32, #tpu.memory_space<hbm>>
    %dma_start3A_29 = tpu.memref_slice %arg4[%add3A_25] : memref<320000xi32, #tpu.memory_space<hbm>> -> memref<176xi32, #tpu.memory_space<hbm>>
    tpu.enqueue_dma source(%dma_start3A_29 : memref<176xi32, #tpu.memory_space<hbm>>) target(%arg12 : memref<176xi32, #tpu.memory_space<vmem>>) target_semaphore(%arg23 : memref<!tpu.dma_semaphore, #tpu.memory_space<semaphore_mem>>)
    %barrier3A = arith.constant 0 : index
    tpu.barrier barrier_id(%barrier3A)
    %dma_wait3A = arith.constant 0 : i32
    %dma_wait3A_30 = tpu.memref_slice %arg3[%dma_wait3A] : memref<320000xi32, #tpu.memory_space<hbm>> -> memref<176xi32, #tpu.memory_space<hbm>>
    %dma_wait3A_31 = arith.constant 0 : i32
    %dma_wait3A_32 = tpu.memref_slice %arg3[%dma_wait3A_31] : memref<320000xi32, #tpu.memory_space<hbm>> -> memref<176xi32, #tpu.memory_space<hbm>>
    tpu.wait_dma2 semaphore(%arg18 : memref<!tpu.dma_semaphore, #tpu.memory_space<semaphore_mem>>) src(%dma_wait3A_32 : memref<176xi32, #tpu.memory_space<hbm>>) dst(%arg7 : memref<176xi32, #tpu.memory_space<vmem>>)
    %dma_wait3A_33 = arith.constant 0 : i32
    %dma_wait3A_34 = tpu.memref_slice %arg4[%dma_wait3A_33] : memref<320000xi32, #tpu.memory_space<hbm>> -> memref<176xi32, #tpu.memory_space<hbm>>
    %dma_wait3A_35 = arith.constant 0 : i32
    %dma_wait3A_36 = tpu.memref_slice %arg4[%dma_wait3A_35] : memref<320000xi32, #tpu.memory_space<hbm>> -> memref<176xi32, #tpu.memory_space<hbm>>
    tpu.wait_dma2 semaphore(%arg22 : memref<!tpu.dma_semaphore, #tpu.memory_space<semaphore_mem>>) src(%dma_wait3A_36 : memref<176xi32, #tpu.memory_space<hbm>>) dst(%arg11 : memref<176xi32, #tpu.memory_space<vmem>>)
    %dma_start3A_37 = arith.constant 0 : i32
    %dma_start3A_38 = arith.constant 0 : i32
    %dma_start3A_39 = tpu.memref_slice %arg2[%dma_start3A_37, %dma_start3A_38] : memref<10000x128xf32, #tpu.memory_space<hbm>> -> memref<10000x128xf32, #tpu.memory_space<hbm>>
    tpu.enqueue_indirect_dma source(%dma_start3A_39 : memref<10000x128xf32, #tpu.memory_space<hbm>>) target(%arg15 : memref<176x128xf32, #tpu.memory_space<vmem>>) offsets(%arg7 : memref<176xi32, #tpu.memory_space<vmem>>) semaphore(%arg26 : memref<!tpu.dma_semaphore, #tpu.memory_space<semaphore_mem>>)
    %scan3A_40 = arith.constant 0 : i32
    %scan3A_41 = arith.constant 0 : i32
    %scan3A_42 = arith.constant 14 : i32
    %scan3A_43 = arith.addi %scan3A_41, %scan3A_42 : i32
    %scan3A_44 = arith.constant 1 : i32
    %scan3A_45 = scf.for %scan3A_101 = %scan3A_41 to %scan3A_43 step %scan3A_44 iter_args(%scan3A_102 = %scan3A_40) -> (i32)  : i32 {
      %dma_wait3A_103 = arith.constant 0 : i32
      %dma_wait3A_104 = arith.constant 0 : i32
      %dma_wait3A_105 = tpu.memref_slice %arg2[%dma_wait3A_103, %dma_wait3A_104] : memref<10000x128xf32, #tpu.memory_space<hbm>> -> memref<10000x128xf32, #tpu.memory_space<hbm>>
      tpu.wait_indirect_dma semaphore(%arg26 : memref<!tpu.dma_semaphore, #tpu.memory_space<semaphore_mem>>) src(%dma_wait3A_105 : memref<10000x128xf32, #tpu.memory_space<hbm>>) dst(%arg15 : memref<176x128xf32, #tpu.memory_space<vmem>>)
      %mul3A_106 = arith.constant 4 : i32
      %mul3A_107 = arith.muli %mul3A_106, %scan3A_101 : i32
      %add3A_108 = arith.constant 0 : i32
      %add3A_109 = arith.addi %mul3A_107, %add3A_108 : i32
      %add3A_110 = arith.constant 2 : i32
      %add3A_111 = arith.addi %add3A_109, %add3A_110 : i32
      %mul3A_112 = arith.constant 176 : i32
      %mul3A_113 = arith.muli %add3A_111, %mul3A_112 : i32
      %add3A_114 = arith.addi %mul3A_4, %mul3A_113 : i32
      %dma_start3A_115 = tpu.memref_slice %arg3[%add3A_114] : memref<320000xi32, #tpu.memory_space<hbm>> -> memref<176xi32, #tpu.memory_space<hbm>>
      %dma_start3A_116 = tpu.memref_slice %arg3[%add3A_114] : memref<320000xi32, #tpu.memory_space<hbm>> -> memref<176xi32, #tpu.memory_space<hbm>>
      tpu.enqueue_dma source(%dma_start3A_116 : memref<176xi32, #tpu.memory_space<hbm>>) target(%arg9 : memref<176xi32, #tpu.memory_space<vmem>>) target_semaphore(%arg20 : memref<!tpu.dma_semaphore, #tpu.memory_space<semaphore_mem>>)
      %dma_start3A_117 = tpu.memref_slice %arg4[%add3A_114] : memref<320000xi32, #tpu.memory_space<hbm>> -> memref<176xi32, #tpu.memory_space<hbm>>
      %dma_start3A_118 = tpu.memref_slice %arg4[%add3A_114] : memref<320000xi32, #tpu.memory_space<hbm>> -> memref<176xi32, #tpu.memory_space<hbm>>
      tpu.enqueue_dma source(%dma_start3A_118 : memref<176xi32, #tpu.memory_space<hbm>>) target(%arg13 : memref<176xi32, #tpu.memory_space<vmem>>) target_semaphore(%arg24 : memref<!tpu.dma_semaphore, #tpu.memory_space<semaphore_mem>>)
      %dma_start3A_119 = arith.constant 0 : i32
      %dma_start3A_120 = arith.constant 0 : i32
      %dma_start3A_121 = tpu.memref_slice %arg6[%dma_start3A_119, %dma_start3A_120] : memref<10112x128xf32, #tpu.memory_space<vmem_shared>> -> memref<10112x128xf32, #tpu.memory_space<vmem_shared>>
      tpu.enqueue_indirect_dma source(%arg15 : memref<176x128xf32, #tpu.memory_space<vmem>>) target(%dma_start3A_121 : memref<10112x128xf32, #tpu.memory_space<vmem_shared>>) offsets(%arg11 : memref<176xi32, #tpu.memory_space<vmem>>) semaphore(%arg28 : memref<!tpu.dma_semaphore, #tpu.memory_space<semaphore_mem>>) {add = true}
      %gt3A = arith.constant 0 : i32
      %gt3A_122 = arith.cmpi sgt, %scan3A_101, %gt3A : i32
      %convert_element_type3A = arith.extui %gt3A_122 : i1 to i32
      %cond3A = arith.constant 0 : i32
      %cond3A_123 = arith.cmpi ne, %convert_element_type3A, %cond3A : i32
      scf.if %cond3A_123 {
        %dma_wait3A_212 = arith.constant 0 : i32
        %dma_wait3A_213 = arith.constant 0 : i32
        %dma_wait3A_214 = tpu.memref_slice %arg6[%dma_wait3A_212, %dma_wait3A_213] : memref<10112x128xf32, #tpu.memory_space<vmem_shared>> -> memref<10112x128xf32, #tpu.memory_space<vmem_shared>>
        tpu.wait_indirect_dma semaphore(%arg29 : memref<!tpu.dma_semaphore, #tpu.memory_space<semaphore_mem>>) src(%arg16 : memref<176x128xf32, #tpu.memory_space<vmem>>) dst(%dma_wait3A_214 : memref<10112x128xf32, #tpu.memory_space<vmem_shared>>)
      } else {
      }
      %dma_wait3A_124 = arith.constant 0 : i32
      %dma_wait3A_125 = tpu.memref_slice %arg3[%dma_wait3A_124] : memref<320000xi32, #tpu.memory_space<hbm>> -> memref<176xi32, #tpu.memory_space<hbm>>
      %dma_wait3A_126 = arith.constant 0 : i32
      %dma_wait3A_127 = tpu.memref_slice %arg3[%dma_wait3A_126] : memref<320000xi32, #tpu.memory_space<hbm>> -> memref<176xi32, #tpu.memory_space<hbm>>
      tpu.wait_dma2 semaphore(%arg19 : memref<!tpu.dma_semaphore, #tpu.memory_space<semaphore_mem>>) src(%dma_wait3A_127 : memref<176xi32, #tpu.memory_space<hbm>>) dst(%arg8 : memref<176xi32, #tpu.memory_space<vmem>>)
      %dma_wait3A_128 = arith.constant 0 : i32
      %dma_wait3A_129 = tpu.memref_slice %arg4[%dma_wait3A_128] : memref<320000xi32, #tpu.memory_space<hbm>> -> memref<176xi32, #tpu.memory_space<hbm>>
      %dma_wait3A_130 = arith.constant 0 : i32
      %dma_wait3A_131 = tpu.memref_slice %arg4[%dma_wait3A_130] : memref<320000xi32, #tpu.memory_space<hbm>> -> memref<176xi32, #tpu.memory_space<hbm>>
      tpu.wait_dma2 semaphore(%arg23 : memref<!tpu.dma_semaphore, #tpu.memory_space<semaphore_mem>>) src(%dma_wait3A_131 : memref<176xi32, #tpu.memory_space<hbm>>) dst(%arg12 : memref<176xi32, #tpu.memory_space<vmem>>)
      %dma_start3A_132 = arith.constant 0 : i32
      %dma_start3A_133 = arith.constant 0 : i32
      %dma_start3A_134 = tpu.memref_slice %arg2[%dma_start3A_132, %dma_start3A_133] : memref<10000x128xf32, #tpu.memory_space<hbm>> -> memref<10000x128xf32, #tpu.memory_space<hbm>>
      tpu.enqueue_indirect_dma source(%dma_start3A_134 : memref<10000x128xf32, #tpu.memory_space<hbm>>) target(%arg16 : memref<176x128xf32, #tpu.memory_space<vmem>>) offsets(%arg8 : memref<176xi32, #tpu.memory_space<vmem>>) semaphore(%arg27 : memref<!tpu.dma_semaphore, #tpu.memory_space<semaphore_mem>>)
      %dma_wait3A_135 = arith.constant 0 : i32
      %dma_wait3A_136 = arith.constant 0 : i32
      %dma_wait3A_137 = tpu.memref_slice %arg2[%dma_wait3A_135, %dma_wait3A_136] : memref<10000x128xf32, #tpu.memory_space<hbm>> -> memref<10000x128xf32, #tpu.memory_space<hbm>>
      tpu.wait_indirect_dma semaphore(%arg27 : memref<!tpu.dma_semaphore, #tpu.memory_space<semaphore_mem>>) src(%dma_wait3A_137 : memref<10000x128xf32, #tpu.memory_space<hbm>>) dst(%arg16 : memref<176x128xf32, #tpu.memory_space<vmem>>)
      %mul3A_138 = arith.constant 4 : i32
      %mul3A_139 = arith.muli %mul3A_138, %scan3A_101 : i32
      %add3A_140 = arith.constant 1 : i32
      %add3A_141 = arith.addi %mul3A_139, %add3A_140 : i32
      %add3A_142 = arith.constant 2 : i32
      %add3A_143 = arith.addi %add3A_141, %add3A_142 : i32
      %mul3A_144 = arith.constant 176 : i32
      %mul3A_145 = arith.muli %add3A_143, %mul3A_144 : i32
      %add3A_146 = arith.addi %mul3A_4, %mul3A_145 : i32
      %dma_start3A_147 = tpu.memref_slice %arg3[%add3A_146] : memref<320000xi32, #tpu.memory_space<hbm>> -> memref<176xi32, #tpu.memory_space<hbm>>
      %dma_start3A_148 = tpu.memref_slice %arg3[%add3A_146] : memref<320000xi32, #tpu.memory_space<hbm>> -> memref<176xi32, #tpu.memory_space<hbm>>
      tpu.enqueue_dma source(%dma_start3A_148 : memref<176xi32, #tpu.memory_space<hbm>>) target(%arg10 : memref<176xi32, #tpu.memory_space<vmem>>) target_semaphore(%arg21 : memref<!tpu.dma_semaphore, #tpu.memory_space<semaphore_mem>>)
      %dma_start3A_149 = tpu.memref_slice %arg4[%add3A_146] : memref<320000xi32, #tpu.memory_space<hbm>> -> memref<176xi32, #tpu.memory_space<hbm>>
      %dma_start3A_150 = tpu.memref_slice %arg4[%add3A_146] : memref<320000xi32, #tpu.memory_space<hbm>> -> memref<176xi32, #tpu.memory_space<hbm>>
      tpu.enqueue_dma source(%dma_start3A_150 : memref<176xi32, #tpu.memory_space<hbm>>) target(%arg14 : memref<176xi32, #tpu.memory_space<vmem>>) target_semaphore(%arg25 : memref<!tpu.dma_semaphore, #tpu.memory_space<semaphore_mem>>)
      %dma_start3A_151 = arith.constant 0 : i32
      %dma_start3A_152 = arith.constant 0 : i32
      %dma_start3A_153 = tpu.memref_slice %arg6[%dma_start3A_151, %dma_start3A_152] : memref<10112x128xf32, #tpu.memory_space<vmem_shared>> -> memref<10112x128xf32, #tpu.memory_space<vmem_shared>>
      tpu.enqueue_indirect_dma source(%arg16 : memref<176x128xf32, #tpu.memory_space<vmem>>) target(%dma_start3A_153 : memref<10112x128xf32, #tpu.memory_space<vmem_shared>>) offsets(%arg12 : memref<176xi32, #tpu.memory_space<vmem>>) semaphore(%arg29 : memref<!tpu.dma_semaphore, #tpu.memory_space<semaphore_mem>>) {add = true}
      %dma_wait3A_154 = arith.constant 0 : i32
      %dma_wait3A_155 = arith.constant 0 : i32
      %dma_wait3A_156 = tpu.memref_slice %arg6[%dma_wait3A_154, %dma_wait3A_155] : memref<10112x128xf32, #tpu.memory_space<vmem_shared>> -> memref<10112x128xf32, #tpu.memory_space<vmem_shared>>
      tpu.wait_indirect_dma semaphore(%arg28 : memref<!tpu.dma_semaphore, #tpu.memory_space<semaphore_mem>>) src(%arg15 : memref<176x128xf32, #tpu.memory_space<vmem>>) dst(%dma_wait3A_156 : memref<10112x128xf32, #tpu.memory_space<vmem_shared>>)
      %dma_wait3A_157 = arith.constant 0 : i32
      %dma_wait3A_158 = tpu.memref_slice %arg3[%dma_wait3A_157] : memref<320000xi32, #tpu.memory_space<hbm>> -> memref<176xi32, #tpu.memory_space<hbm>>
      %dma_wait3A_159 = arith.constant 0 : i32
      %dma_wait3A_160 = tpu.memref_slice %arg3[%dma_wait3A_159] : memref<320000xi32, #tpu.memory_space<hbm>> -> memref<176xi32, #tpu.memory_space<hbm>>
      tpu.wait_dma2 semaphore(%arg20 : memref<!tpu.dma_semaphore, #tpu.memory_space<semaphore_mem>>) src(%dma_wait3A_160 : memref<176xi32, #tpu.memory_space<hbm>>) dst(%arg9 : memref<176xi32, #tpu.memory_space<vmem>>)
      %dma_wait3A_161 = arith.constant 0 : i32
      %dma_wait3A_162 = tpu.memref_slice %arg4[%dma_wait3A_161] : memref<320000xi32, #tpu.memory_space<hbm>> -> memref<176xi32, #tpu.memory_space<hbm>>
      %dma_wait3A_163 = arith.constant 0 : i32
      %dma_wait3A_164 = tpu.memref_slice %arg4[%dma_wait3A_163] : memref<320000xi32, #tpu.memory_space<hbm>> -> memref<176xi32, #tpu.memory_space<hbm>>
      tpu.wait_dma2 semaphore(%arg24 : memref<!tpu.dma_semaphore, #tpu.memory_space<semaphore_mem>>) src(%dma_wait3A_164 : memref<176xi32, #tpu.memory_space<hbm>>) dst(%arg13 : memref<176xi32, #tpu.memory_space<vmem>>)
      %dma_start3A_165 = arith.constant 0 : i32
      %dma_start3A_166 = arith.constant 0 : i32
      %dma_start3A_167 = tpu.memref_slice %arg2[%dma_start3A_165, %dma_start3A_166] : memref<10000x128xf32, #tpu.memory_space<hbm>> -> memref<10000x128xf32, #tpu.memory_space<hbm>>
      tpu.enqueue_indirect_dma source(%dma_start3A_167 : memref<10000x128xf32, #tpu.memory_space<hbm>>) target(%arg15 : memref<176x128xf32, #tpu.memory_space<vmem>>) offsets(%arg9 : memref<176xi32, #tpu.memory_space<vmem>>) semaphore(%arg26 : memref<!tpu.dma_semaphore, #tpu.memory_space<semaphore_mem>>)
      %dma_wait3A_168 = arith.constant 0 : i32
      %dma_wait3A_169 = arith.constant 0 : i32
      %dma_wait3A_170 = tpu.memref_slice %arg2[%dma_wait3A_168, %dma_wait3A_169] : memref<10000x128xf32, #tpu.memory_space<hbm>> -> memref<10000x128xf32, #tpu.memory_space<hbm>>
      tpu.wait_indirect_dma semaphore(%arg26 : memref<!tpu.dma_semaphore, #tpu.memory_space<semaphore_mem>>) src(%dma_wait3A_170 : memref<10000x128xf32, #tpu.memory_space<hbm>>) dst(%arg15 : memref<176x128xf32, #tpu.memory_space<vmem>>)
      %lt3A = arith.constant 13 : i32
      %lt3A_171 = arith.cmpi slt, %scan3A_101, %lt3A : i32
      %convert_element_type3A_172 = arith.extui %lt3A_171 : i1 to i32
      %cond3A_173 = arith.constant 0 : i32
      %cond3A_174 = arith.cmpi ne, %convert_element_type3A_172, %cond3A_173 : i32
      scf.if %cond3A_174 {
        %mul3A_212 = arith.constant 4 : i32
        %mul3A_213 = arith.muli %mul3A_212, %scan3A_101 : i32
        %add3A_214 = arith.constant 2 : i32
        %add3A_215 = arith.addi %mul3A_213, %add3A_214 : i32
        %add3A_216 = arith.constant 2 : i32
        %add3A_217 = arith.addi %add3A_215, %add3A_216 : i32
        %mul3A_218 = arith.constant 176 : i32
        %mul3A_219 = arith.muli %add3A_217, %mul3A_218 : i32
        %add3A_220 = arith.addi %mul3A_4, %mul3A_219 : i32
        %dma_start3A_221 = tpu.memref_slice %arg3[%add3A_220] : memref<320000xi32, #tpu.memory_space<hbm>> -> memref<176xi32, #tpu.memory_space<hbm>>
        %dma_start3A_222 = tpu.memref_slice %arg3[%add3A_220] : memref<320000xi32, #tpu.memory_space<hbm>> -> memref<176xi32, #tpu.memory_space<hbm>>
        tpu.enqueue_dma source(%dma_start3A_222 : memref<176xi32, #tpu.memory_space<hbm>>) target(%arg7 : memref<176xi32, #tpu.memory_space<vmem>>) target_semaphore(%arg18 : memref<!tpu.dma_semaphore, #tpu.memory_space<semaphore_mem>>)
        %dma_start3A_223 = tpu.memref_slice %arg4[%add3A_220] : memref<320000xi32, #tpu.memory_space<hbm>> -> memref<176xi32, #tpu.memory_space<hbm>>
        %dma_start3A_224 = tpu.memref_slice %arg4[%add3A_220] : memref<320000xi32, #tpu.memory_space<hbm>> -> memref<176xi32, #tpu.memory_space<hbm>>
        tpu.enqueue_dma source(%dma_start3A_224 : memref<176xi32, #tpu.memory_space<hbm>>) target(%arg11 : memref<176xi32, #tpu.memory_space<vmem>>) target_semaphore(%arg22 : memref<!tpu.dma_semaphore, #tpu.memory_space<semaphore_mem>>)
      } else {
      }
      %dma_start3A_175 = arith.constant 0 : i32
      %dma_start3A_176 = arith.constant 0 : i32
      %dma_start3A_177 = tpu.memref_slice %arg6[%dma_start3A_175, %dma_start3A_176] : memref<10112x128xf32, #tpu.memory_space<vmem_shared>> -> memref<10112x128xf32, #tpu.memory_space<vmem_shared>>
      tpu.enqueue_indirect_dma source(%arg15 : memref<176x128xf32, #tpu.memory_space<vmem>>) target(%dma_start3A_177 : memref<10112x128xf32, #tpu.memory_space<vmem_shared>>) offsets(%arg13 : memref<176xi32, #tpu.memory_space<vmem>>) semaphore(%arg28 : memref<!tpu.dma_semaphore, #tpu.memory_space<semaphore_mem>>) {add = true}
      %dma_wait3A_178 = arith.constant 0 : i32
      %dma_wait3A_179 = arith.constant 0 : i32
      %dma_wait3A_180 = tpu.memref_slice %arg6[%dma_wait3A_178, %dma_wait3A_179] : memref<10112x128xf32, #tpu.memory_space<vmem_shared>> -> memref<10112x128xf32, #tpu.memory_space<vmem_shared>>
      tpu.wait_indirect_dma semaphore(%arg29 : memref<!tpu.dma_semaphore, #tpu.memory_space<semaphore_mem>>) src(%arg16 : memref<176x128xf32, #tpu.memory_space<vmem>>) dst(%dma_wait3A_180 : memref<10112x128xf32, #tpu.memory_space<vmem_shared>>)
      %dma_wait3A_181 = arith.constant 0 : i32
      %dma_wait3A_182 = tpu.memref_slice %arg3[%dma_wait3A_181] : memref<320000xi32, #tpu.memory_space<hbm>> -> memref<176xi32, #tpu.memory_space<hbm>>
      %dma_wait3A_183 = arith.constant 0 : i32
      %dma_wait3A_184 = tpu.memref_slice %arg3[%dma_wait3A_183] : memref<320000xi32, #tpu.memory_space<hbm>> -> memref<176xi32, #tpu.memory_space<hbm>>
      tpu.wait_dma2 semaphore(%arg21 : memref<!tpu.dma_semaphore, #tpu.memory_space<semaphore_mem>>) src(%dma_wait3A_184 : memref<176xi32, #tpu.memory_space<hbm>>) dst(%arg10 : memref<176xi32, #tpu.memory_space<vmem>>)
      %dma_wait3A_185 = arith.constant 0 : i32
      %dma_wait3A_186 = tpu.memref_slice %arg4[%dma_wait3A_185] : memref<320000xi32, #tpu.memory_space<hbm>> -> memref<176xi32, #tpu.memory_space<hbm>>
      %dma_wait3A_187 = arith.constant 0 : i32
      %dma_wait3A_188 = tpu.memref_slice %arg4[%dma_wait3A_187] : memref<320000xi32, #tpu.memory_space<hbm>> -> memref<176xi32, #tpu.memory_space<hbm>>
      tpu.wait_dma2 semaphore(%arg25 : memref<!tpu.dma_semaphore, #tpu.memory_space<semaphore_mem>>) src(%dma_wait3A_188 : memref<176xi32, #tpu.memory_space<hbm>>) dst(%arg14 : memref<176xi32, #tpu.memory_space<vmem>>)
      %dma_start3A_189 = arith.constant 0 : i32
      %dma_start3A_190 = arith.constant 0 : i32
      %dma_start3A_191 = tpu.memref_slice %arg2[%dma_start3A_189, %dma_start3A_190] : memref<10000x128xf32, #tpu.memory_space<hbm>> -> memref<10000x128xf32, #tpu.memory_space<hbm>>
      tpu.enqueue_indirect_dma source(%dma_start3A_191 : memref<10000x128xf32, #tpu.memory_space<hbm>>) target(%arg16 : memref<176x128xf32, #tpu.memory_space<vmem>>) offsets(%arg10 : memref<176xi32, #tpu.memory_space<vmem>>) semaphore(%arg27 : memref<!tpu.dma_semaphore, #tpu.memory_space<semaphore_mem>>)
      %dma_wait3A_192 = arith.constant 0 : i32
      %dma_wait3A_193 = arith.constant 0 : i32
      %dma_wait3A_194 = tpu.memref_slice %arg2[%dma_wait3A_192, %dma_wait3A_193] : memref<10000x128xf32, #tpu.memory_space<hbm>> -> memref<10000x128xf32, #tpu.memory_space<hbm>>
      tpu.wait_indirect_dma semaphore(%arg27 : memref<!tpu.dma_semaphore, #tpu.memory_space<semaphore_mem>>) src(%dma_wait3A_194 : memref<10000x128xf32, #tpu.memory_space<hbm>>) dst(%arg16 : memref<176x128xf32, #tpu.memory_space<vmem>>)
      %lt3A_195 = arith.constant 13 : i32
      %lt3A_196 = arith.cmpi slt, %scan3A_101, %lt3A_195 : i32
      %convert_element_type3A_197 = arith.extui %lt3A_196 : i1 to i32
      %cond3A_198 = arith.constant 0 : i32
      %cond3A_199 = arith.cmpi ne, %convert_element_type3A_197, %cond3A_198 : i32
      scf.if %cond3A_199 {
        %mul3A_212 = arith.constant 4 : i32
        %mul3A_213 = arith.muli %mul3A_212, %scan3A_101 : i32
        %add3A_214 = arith.constant 3 : i32
        %add3A_215 = arith.addi %mul3A_213, %add3A_214 : i32
        %add3A_216 = arith.constant 2 : i32
        %add3A_217 = arith.addi %add3A_215, %add3A_216 : i32
        %mul3A_218 = arith.constant 176 : i32
        %mul3A_219 = arith.muli %add3A_217, %mul3A_218 : i32
        %add3A_220 = arith.addi %mul3A_4, %mul3A_219 : i32
        %dma_start3A_221 = tpu.memref_slice %arg3[%add3A_220] : memref<320000xi32, #tpu.memory_space<hbm>> -> memref<176xi32, #tpu.memory_space<hbm>>
        %dma_start3A_222 = tpu.memref_slice %arg3[%add3A_220] : memref<320000xi32, #tpu.memory_space<hbm>> -> memref<176xi32, #tpu.memory_space<hbm>>
        tpu.enqueue_dma source(%dma_start3A_222 : memref<176xi32, #tpu.memory_space<hbm>>) target(%arg8 : memref<176xi32, #tpu.memory_space<vmem>>) target_semaphore(%arg19 : memref<!tpu.dma_semaphore, #tpu.memory_space<semaphore_mem>>)
        %dma_start3A_223 = tpu.memref_slice %arg4[%add3A_220] : memref<320000xi32, #tpu.memory_space<hbm>> -> memref<176xi32, #tpu.memory_space<hbm>>
        %dma_start3A_224 = tpu.memref_slice %arg4[%add3A_220] : memref<320000xi32, #tpu.memory_space<hbm>> -> memref<176xi32, #tpu.memory_space<hbm>>
        tpu.enqueue_dma source(%dma_start3A_224 : memref<176xi32, #tpu.memory_space<hbm>>) target(%arg12 : memref<176xi32, #tpu.memory_space<vmem>>) target_semaphore(%arg23 : memref<!tpu.dma_semaphore, #tpu.memory_space<semaphore_mem>>)
      } else {
      }
      %dma_start3A_200 = arith.constant 0 : i32
      %dma_start3A_201 = arith.constant 0 : i32
      %dma_start3A_202 = tpu.memref_slice %arg6[%dma_start3A_200, %dma_start3A_201] : memref<10112x128xf32, #tpu.memory_space<vmem_shared>> -> memref<10112x128xf32, #tpu.memory_space<vmem_shared>>
      tpu.enqueue_indirect_dma source(%arg16 : memref<176x128xf32, #tpu.memory_space<vmem>>) target(%dma_start3A_202 : memref<10112x128xf32, #tpu.memory_space<vmem_shared>>) offsets(%arg14 : memref<176xi32, #tpu.memory_space<vmem>>) semaphore(%arg29 : memref<!tpu.dma_semaphore, #tpu.memory_space<semaphore_mem>>) {add = true}
      %dma_wait3A_203 = arith.constant 0 : i32
      %dma_wait3A_204 = arith.constant 0 : i32
      %dma_wait3A_205 = tpu.memref_slice %arg6[%dma_wait3A_203, %dma_wait3A_204] : memref<10112x128xf32, #tpu.memory_space<vmem_shared>> -> memref<10112x128xf32, #tpu.memory_space<vmem_shared>>
      tpu.wait_indirect_dma semaphore(%arg28 : memref<!tpu.dma_semaphore, #tpu.memory_space<semaphore_mem>>) src(%arg15 : memref<176x128xf32, #tpu.memory_space<vmem>>) dst(%dma_wait3A_205 : memref<10112x128xf32, #tpu.memory_space<vmem_shared>>)
      %lt3A_206 = arith.constant 13 : i32
      %lt3A_207 = arith.cmpi slt, %scan3A_101, %lt3A_206 : i32
      %convert_element_type3A_208 = arith.extui %lt3A_207 : i1 to i32
      %cond3A_209 = arith.constant 0 : i32
      %cond3A_210 = arith.cmpi ne, %convert_element_type3A_208, %cond3A_209 : i32
      scf.if %cond3A_210 {
        %dma_wait3A_212 = arith.constant 0 : i32
        %dma_wait3A_213 = tpu.memref_slice %arg3[%dma_wait3A_212] : memref<320000xi32, #tpu.memory_space<hbm>> -> memref<176xi32, #tpu.memory_space<hbm>>
        %dma_wait3A_214 = arith.constant 0 : i32
        %dma_wait3A_215 = tpu.memref_slice %arg3[%dma_wait3A_214] : memref<320000xi32, #tpu.memory_space<hbm>> -> memref<176xi32, #tpu.memory_space<hbm>>
        tpu.wait_dma2 semaphore(%arg18 : memref<!tpu.dma_semaphore, #tpu.memory_space<semaphore_mem>>) src(%dma_wait3A_215 : memref<176xi32, #tpu.memory_space<hbm>>) dst(%arg7 : memref<176xi32, #tpu.memory_space<vmem>>)
        %dma_wait3A_216 = arith.constant 0 : i32
        %dma_wait3A_217 = tpu.memref_slice %arg4[%dma_wait3A_216] : memref<320000xi32, #tpu.memory_space<hbm>> -> memref<176xi32, #tpu.memory_space<hbm>>
        %dma_wait3A_218 = arith.constant 0 : i32
        %dma_wait3A_219 = tpu.memref_slice %arg4[%dma_wait3A_218] : memref<320000xi32, #tpu.memory_space<hbm>> -> memref<176xi32, #tpu.memory_space<hbm>>
        tpu.wait_dma2 semaphore(%arg22 : memref<!tpu.dma_semaphore, #tpu.memory_space<semaphore_mem>>) src(%dma_wait3A_219 : memref<176xi32, #tpu.memory_space<hbm>>) dst(%arg11 : memref<176xi32, #tpu.memory_space<vmem>>)
        %dma_start3A_220 = arith.constant 0 : i32
        %dma_start3A_221 = arith.constant 0 : i32
        %dma_start3A_222 = tpu.memref_slice %arg2[%dma_start3A_220, %dma_start3A_221] : memref<10000x128xf32, #tpu.memory_space<hbm>> -> memref<10000x128xf32, #tpu.memory_space<hbm>>
        tpu.enqueue_indirect_dma source(%dma_start3A_222 : memref<10000x128xf32, #tpu.memory_space<hbm>>) target(%arg15 : memref<176x128xf32, #tpu.memory_space<vmem>>) offsets(%arg7 : memref<176xi32, #tpu.memory_space<vmem>>) semaphore(%arg26 : memref<!tpu.dma_semaphore, #tpu.memory_space<semaphore_mem>>)
      } else {
      }
      %scan3A_211 = arith.constant 0 : i32
      scf.yield %scan3A_211 : i32
    }
    %scan3A_46 = arith.constant 14 : i32
    %dma_wait3A_47 = arith.constant 0 : i32
    %dma_wait3A_48 = arith.constant 0 : i32
    %dma_wait3A_49 = tpu.memref_slice %arg6[%dma_wait3A_47, %dma_wait3A_48] : memref<10112x128xf32, #tpu.memory_space<vmem_shared>> -> memref<10112x128xf32, #tpu.memory_space<vmem_shared>>
    tpu.wait_indirect_dma semaphore(%arg29 : memref<!tpu.dma_semaphore, #tpu.memory_space<semaphore_mem>>) src(%arg16 : memref<176x128xf32, #tpu.memory_space<vmem>>) dst(%dma_wait3A_49 : memref<10112x128xf32, #tpu.memory_space<vmem_shared>>)
    %add3A_50 = arith.constant 9856 : i32
    %add3A_51 = arith.addi %mul3A_4, %add3A_50 : i32
    %dma_start3A_52 = arith.constant 0 : i32
    %dma_start3A_53 = tpu.memref_slice %arg7[%dma_start3A_52] : memref<176xi32, #tpu.memory_space<vmem>> -> memref<144xi32, #tpu.memory_space<vmem>>
    %dma_start3A_54 = tpu.memref_slice %arg3[%add3A_51] : memref<320000xi32, #tpu.memory_space<hbm>> -> memref<144xi32, #tpu.memory_space<hbm>>
    %dma_start3A_55 = arith.constant 0 : i32
    %dma_start3A_56 = tpu.memref_slice %arg7[%dma_start3A_55] : memref<176xi32, #tpu.memory_space<vmem>> -> memref<144xi32, #tpu.memory_space<vmem>>
    %dma_start3A_57 = tpu.memref_slice %arg3[%add3A_51] : memref<320000xi32, #tpu.memory_space<hbm>> -> memref<144xi32, #tpu.memory_space<hbm>>
    tpu.enqueue_dma source(%dma_start3A_57 : memref<144xi32, #tpu.memory_space<hbm>>) target(%dma_start3A_56 : memref<144xi32, #tpu.memory_space<vmem>>) target_semaphore(%arg18 : memref<!tpu.dma_semaphore, #tpu.memory_space<semaphore_mem>>)
    %dma_start3A_58 = tpu.memref_slice %arg4[%add3A_51] : memref<320000xi32, #tpu.memory_space<hbm>> -> memref<144xi32, #tpu.memory_space<hbm>>
    %dma_start3A_59 = tpu.memref_slice %arg4[%add3A_51] : memref<320000xi32, #tpu.memory_space<hbm>> -> memref<144xi32, #tpu.memory_space<hbm>>
    tpu.enqueue_dma source(%dma_start3A_59 : memref<144xi32, #tpu.memory_space<hbm>>) target(%arg17 : memref<144xi32, #tpu.memory_space<vmem>>) target_semaphore(%arg22 : memref<!tpu.dma_semaphore, #tpu.memory_space<semaphore_mem>>)
    %dma_wait3A_60 = arith.constant 0 : i32
    %dma_wait3A_61 = tpu.memref_slice %arg7[%dma_wait3A_60] : memref<176xi32, #tpu.memory_space<vmem>> -> memref<144xi32, #tpu.memory_space<vmem>>
    %dma_wait3A_62 = arith.constant 0 : i32
    %dma_wait3A_63 = tpu.memref_slice %arg3[%dma_wait3A_62] : memref<320000xi32, #tpu.memory_space<hbm>> -> memref<144xi32, #tpu.memory_space<hbm>>
    %dma_wait3A_64 = arith.constant 0 : i32
    %dma_wait3A_65 = tpu.memref_slice %arg7[%dma_wait3A_64] : memref<176xi32, #tpu.memory_space<vmem>> -> memref<144xi32, #tpu.memory_space<vmem>>
    %dma_wait3A_66 = arith.constant 0 : i32
    %dma_wait3A_67 = tpu.memref_slice %arg3[%dma_wait3A_66] : memref<320000xi32, #tpu.memory_space<hbm>> -> memref<144xi32, #tpu.memory_space<hbm>>
    tpu.wait_dma2 semaphore(%arg18 : memref<!tpu.dma_semaphore, #tpu.memory_space<semaphore_mem>>) src(%dma_wait3A_67 : memref<144xi32, #tpu.memory_space<hbm>>) dst(%dma_wait3A_65 : memref<144xi32, #tpu.memory_space<vmem>>)
    %dma_wait3A_68 = arith.constant 0 : i32
    %dma_wait3A_69 = tpu.memref_slice %arg4[%dma_wait3A_68] : memref<320000xi32, #tpu.memory_space<hbm>> -> memref<144xi32, #tpu.memory_space<hbm>>
    %dma_wait3A_70 = arith.constant 0 : i32
    %dma_wait3A_71 = tpu.memref_slice %arg4[%dma_wait3A_70] : memref<320000xi32, #tpu.memory_space<hbm>> -> memref<144xi32, #tpu.memory_space<hbm>>
    tpu.wait_dma2 semaphore(%arg22 : memref<!tpu.dma_semaphore, #tpu.memory_space<semaphore_mem>>) src(%dma_wait3A_71 : memref<144xi32, #tpu.memory_space<hbm>>) dst(%arg17 : memref<144xi32, #tpu.memory_space<vmem>>)
    %dma_start3A_72 = arith.constant 0 : i32
    %dma_start3A_73 = arith.constant 0 : i32
    %dma_start3A_74 = tpu.memref_slice %arg15[%dma_start3A_72, %dma_start3A_73] : memref<176x128xf32, #tpu.memory_space<vmem>> -> memref<144x128xf32, #tpu.memory_space<vmem>>
    %dma_start3A_75 = arith.constant 0 : i32
    %dma_start3A_76 = tpu.memref_slice %arg7[%dma_start3A_75] : memref<176xi32, #tpu.memory_space<vmem>> -> memref<144xi32, #tpu.memory_space<vmem>>
    %dma_start3A_77 = arith.constant 0 : i32
    %dma_start3A_78 = arith.constant 0 : i32
    %dma_start3A_79 = tpu.memref_slice %arg2[%dma_start3A_77, %dma_start3A_78] : memref<10000x128xf32, #tpu.memory_space<hbm>> -> memref<10000x128xf32, #tpu.memory_space<hbm>>
    tpu.enqueue_indirect_dma source(%dma_start3A_79 : memref<10000x128xf32, #tpu.memory_space<hbm>>) target(%dma_start3A_74 : memref<144x128xf32, #tpu.memory_space<vmem>>) offsets(%dma_start3A_76 : memref<144xi32, #tpu.memory_space<vmem>>) semaphore(%arg26 : memref<!tpu.dma_semaphore, #tpu.memory_space<semaphore_mem>>)
    %dma_wait3A_80 = arith.constant 0 : i32
    %dma_wait3A_81 = arith.constant 0 : i32
    %dma_wait3A_82 = tpu.memref_slice %arg15[%dma_wait3A_80, %dma_wait3A_81] : memref<176x128xf32, #tpu.memory_space<vmem>> -> memref<144x128xf32, #tpu.memory_space<vmem>>
    %dma_wait3A_83 = arith.constant 0 : i32
    %dma_wait3A_84 = tpu.memref_slice %arg7[%dma_wait3A_83] : memref<176xi32, #tpu.memory_space<vmem>> -> memref<144xi32, #tpu.memory_space<vmem>>
    %dma_wait3A_85 = arith.constant 0 : i32
    %dma_wait3A_86 = arith.constant 0 : i32
    %dma_wait3A_87 = tpu.memref_slice %arg2[%dma_wait3A_85, %dma_wait3A_86] : memref<10000x128xf32, #tpu.memory_space<hbm>> -> memref<10000x128xf32, #tpu.memory_space<hbm>>
    tpu.wait_indirect_dma semaphore(%arg26 : memref<!tpu.dma_semaphore, #tpu.memory_space<semaphore_mem>>) src(%dma_wait3A_87 : memref<10000x128xf32, #tpu.memory_space<hbm>>) dst(%dma_wait3A_82 : memref<144x128xf32, #tpu.memory_space<vmem>>)
    %dma_start3A_88 = arith.constant 0 : i32
    %dma_start3A_89 = arith.constant 0 : i32
    %dma_start3A_90 = tpu.memref_slice %arg15[%dma_start3A_88, %dma_start3A_89] : memref<176x128xf32, #tpu.memory_space<vmem>> -> memref<144x128xf32, #tpu.memory_space<vmem>>
    %dma_start3A_91 = arith.constant 0 : i32
    %dma_start3A_92 = arith.constant 0 : i32
    %dma_start3A_93 = tpu.memref_slice %arg6[%dma_start3A_91, %dma_start3A_92] : memref<10112x128xf32, #tpu.memory_space<vmem_shared>> -> memref<10112x128xf32, #tpu.memory_space<vmem_shared>>
    tpu.enqueue_indirect_dma source(%dma_start3A_90 : memref<144x128xf32, #tpu.memory_space<vmem>>) target(%dma_start3A_93 : memref<10112x128xf32, #tpu.memory_space<vmem_shared>>) offsets(%arg17 : memref<144xi32, #tpu.memory_space<vmem>>) semaphore(%arg28 : memref<!tpu.dma_semaphore, #tpu.memory_space<semaphore_mem>>) {add = true}
    %dma_wait3A_94 = arith.constant 0 : i32
    %dma_wait3A_95 = arith.constant 0 : i32
    %dma_wait3A_96 = tpu.memref_slice %arg15[%dma_wait3A_94, %dma_wait3A_95] : memref<176x128xf32, #tpu.memory_space<vmem>> -> memref<144x128xf32, #tpu.memory_space<vmem>>
    %dma_wait3A_97 = arith.constant 0 : i32
    %dma_wait3A_98 = arith.constant 0 : i32
    %dma_wait3A_99 = tpu.memref_slice %arg6[%dma_wait3A_97, %dma_wait3A_98] : memref<10112x128xf32, #tpu.memory_space<vmem_shared>> -> memref<10112x128xf32, #tpu.memory_space<vmem_shared>>
    tpu.wait_indirect_dma semaphore(%arg28 : memref<!tpu.dma_semaphore, #tpu.memory_space<semaphore_mem>>) src(%dma_wait3A_96 : memref<144x128xf32, #tpu.memory_space<vmem>>) dst(%dma_wait3A_99 : memref<10112x128xf32, #tpu.memory_space<vmem_shared>>)
    %barrier3A_100 = arith.constant 0 : index
    tpu.barrier barrier_id(%barrier3A_100)
    "tpu.region"() ({
      %run_scoped3A = tpu.sem_alloc : memref<!tpu.dma_semaphore, #tpu.memory_space<semaphore_mem>>
      %dma_start3A_101 = arith.constant 0 : i32
      %dma_start3A_102 = tpu.memref_slice %arg5[%arg0, %mul3A_2, %dma_start3A_101] : memref<2x10112x128xf32, #tpu.memory_space<hbm>> -> memref<1x632x128xf32, #tpu.memory_space<hbm>>
      %dma_start3A_103 = tpu.memref_squeeze %dma_start3A_102 : memref<1x632x128xf32, #tpu.memory_space<hbm>> -> memref<632x128xf32, #tpu.memory_space<hbm>>
      %dma_start3A_104 = arith.constant 0 : i32
      %dma_start3A_105 = tpu.memref_slice %arg6[%mul3A_2, %dma_start3A_104] : memref<10112x128xf32, #tpu.memory_space<vmem_shared>> -> memref<632x128xf32, #tpu.memory_space<vmem_shared>>
      tpu.enqueue_dma source(%dma_start3A_105 : memref<632x128xf32, #tpu.memory_space<vmem_shared>>) target(%dma_start3A_103 : memref<632x128xf32, #tpu.memory_space<hbm>>) target_semaphore(%run_scoped3A : memref<!tpu.dma_semaphore, #tpu.memory_space<semaphore_mem>>)
      %dma_wait3A_106 = arith.constant 0 : i32
      %dma_wait3A_107 = tpu.memref_slice %arg5[%arg0, %mul3A_2, %dma_wait3A_106] : memref<2x10112x128xf32, #tpu.memory_space<hbm>> -> memref<1x632x128xf32, #tpu.memory_space<hbm>>
      %dma_wait3A_108 = tpu.memref_squeeze %dma_wait3A_107 : memref<1x632x128xf32, #tpu.memory_space<hbm>> -> memref<632x128xf32, #tpu.memory_space<hbm>>
      %dma_wait3A_109 = arith.constant 0 : i32
      %dma_wait3A_110 = tpu.memref_slice %arg6[%mul3A_2, %dma_wait3A_109] : memref<10112x128xf32, #tpu.memory_space<vmem_shared>> -> memref<632x128xf32, #tpu.memory_space<vmem_shared>>
      tpu.wait_dma2 semaphore(%run_scoped3A : memref<!tpu.dma_semaphore, #tpu.memory_space<semaphore_mem>>) src(%dma_wait3A_110 : memref<632x128xf32, #tpu.memory_space<vmem_shared>>) dst(%dma_wait3A_108 : memref<632x128xf32, #tpu.memory_space<hbm>>)
      tpu.yield
    }) : () -> ()
    return
  }
}

module attributes {stable_mosaic.version = 14 : i64} {
  func.func @body(%arg0: i32, %arg1: memref<2x1000x128xf32, #tpu.memory_space<vmem>>, %arg2: memref<2x1000x1xf32, #tpu.memory_space<vmem>>, %arg3: memref<1000x128xf32, #tpu.memory_space<vmem>>, %arg4: memref<128x128xf32, #tpu.memory_space<vmem>>, %arg5: memref<128x128xf32, #tpu.memory_space<vmem>>, %arg6: memref<128xf32, #tpu.memory_space<vmem>>, %arg7: memref<1000x128xf32, #tpu.memory_space<vmem>>) attributes {dimension_semantics = [#tpu.dimension_semantics<arbitrary>], iteration_bounds = array<i64: 10>, scalar_prefetch = 0 : i64, scratch_operands = 0 : i64, tpu.core_type = #tpu.core_type<tc>, window_params = [{transform_indices = @transform_0, window_bounds = array<i64: 2, 1000, 128>}, {transform_indices = @transform_1, window_bounds = array<i64: 2, 1000, 1>}, {transform_indices = @transform_2, window_bounds = array<i64: 1000, 128>}, {pipeline_mode = #tpu.pipeline_mode<synchronous>, transform_indices = @transform_3, window_bounds = array<i64: 128, 128>}, {pipeline_mode = #tpu.pipeline_mode<synchronous>, transform_indices = @transform_4, window_bounds = array<i64: 128, 128>}, {pipeline_mode = #tpu.pipeline_mode<synchronous>, transform_indices = @transform_5, window_bounds = array<i64: 128>}, {transform_indices = @transform_6, window_bounds = array<i64: 1000, 128>}]} {
    %get3A = arith.constant 0 : index
    %get3A_0 = arith.constant 0 : index
    %get3A_1 = arith.constant 0 : index
    %get3A_2 = vector.load %arg1[%get3A, %get3A_0, %get3A_1] : memref<2x1000x128xf32, #tpu.memory_space<vmem>>, vector<1x1000x128xf32>
    %get3A_3 = vector.shape_cast %get3A_2 : vector<1x1000x128xf32> to vector<1000x128xf32>
    %get3A_4 = arith.constant 1 : index
    %get3A_5 = arith.constant 0 : index
    %get3A_6 = arith.constant 0 : index
    %get3A_7 = vector.load %arg1[%get3A_4, %get3A_5, %get3A_6] : memref<2x1000x128xf32, #tpu.memory_space<vmem>>, vector<1x1000x128xf32>
    %get3A_8 = vector.shape_cast %get3A_7 : vector<1x1000x128xf32> to vector<1000x128xf32>
    %add3A = arith.addf %get3A_3, %get3A_8 : vector<1000x128xf32>
    %get3A_9 = arith.constant 0 : index
    %get3A_10 = arith.constant 0 : index
    %get3A_11 = arith.constant 0 : index
    %get3A_12 = vector.load %arg2[%get3A_9, %get3A_10, %get3A_11] : memref<2x1000x1xf32, #tpu.memory_space<vmem>>, vector<1x1000x1xf32>
    %get3A_13 = vector.shape_cast %get3A_12 : vector<1x1000x1xf32> to vector<1000x1xf32>
    %get3A_14 = arith.constant 1 : index
    %get3A_15 = arith.constant 0 : index
    %get3A_16 = arith.constant 0 : index
    %get3A_17 = vector.load %arg2[%get3A_14, %get3A_15, %get3A_16] : memref<2x1000x1xf32, #tpu.memory_space<vmem>>, vector<1x1000x1xf32>
    %get3A_18 = vector.shape_cast %get3A_17 : vector<1x1000x1xf32> to vector<1000x1xf32>
    %add3A_19 = arith.addf %get3A_13, %get3A_18 : vector<1000x1xf32>
    %max3A = arith.constant 1.000000e+00 : f32
    %max3A_20 = vector.broadcast %max3A : f32 to vector<1000x1xf32>
    %max3A_21 = arith.maximumf %add3A_19, %max3A_20 : vector<1000x1xf32>
    %div3A = vector.broadcast %max3A_21 : vector<1000x1xf32> to vector<1000x128xf32>
    %div3A_22 = arith.divf %add3A, %div3A : vector<1000x128xf32>
    %get3A_23 = arith.constant 0 : index
    %get3A_24 = arith.constant 0 : index
    %get3A_25 = vector.load %arg4[%get3A_23, %get3A_24] : memref<128x128xf32, #tpu.memory_space<vmem>>, vector<128x128xf32>
    %dot_general3A = arith.constant dense<0.000000e+00> : vector<1000x128xf32>
    %dot_general3A_26 = tpu.matmul %div3A_22, %get3A_25, %dot_general3A {dimension_numbers = #tpu.dot_dimension_numbers<[1], [1], [0], [0], [0, 0, 1, 0], [], []>, transpose_lhs_hint = false} : vector<1000x128xf32>, vector<128x128xf32>, vector<1000x128xf32> -> vector<1000x128xf32>
    %get3A_27 = arith.constant 0 : index
    %get3A_28 = arith.constant 0 : index
    %get3A_29 = vector.load %arg3[%get3A_27, %get3A_28] : memref<1000x128xf32, #tpu.memory_space<vmem>>, vector<1000x128xf32>
    %get3A_30 = arith.constant 0 : index
    %get3A_31 = arith.constant 0 : index
    %get3A_32 = vector.load %arg5[%get3A_30, %get3A_31] : memref<128x128xf32, #tpu.memory_space<vmem>>, vector<128x128xf32>
    %dot_general3A_33 = arith.constant dense<0.000000e+00> : vector<1000x128xf32>
    %dot_general3A_34 = tpu.matmul %get3A_29, %get3A_32, %dot_general3A_33 {dimension_numbers = #tpu.dot_dimension_numbers<[1], [1], [0], [0], [0, 0, 1, 0], [], []>, transpose_lhs_hint = false} : vector<1000x128xf32>, vector<128x128xf32>, vector<1000x128xf32> -> vector<1000x128xf32>
    %add3A_35 = arith.addf %dot_general3A_26, %dot_general3A_34 : vector<1000x128xf32>
    %get3A_36 = arith.constant 0 : index
    %get3A_37 = vector.load %arg6[%get3A_36] : memref<128xf32, #tpu.memory_space<vmem>>, vector<128xf32>
    %broadcast_in_dim3A = vector.shape_cast %get3A_37 : vector<128xf32> to vector<1x128xf32>
    %add3A_38 = vector.broadcast %broadcast_in_dim3A : vector<1x128xf32> to vector<1000x128xf32>
    %add3A_39 = arith.addf %add3A_35, %add3A_38 : vector<1000x128xf32>
    %max3A_40 = arith.constant 0.000000e+00 : f32
    %max3A_41 = vector.broadcast %max3A_40 : f32 to vector<1000x128xf32>
    %max3A_42 = arith.maximumf %add3A_39, %max3A_41 : vector<1000x128xf32>
    %swap3A = arith.constant 0 : index
    %swap3A_43 = arith.constant 0 : index
    %swap3A_44 = vector.load %arg7[%swap3A, %swap3A_43] : memref<1000x128xf32, #tpu.memory_space<vmem>>, vector<1000x128xf32>
    tpu.vector_store %arg7[%swap3A, %swap3A_43], %max3A_42 {strides = array<i32>} : memref<1000x128xf32, #tpu.memory_space<vmem>>, vector<1000x128xf32>,
    return
  }
  func.func @transform_0(%arg0: i32) -> (i32, i32, i32) {
    %c0_i32 = arith.constant 0 : i32
    %c0_i32_0 = arith.constant 0 : i32
    %c0_i32_1 = arith.constant 0 : i32
    return %c0_i32, %arg0, %c0_i32_0 : i32, i32, i32
  }
  func.func @transform_1(%arg0: i32) -> (i32, i32, i32) {
    %c0_i32 = arith.constant 0 : i32
    %c0_i32_0 = arith.constant 0 : i32
    %c0_i32_1 = arith.constant 0 : i32
    return %c0_i32, %arg0, %c0_i32_0 : i32, i32, i32
  }
  func.func @transform_2(%arg0: i32) -> (i32, i32) {
    %c0_i32 = arith.constant 0 : i32
    %c0_i32_0 = arith.constant 0 : i32
    return %arg0, %c0_i32 : i32, i32
  }
  func.func @transform_3(%arg0: i32) -> (i32, i32) {
    %c0_i32 = arith.constant 0 : i32
    %c0_i32_0 = arith.constant 0 : i32
    %c0_i32_1 = arith.constant 0 : i32
    return %c0_i32, %c0_i32_0 : i32, i32
  }
  func.func @transform_4(%arg0: i32) -> (i32, i32) {
    %c0_i32 = arith.constant 0 : i32
    %c0_i32_0 = arith.constant 0 : i32
    %c0_i32_1 = arith.constant 0 : i32
    return %c0_i32, %c0_i32_0 : i32, i32
  }
  func.func @transform_5(%arg0: i32) -> i32 {
    %c0_i32 = arith.constant 0 : i32
    %c0_i32_0 = arith.constant 0 : i32
    return %c0_i32 : i32
  }
  func.func @transform_6(%arg0: i32) -> (i32, i32) {
    %c0_i32 = arith.constant 0 : i32
    %c0_i32_0 = arith.constant 0 : i32
    return %arg0, %c0_i32 : i32, i32
  }
}

module attributes {stable_mosaic.version = 14 : i64} {
  func.func @body(%arg0: i32, %arg1: memref<2x1000x128xf32, #tpu.memory_space<vmem>>, %arg2: memref<2x1000x1xf32, #tpu.memory_space<vmem>>, %arg3: memref<1000x128xf32, #tpu.memory_space<vmem>>, %arg4: memref<64x128xf32, #tpu.memory_space<vmem>>, %arg5: memref<64x128xf32, #tpu.memory_space<vmem>>, %arg6: memref<64xf32, #tpu.memory_space<vmem>>, %arg7: memref<1000x64xf32, #tpu.memory_space<vmem>>) attributes {dimension_semantics = [#tpu.dimension_semantics<arbitrary>], iteration_bounds = array<i64: 10>, scalar_prefetch = 0 : i64, scratch_operands = 0 : i64, tpu.core_type = #tpu.core_type<tc>, window_params = [{transform_indices = @transform_0, window_bounds = array<i64: 2, 1000, 128>}, {transform_indices = @transform_1, window_bounds = array<i64: 2, 1000, 1>}, {transform_indices = @transform_2, window_bounds = array<i64: 1000, 128>}, {pipeline_mode = #tpu.pipeline_mode<synchronous>, transform_indices = @transform_3, window_bounds = array<i64: 64, 128>}, {pipeline_mode = #tpu.pipeline_mode<synchronous>, transform_indices = @transform_4, window_bounds = array<i64: 64, 128>}, {pipeline_mode = #tpu.pipeline_mode<synchronous>, transform_indices = @transform_5, window_bounds = array<i64: 64>}, {transform_indices = @transform_6, window_bounds = array<i64: 1000, 64>}]} {
    %get3A = arith.constant 0 : index
    %get3A_0 = arith.constant 0 : index
    %get3A_1 = arith.constant 0 : index
    %get3A_2 = vector.load %arg1[%get3A, %get3A_0, %get3A_1] : memref<2x1000x128xf32, #tpu.memory_space<vmem>>, vector<1x1000x128xf32>
    %get3A_3 = vector.shape_cast %get3A_2 : vector<1x1000x128xf32> to vector<1000x128xf32>
    %get3A_4 = arith.constant 1 : index
    %get3A_5 = arith.constant 0 : index
    %get3A_6 = arith.constant 0 : index
    %get3A_7 = vector.load %arg1[%get3A_4, %get3A_5, %get3A_6] : memref<2x1000x128xf32, #tpu.memory_space<vmem>>, vector<1x1000x128xf32>
    %get3A_8 = vector.shape_cast %get3A_7 : vector<1x1000x128xf32> to vector<1000x128xf32>
    %add3A = arith.addf %get3A_3, %get3A_8 : vector<1000x128xf32>
    %get3A_9 = arith.constant 0 : index
    %get3A_10 = arith.constant 0 : index
    %get3A_11 = arith.constant 0 : index
    %get3A_12 = vector.load %arg2[%get3A_9, %get3A_10, %get3A_11] : memref<2x1000x1xf32, #tpu.memory_space<vmem>>, vector<1x1000x1xf32>
    %get3A_13 = vector.shape_cast %get3A_12 : vector<1x1000x1xf32> to vector<1000x1xf32>
    %get3A_14 = arith.constant 1 : index
    %get3A_15 = arith.constant 0 : index
    %get3A_16 = arith.constant 0 : index
    %get3A_17 = vector.load %arg2[%get3A_14, %get3A_15, %get3A_16] : memref<2x1000x1xf32, #tpu.memory_space<vmem>>, vector<1x1000x1xf32>
    %get3A_18 = vector.shape_cast %get3A_17 : vector<1x1000x1xf32> to vector<1000x1xf32>
    %add3A_19 = arith.addf %get3A_13, %get3A_18 : vector<1000x1xf32>
    %max3A = arith.constant 1.000000e+00 : f32
    %max3A_20 = vector.broadcast %max3A : f32 to vector<1000x1xf32>
    %max3A_21 = arith.maximumf %add3A_19, %max3A_20 : vector<1000x1xf32>
    %div3A = vector.broadcast %max3A_21 : vector<1000x1xf32> to vector<1000x128xf32>
    %div3A_22 = arith.divf %add3A, %div3A : vector<1000x128xf32>
    %get3A_23 = arith.constant 0 : index
    %get3A_24 = arith.constant 0 : index
    %get3A_25 = vector.load %arg4[%get3A_23, %get3A_24] : memref<64x128xf32, #tpu.memory_space<vmem>>, vector<64x128xf32>
    %dot_general3A = arith.constant dense<0.000000e+00> : vector<1000x64xf32>
    %dot_general3A_26 = tpu.matmul %div3A_22, %get3A_25, %dot_general3A {dimension_numbers = #tpu.dot_dimension_numbers<[1], [1], [0], [0], [0, 0, 1, 0], [], []>, transpose_lhs_hint = false} : vector<1000x128xf32>, vector<64x128xf32>, vector<1000x64xf32> -> vector<1000x64xf32>
    %get3A_27 = arith.constant 0 : index
    %get3A_28 = arith.constant 0 : index
    %get3A_29 = vector.load %arg3[%get3A_27, %get3A_28] : memref<1000x128xf32, #tpu.memory_space<vmem>>, vector<1000x128xf32>
    %get3A_30 = arith.constant 0 : index
    %get3A_31 = arith.constant 0 : index
    %get3A_32 = vector.load %arg5[%get3A_30, %get3A_31] : memref<64x128xf32, #tpu.memory_space<vmem>>, vector<64x128xf32>
    %dot_general3A_33 = arith.constant dense<0.000000e+00> : vector<1000x64xf32>
    %dot_general3A_34 = tpu.matmul %get3A_29, %get3A_32, %dot_general3A_33 {dimension_numbers = #tpu.dot_dimension_numbers<[1], [1], [0], [0], [0, 0, 1, 0], [], []>, transpose_lhs_hint = false} : vector<1000x128xf32>, vector<64x128xf32>, vector<1000x64xf32> -> vector<1000x64xf32>
    %add3A_35 = arith.addf %dot_general3A_26, %dot_general3A_34 : vector<1000x64xf32>
    %get3A_36 = arith.constant 0 : index
    %get3A_37 = vector.load %arg6[%get3A_36] : memref<64xf32, #tpu.memory_space<vmem>>, vector<64xf32>
    %broadcast_in_dim3A = vector.shape_cast %get3A_37 : vector<64xf32> to vector<1x64xf32>
    %add3A_38 = vector.broadcast %broadcast_in_dim3A : vector<1x64xf32> to vector<1000x64xf32>
    %add3A_39 = arith.addf %add3A_35, %add3A_38 : vector<1000x64xf32>
    %swap3A = arith.constant 0 : index
    %swap3A_40 = arith.constant 0 : index
    %swap3A_41 = vector.load %arg7[%swap3A, %swap3A_40] : memref<1000x64xf32, #tpu.memory_space<vmem>>, vector<1000x64xf32>
    tpu.vector_store %arg7[%swap3A, %swap3A_40], %add3A_39 {strides = array<i32>} : memref<1000x64xf32, #tpu.memory_space<vmem>>, vector<1000x64xf32>,
    return
  }
  func.func @transform_0(%arg0: i32) -> (i32, i32, i32) {
    %c0_i32 = arith.constant 0 : i32
    %c0_i32_0 = arith.constant 0 : i32
    %c0_i32_1 = arith.constant 0 : i32
    return %c0_i32, %arg0, %c0_i32_0 : i32, i32, i32
  }
  func.func @transform_1(%arg0: i32) -> (i32, i32, i32) {
    %c0_i32 = arith.constant 0 : i32
    %c0_i32_0 = arith.constant 0 : i32
    %c0_i32_1 = arith.constant 0 : i32
    return %c0_i32, %arg0, %c0_i32_0 : i32, i32, i32
  }
  func.func @transform_2(%arg0: i32) -> (i32, i32) {
    %c0_i32 = arith.constant 0 : i32
    %c0_i32_0 = arith.constant 0 : i32
    return %arg0, %c0_i32 : i32, i32
  }
  func.func @transform_3(%arg0: i32) -> (i32, i32) {
    %c0_i32 = arith.constant 0 : i32
    %c0_i32_0 = arith.constant 0 : i32
    %c0_i32_1 = arith.constant 0 : i32
    return %c0_i32, %c0_i32_0 : i32, i32
  }
  func.func @transform_4(%arg0: i32) -> (i32, i32) {
    %c0_i32 = arith.constant 0 : i32
    %c0_i32_0 = arith.constant 0 : i32
    %c0_i32_1 = arith.constant 0 : i32
    return %c0_i32, %c0_i32_0 : i32, i32
  }
  func.func @transform_5(%arg0: i32) -> i32 {
    %c0_i32 = arith.constant 0 : i32
    %c0_i32_0 = arith.constant 0 : i32
    return %c0_i32 : i32
  }
  func.func @transform_6(%arg0: i32) -> (i32, i32) {
    %c0_i32 = arith.constant 0 : i32
    %c0_i32_0 = arith.constant 0 : i32
    return %arg0, %c0_i32 : i32, i32
  }
}

</mosaic_0001>

<sc_bundles>
// kernel: kernel.10.cloned.1.call-start
scs
__scs_entry_jumppad:
0x0: {  	(pc) =	sbr.rel $0x88, $3  }
0x1: {  	(tag) =	ssettag $0x0;
	lr =	simm.s32 $0x1  }
0x2: {  	[smem:$0x3F98] =	sst lr;
	_ =	strace $0xD0000000  }
0x3: {  	_ = 	snop  }
0x4: {  	_ = 	snop  }
0x5: {  	_ = 	snop  }
0x6: {  	_ = 	snop  }
0x7: {  	_ = 	snop  }
__scs_overlays_trampoline_lowered:
0x8: {  	[smem:$0x3FA7] =	sst s0  }
0x9: {  	[smem:$0x3FA8] =	sst s1  }
0xa: {  	[smem:$0x3FA9] =	sst s2  }
0xb: {  	[smem:$0x3FAA] =	sst s3  }
0xc: {  	[smem:$0x3FAB] =	sst s4  }
0xd: {  	[smem:$0x3FAC] =	sst s5  }
0xe: {  	[smem:$0x3FAD] =	sst s6  }
0xf: {  	[smem:$0x3FAE] =	sst s7  }
0x10: {  	[smem:$0x3FAF] =	sst s8  }
0x11: {  	[smem:$0x3FB0] =	sst s9;
	s0 =	simm.s32 @!p0 $0x0  }
0x12: {  	s1 =	sld [smem:$0x3F96];
	s0 =	simm.s32 @p0 $0x1  }
0x13: {  	[smem:$0x3FB1] =	sst s0;
	s0 =	simm.s32 @!p1 $0x0  }
0x14: {  	s2 =	sld [smem:$0x3F95];
	s0 =	simm.s32 @p1 $0x1  }
0x15: {  	[smem:$0x3FB2] =	sst s0;
	s0 =	simm.s32 @!p2 $0x0  }
0x16: {  	s3 =	sld [smem:$0x3FDB];
	s0 =	simm.s32 @p2 $0x1  }
0x17: {  	s4 =	simm.s32 $0x1BF5;
	[smem:$0x3FB4] =	sst s0  }
0x18: {  	s0 =	sld [smem:$0x3F97];
	_ =	swait.ge [sflag:s4], $0x0  }
0x19: {  	s7 =	sld [smem:$0x3F98]  }
0x1a: {  	s8 =	sadd.s32 $0xFFFFE003, lr  }
0x1b: {  	s9 =	sadd.s32 $0xFFFFFEF7, lr;
	s5 =	simm.s32 $0xFFFFFFFF;
	p2 =	slt.u32 s8, $0xFFFFF086  }
0x1c: {  	p1 =	slt.u32 s9, $0xF7A;
	s5 =	simm.s32 @!p2 $0x0  }
0x1d: {  	s5 =	simm.s32 @p1 $0x1;
	p0 =	seq.s32 s7, s2  }
0x1e: {  	s7 =	smul.u32 @!p0 $0xF7A, s2;
	p2 =	seq.s32 @!p0 s5, $0x0  }
0x1f: {  	s9 =	smul.u32 $0xF7A, s1;
	s8 =	simm.s32 @!p0 $0x1BF5;
	p2 =	por !p2, p0  }
0x20: {  	[sflag:s8] =	ssyncset.s32 @!p0 $0xFFFFF086;
	s6 =	sadd.s32 @!p0 s3, s7;
	s7 =	simm.s32 @!p0 $0x108  }
0x21: {  	s3 =	sadd.s32 s3, s9;
	s6 =	sadd.s32 @!p0 $0x88, s6;
	s7 =	simm.s32 @p2 $0x1082  }
0x22: {  	[simem:s7], [sflag:s8] =	dma.local @!p0 [hbm:s6], $0xF7A  }
0x23: {  	s9 =	sor.u32 $0xD0000000, s2;
	s6 =	simm.s32 $0x108;
	_ =	swait.ge @!p0 [sflag:s8], $0x0  }
0x24: {  	s3 =	sadd.s32 $0x88, s3;
	s6 =	simm.s32 @!p1 $0x1082;
	[sflag:s4] =	ssyncset.s32 $0xFFFFF086  }
0x25: {  	[simem:s6], [sflag:s4] =	dma.local [hbm:s3], $0xF7A  }
0x26: {  	[smem:$0x3F98] =	sst s1;
	(tag) =	ssettag s2;
	_ =	strace s9  }
0x27: {  	s1 =	sld [smem:$0x3FA8]  }
0x28: {  	s2 =	sld [smem:$0x3FA9]  }
0x29: {  	s4 =	sld [smem:$0x3FAB]  }
0x2a: {  	p0 =	seq.s32 s5, $0x0;
	s5 =	sld [smem:$0x3FAC]  }
0x2b: {  	s6 =	sld [smem:$0x3FAD]  }
0x2c: {  	s7 =	sld [smem:$0x3FAE]  }
0x2d: {  	s3 =	simm.s32 $0x108;
	s8 =	sld [smem:$0x3FAF]  }
0x2e: {  	s3 =	simm.s32 @!p0 $0x1082;
	s9 =	sld [smem:$0x3FB0]  }
0x2f: {  	lr =	sadd.s32 s0, s3;
	s0 =	sld [smem:$0x3FA7]  }
0x30: {  	s3 =	sld [smem:$0x3FAA]  }
0x31: {  	[smem:$0x3FB3] =	sst s10  }
0x32: {  	s10 =	sld [smem:$0x3FB1];
	_ =	sdelay $0x3  }
0x33: {  	p0 =	seq.s32 s10, $0x1;
	s10 =	sld [smem:$0x3FB3];
	_ =	sdelay $0x3  }
0x34: {  	[smem:$0x3FB3] =	sst s10  }
0x35: {  	s10 =	sld [smem:$0x3FB2];
	_ =	sdelay $0x3  }
0x36: {  	p1 =	seq.s32 s10, $0x1;
	s10 =	sld [smem:$0x3FB3];
	_ =	sdelay $0x3  }
0x37: {  	[smem:$0x3FB3] =	sst s10  }
0x38: {  	s10 =	sld [smem:$0x3FB4]  }
0x39: {  	_ = 	snop;
	(pc) =	sbr.ind lr, $3  }
0x3a: {  	_ = 	snop  }
0x3b: {  	_ = 	snop  }
0x3c: {  	p2 =	seq.s32 s10, $0x1;
	s10 =	sld [smem:$0x3FB3]  }
0x3d: {  	_ =	shalt  }
0x3e: {  	_ =	shalt  }
0x3f: {  	_ =	shalt  }
0x40: {  	_ =	shalt  }
0x41: {  	_ =	shalt  }
0x42: {  	_ =	shalt  }
0x43: {  	_ =	shalt  }
0x44: {  	_ =	shalt  }
0x45: {  	_ =	shalt  }
0x46: {  	_ =	shalt  }
0x47: {  	_ =	shalt  }
0x48: {  	_ =	shalt  }
0x49: {  	_ =	shalt  }
0x4a: {  	_ =	shalt  }
0x4b: {  	_ =	shalt  }
0x4c: {  	_ =	shalt  }
0x4d: {  	_ =	shalt  }
0x4e: {  	_ =	shalt  }
0x4f: {  	_ =	shalt  }
0x50: {  	_ =	shalt  }
0x51: {  	_ =	shalt  }
0x52: {  	_ =	shalt  }
0x53: {  	_ =	shalt  }
0x54: {  	_ =	shalt  }
0x55: {  	_ =	shalt  }
0x56: {  	_ =	shalt  }
0x57: {  	_ =	shalt  }
0x58: {  	_ =	shalt  }
0x59: {  	_ =	shalt  }
0x5a: {  	_ =	shalt  }
0x5b: {  	_ =	shalt  }
0x5c: {  	_ =	shalt  }
0x5d: {  	_ =	shalt  }
0x5e: {  	_ =	shalt  }
0x5f: {  	_ =	shalt  }
0x60: {  	_ =	shalt  }
0x61: {  	_ =	shalt  }
0x62: {  	_ =	shalt  }
0x63: {  	_ =	shalt  }
0x64: {  	_ =	shalt  }
0x65: {  	_ =	shalt  }
0x66: {  	_ =	shalt  }
0x67: {  	_ =	shalt  }
0x68: {  	_ =	shalt  }
0x69: {  	_ =	shalt  }
0x6a: {  	_ =	shalt  }
0x6b: {  	_ =	shalt  }
0x6c: {  	_ =	shalt  }
0x6d: {  	_ =	shalt  }
0x6e: {  	_ =	shalt  }
0x6f: {  	_ =	shalt  }
0x70: {  	_ =	shalt  }
0x71: {  	_ =	shalt  }
0x72: {  	_ =	shalt  }
0x73: {  	_ =	shalt  }
0x74: {  	_ =	shalt  }
0x75: {  	_ =	shalt  }
0x76: {  	_ =	shalt  }
0x77: {  	_ =	shalt  }
0x78: {  	_ =	shalt  }
0x79: {  	_ =	shalt  }
0x7a: {  	_ =	shalt  }
0x7b: {  	_ =	shalt  }
0x7c: {  	_ =	shalt  }
0x7d: {  	_ =	shalt  }
0x7e: {  	_ =	shalt  }
0x7f: {  	_ =	shalt  }
0x80: {  	_ =	shalt  }
0x81: {  	_ =	shalt  }
0x82: {  	_ =	shalt  }
0x83: {  	_ =	shalt  }
0x84: {  	_ =	shalt  }
0x85: {  	_ =	shalt  }
0x86: {  	_ =	shalt  }
0x87: {  	_ =	shalt  }
.Lfunc_end0:
.L_simem_size_0:
called_computation.1_lowered:
.L_overlay_start_0:
0x88: {  	s2 =	sld [smem:$0x3FD9]  }
0x89: {  	s3 =	sld [smem:$0x3FFE];
	_ =	sdelay $0x1  }
0x8a: {  	s1 =	srdreg.scid  }
0x8b: {  	s0 =	sand.u32 $0x1, s1  }
0x8c: {  	s16 =	sshll.u32 s0, $0xA;
	s2 =	sadd.s32 s3, s2  }
0x8d: {  	s2 =	sadd.s32 s2, s16  }
0x8e: {  	[smem:$0x3FBF] =	sst s2  }
0x8f: {  	_ = 	snop  }
0x90: {  	(tm) =	ssettm $0x1  }
0x91: {  	s17 =	sld [smem:$0x3FFB];
	_ =	sdelay $0x3  }
0x92: {  	_ =	strace s17  }
0x93: {  	s2 =	sld [smem:$0x3FFC];
	_ =	sdelay $0x3  }
0x94: {  	_ =	strace s2  }
0x95: {  	s2 =	sld [smem:$0x3FFD];
	_ =	sdelay $0x3  }
0x96: {  	_ =	strace s2  }
0x97: {  	_ =	strace $0x8FFFFFFF  }
0x98: {  	s18 =	sld [smem:$0x3FDB];
	_ =	sdelay $0x1  }
0x99: {  	s19 =	simm.s32 $_scs_section_size  }
0x9a: {  	s4 =	simm.s32 $_size__tile_overlayer_lowered;
	s5 =	simm.s32 $_tile_overlayer_lowered  }
0x9b: {  	s22 =	simm.s32 $0x1BFF;
	s21 =	sshll.u32 s5, $0x1;
	s2 =	sadd.s32 s19, s18  }
0x9c: {  	s6 =	simm.s32 $0x0;
	s20 =	sshll.u32 s4, $0x1;
	s4 =	sadd.s32 s21, s2  }
0x9d: {  	[timem:s6], [sflag:s22] =	dma.local [hbm:s4], s20  }
0x9e: {  	_ =	swait.ge [sflag:s22], s20  }
0x9f: {  	s3 =	ssub.s32 $0x0, s20;
	[sflag:s22] =	ssyncset.done $0x0  }
0xa0: {  	[sflag:s22] =	ssyncadd.s32 s3;
	_ =	sdelay $0x1  }
0xa1: {  	s23 =	simm.s32 $0x1B8B  }
0xa2: {  	_ =	swait.ge [sflag:s23], $0x1  }
0xa3: {  	[sflag:s23] =	ssyncset.done $0x0  }
0xa4: {  	s25 =	simm.s32 $0x1B8E;
	s24 =	sld [smem:$0x3FFE];
	[sflag:s23] =	ssyncadd.s32 $0xFFFFFFFF  }
0xa5: {  	s26 =	simm.s32 $execute0_lowered;
	[smem:$0x3FD2] =	sst s25  }
0xa6: {  	s4 =	sshll.u32 s26, $0x1;
	_ =	strace $0x80000049;
	[dreg:$0x1] =	wrdreg $0xFFFFFFFF  }
0xa7: {  	s28 =	simm.s32 $_size_execute0_lowered;
	s2 =	sadd.s32 s2, s4;
	[dreg:$0x0] =	wrdreg $0x0  }
0xa8: {  	s4 =	sshll.u32 s28, $0x1;
	[dreg:$0x2] =	wrdreg s2  }
0xa9: {  	[dreg:$0x3] =	wrdreg s4  }
0xaa: {  	[dreg:$0x4] =	wrdreg $0xC0  }
0xab: {  	_ =	task [dreg:s6], $0x5FFFF  }
0xac: {  	[dreg:$0x1] =	wrdreg $0xFFFFFFFF  }
0xad: {  	[dreg:$0x0] =	wrdreg $0x60  }
0xae: {  	[dreg:$0x2] =	wrdreg s24  }
0xaf: {  	[dreg:$0x3] =	wrdreg $0x0  }
0xb0: {  	[dreg:$0x4] =	wrdreg $0x9  }
0xb1: {  	_ =	task.clear_ibuf [dreg:s6], $0x5FFFF;
	_ =	strace $0x90000049  }
0xb2: {  	s29 =	simm.s32 $0x9;
	_ =	strace $0x8000004B  }
0xb3: {  	_ =	swait.ge [sflag:s29], $0x1  }
0xb4: {  	[sflag:s29] =	ssyncadd.s32 $0xFFFFFFFF  }
0xb5: {  	_ =	strace $0x9000004B  }
0xb6: {  	_ =	sfence  }
0xb7: {  	s30 =	sld [smem:$0x0];
	_ =	sdelay $0x2  }
0xb8: {  	s31 =	sshll.u32 s1, $0xD;
	s1 =	sshrl.u32 s1, $0x2  }
0xb9: {  	s3 =	sand.u32 $0x4000, s31;
	s1 =	sadd.s32 s1, s30  }
0xba: {  	s0 =	sor.u32 s3, s0;
	s1 =	sshll.u32 s1, $0x11  }
0xbb: {  	s0 =	sor.u32 s1, s0  }
0xbc: {  	s0 =	sadd.s32 $0x8F2B, s0  }
0xbd: {  	[sflag:s0] =	ssyncadd.remote.s32 $0x1  }
0xbe: {  	_ =	sfence.sel $0xFFFF  }
0xbf: {  	[dreg:$0x0] =	wrdreg $0xFFFFFFFF;
	(pc) =	sbr.abs _section_cstart, $3  }
0xc0: {  	[dreg:$0x1] =	wrdreg $0xFFFFFFFF  }
0xc1: {  	_ =	task.clear_ibuf [dreg:s6], $0x2FFFF;
	_ =	strace $0x9FFFFFFF  }
0xc2: {  	(tm) =	ssettm $0x7FFFFFFF  }
0xc3: {  	_ =	shalt  }
tec
execute0_lowered:
.L_overlay_start_1:
0x0: {  	(tag) =	ssettag $0x1  }
0x1: {  	s0 =	rddreg [dreg:$0x0]  }
0x2: {  	s2 =	rddreg [dreg:$0x1]  }
0x3: {  	s1 =	srdreg.scid;
	s10 =	stileid.u32;
	s3 =	simm.s32 $0x0  }
0x4: {  	s31 =	simm.s32 $0x13CB0;
	s28 =	simm.s32 $0x7;
	s30 =	simm.s32 $0xC  }
0x5: {  	s29 =	simm.s32 $0x4;
	s1 =	sand.u32 $0x1, s1;
	s5 =	smul.u32 $0x13C00, s10  }
0x6: {  	[smem:$0x7FF] =	sst s3;
	s4 =	sadd.s32 $0x15E00, s0;
	s8 =	smul.u32 $0x4F000, s10  }
0x7: {  	s11 =	sadd.s32 $0xC000, s0;
	s12 =	sadd.s32 $0x2200, s0;
	s23 =	smul.u32 $0x2710, s10  }
0x8: {  	s6 =	smul.u32 $0x13C000, s1;
	_ =	strace $0x8000004A;
	s7 =	ssub.s32 $0x2, s1  }
0x9: {  	s9 =	sshll.u32 s1, $0x4;
	s1 =	smul.u32 $0x27100, s1;
	[dreg:$0x3] =	wrdreg s12  }
0xa: {  	s17 =	sshrl.u32 s7, $0x1;
	s18 =	sor.u32 s10, s9;
	s8 =	sshrl.u32 s8, $0x2  }
0xb: {  	s20 =	sadd.s32 s5, s2;
	s9 =	simm.s32 $0xB0;
	s6 =	sadd.s32 s5, s6  }
0xc: {  	s19 =	sadd.s32 s8, s2;
	s1 =	sadd.s32 s23, s1;
	[dreg:$0x4] =	wrdreg s20  }
0xd: {  	s6 =	sshrl.u32 s6, $0x3;
	s8 =	sadd.s32 $0x5800, s19;
	s21 =	sadd.s32 $0xB000, s19  }
0xe: {  	s5 =	sadd.s32 $0x10800, s19;
	s15 =	sadd.s32 $0x370, s1;
	[dreg:$0x5] =	wrdreg s8  }
0xf: {  	s19 =	sadd.s32 $0x210, s1;
	s0 =	sadd.s32 s6, s0;
	[dreg:$0x6] =	wrdreg s21  }
0x10: {  	s6 =	ssub.s32 s7, s17;
	s7 =	smul.u32 $0x2710, s18;
	[dreg:$0x7] =	wrdreg s5  }
0x11: {  	s16 =	sshrl.u32 s15, $0x3;
	s21 =	sshrl.u32 s19, $0x3;
	s0 =	sadd.s32 $0xB4E00, s0  }
0x12: {  	s8 =	simm.s32 $0x5;
	s17 =	smax.u32 s6, $0x1;
	[dreg:$0xe] =	wrdreg s0  }
0x13: {  	s15 =	simm.s32 $0x19980;
	s18 =	sadd.s32 s16, s12;
	[dreg:$0xf] =	wrdreg s17  }
0x14: {  	s19 =	simm.s32 $0x0;
	s23 =	sadd.s32 s21, s12;
	[dreg:$0x10] =	wrdreg s18  }
0x15: {  	s22 =	sshrl.u32 s7, $0x3;
	s0 =	sadd.s32 s16, s11;
	[dreg:$0x13] =	wrdreg s23  }
0x16: {  	s16 =	simm.s32 $0xA;
	s17 =	simm.s32 $0x13E10;
	s18 =	simm.s32 $0x140D0  }
0x17: {  	s24 =	sadd.s32 s11, s22;
	s25 =	sadd.s32 s12, s22;
	[dreg:$0x11] =	wrdreg s0  }
0x18: {  	s26 =	sadd.s32 $0x16, s22;
	s5 =	sadd.s32 $0x4D0, s22;
	[dreg:$0x8] =	wrdreg s24  }
0x19: {  	s22 =	sadd.s32 $0x160, s1;
	s1 =	sadd.s32 $0x2C0, s1;
	[dreg:$0x9] =	wrdreg s25  }
0x1a: {  	s7 =	simm.s32 $0x3;
	s0 =	sadd.s32 s21, s11;
	[dreg:$0x12] =	wrdreg s1  }
0x1b: {  	s21 =	simm.s32 $0xB;
	s10 =	sadd.s32 s11, s26;
	[dreg:$0x14] =	wrdreg s0  }
0x1c: {  	s13 =	sadd.s32 s12, s26;
	s14 =	sadd.s32 s11, s5;
	[dreg:$0xa] =	wrdreg s10  }
0x1d: {  	s5 =	sadd.s32 s12, s5;
	s24 =	sshrl.u32 s22, $0x3;
	[dreg:$0xb] =	wrdreg s13  }
0x1e: {  	s22 =	simm.s32 $0xD;
	s0 =	simm.s32 $0x13F70;
	[dreg:$0xc] =	wrdreg s14  }
.Ltmp0:
0x1f: {  	s1 =	simm.s32 $0x1;
	[dreg:$0xd] =	wrdreg s5;
	(pc) =	sbr.rel .LBB2_1-.Ltmp0, $4  }
0x20: {  	s25 =	sadd.s32 s24, s12;
	s26 =	sadd.s32 s24, s11;
	s10 =	simm.s32 $0x9  }
0x21: {  	s12 =	simm.s32 $0x14020;
	s13 =	simm.s32 $0x2;
	s14 =	simm.s32 $0x6  }
0x22: {  	s5 =	simm.s32 $0x8;
	[dreg:$0x15] =	wrdreg s25;
	s25 =	smov.u32 s11  }
0x23: {  	v0 =	vimm.f32 $0.0e+00;
	[dreg:$0x16] =	wrdreg s26;
	s26 =	simm.s32 $0x14180;
	s11 =	simm.s32 $0x13D60  }
.LBB2_6:
0x24: {  	[spmem:s2] =	stream.indirect.scatter.add.f32 [tilespmem:s15], [sflag:$0xC], $0x80, s18, s9, $0xb8;
	[tilespmem:$0x1F210] =	vst v63  }
0x25: {  	_ =	swait.ge [sflag:s21], $0x5800  }
0x26: {  	[sflag:s21] =	ssyncset.done $0x0  }
0x27: {  	[sflag:s21] =	ssyncadd.s32 $0xFFFFA800  }
0x28: {  	_ =	swait.ge [sflag:s30], $0x5800  }
0x29: {  	[sflag:s30] =	ssyncset.done $0x0  }
0x2a: {  	s19 =	simm.s32 $0x13C00;
	s6 =	rddreg [dreg:$0xc];
	[sflag:s30] =	ssyncadd.s32 $0xFFFFA800  }
0x2b: {  	[tilespmem:s19], [sflag:$0x1] =	stream.linear.gather [hbm4b:s6+s3], $0x90, $0x38;
	[tilespmem:$0x1F210] =	vst v63  }
0x2c: {  	s20 =	simm.s32 $0x1F180;
	s24 =	rddreg [dreg:$0xd]  }
0x2d: {  	[tilespmem:s20], [sflag:$0x5] =	stream.linear.gather [hbm4b:s24+s3], $0x90, $0x38;
	[tilespmem:$0x1F210] =	vst v63  }
0x2e: {  	_ =	swait.ge [sflag:s1], $0x90  }
0x2f: {  	[sflag:s1] =	ssyncset.done $0x0  }
0x30: {  	[sflag:s1] =	ssyncadd.s32 $0xFFFFFF70  }
0x31: {  	_ =	swait.ge [sflag:s8], $0x90  }
0x32: {  	[sflag:s8] =	ssyncset.done $0x0  }
0x33: {  	s22 =	simm.s32 $0x90;
	[sflag:s8] =	ssyncadd.s32 $0xFFFFFF70  }
0x34: {  	[tilespmem:s26], [sflag:$0x9] =	stream.indirect.gather [hbm4b:s4+s22], $0x80, s19, s22, $0xb8;
	[tilespmem:$0x1F210] =	vst v63  }
0x35: {  	_ =	swait.ge [sflag:s10], $0x4800  }
0x36: {  	[sflag:s10] =	ssyncset.done $0x0  }
0x37: {  	[sflag:s10] =	ssyncadd.s32 $0xFFFFB800  }
0x38: {  	[spmem:s2] =	stream.indirect.scatter.add.f32 [tilespmem:s26], [sflag:$0xB], $0x80, s20, s22, $0xb8;
	[tilespmem:$0x1F210] =	vst v63  }
0x39: {  	_ =	swait.ge [sflag:s21], $0x4800  }
0x3a: {  	[sflag:s21] =	ssyncset.done $0x0  }
0x3b: {  	[sflag:s21] =	ssyncadd.s32 $0xFFFFB800  }
0x3c: {  	s23 =	stileid.u32;
	[bflag:$0x0] =	sbarrier.arrive $0xFFFF  }
0x3d: {  	s6 =	sshll.u32 s23, $0x6;
	s20 =	rddreg [dreg:$0x4]  }
0x3e: {  	s6 =	sor.u32 $0x1C0D, s6;
	s22 =	rddreg [dreg:$0xe];
	s24 =	sshrl.u32 s20, $0x3  }
0x3f: {  	[hbm:s22], [sflag:s6] =	dma.local [spmem:s24], $0x2780  }
0x40: {  	s22 =	simm.s32 $0xD  }
0x41: {  	_ =	swait.ge [sflag:s22], $0x2780  }
0x42: {  	s23 =	rddreg [dreg:$0x17]  }
0x43: {  	s24 =	rddreg [dreg:$0xf];
	s19 =	sadd.s32 $0x1, s23  }
0x44: {  	p0 =	sne.s32 s19, s24  }
.Ltmp1:
0x45: {  	_ = 	snop;
	(pc) =	sbr.rel @!p0 .LBB2_7-.Ltmp1, $3  }
0x46: {  	_ =	sdelay $0x1  }
0x47: {  	[sflag:s22] =	ssyncset.done $0x0  }
0x48: {  	[sflag:s22] =	ssyncadd.s32 $0xFFFFD880  }
.LBB2_1:
0x49: {  	[dreg:$0x17] =	wrdreg s19;
	s6 =	simm.s32 $0x1;
	[tilespmem:s26+$0x0] =	vst v0;
	s19 =	simm.s32 $0x14180  }
.LBB2_2:
0x4a: {  	p0 =	sne.s32 s6, $0x57F  }
.Ltmp2:
0x4b: {  	_ = 	snop;
	(pc) =	sbr.rel @p0 .LBB2_2-.Ltmp2, $3  }
0x4c: {  	_ =	sdelay $0x1  }
0x4d: {  	s6 =	sadd.s32 $0x1, s6;
	s19 =	sadd.s32 $0x10, s19  }
0x4e: {  	[tilespmem:s19+$0x0] =	vst v0  }
0x4f: {  	[spmem:s20] =	stream.linear.scatter [tilespmem:s26], [sflag:$0xD], $0x5800, $0x38;
	[tilespmem:$0x1F210] =	vst v63  }
0x50: {  	_ =	swait.ge [sflag:s22], $0x5800  }
0x51: {  	[sflag:s22] =	ssyncset.done $0x0  }
0x52: {  	s6 =	rddreg [dreg:$0x5];
	[sflag:s22] =	ssyncadd.s32 $0xFFFFA800  }
0x53: {  	[spmem:s6] =	stream.linear.scatter [tilespmem:s26], [sflag:$0xD], $0x5800, $0x38;
	[tilespmem:$0x1F210] =	vst v63  }
0x54: {  	_ =	swait.ge [sflag:s22], $0x5800  }
0x55: {  	[sflag:s22] =	ssyncset.done $0x0  }
0x56: {  	s19 =	rddreg [dreg:$0x6];
	[sflag:s22] =	ssyncadd.s32 $0xFFFFA800  }
0x57: {  	[spmem:s19] =	stream.linear.scatter [tilespmem:s26], [sflag:$0xD], $0x5800, $0x38;
	[tilespmem:$0x1F210] =	vst v63  }
0x58: {  	_ =	swait.ge [sflag:s22], $0x5800  }
0x59: {  	[sflag:s22] =	ssyncset.done $0x0  }
0x5a: {  	s20 =	rddreg [dreg:$0x7];
	[sflag:s22] =	ssyncadd.s32 $0xFFFFA800  }
0x5b: {  	[spmem:s20] =	stream.linear.scatter [tilespmem:s26], [sflag:$0xD], $0x3400, $0x38;
	[tilespmem:$0x1F210] =	vst v63  }
0x5c: {  	_ =	swait.ge [sflag:s22], $0x3400  }
0x5d: {  	s6 =	simm.s32 $0x0;
	[sflag:s22] =	ssyncset.done $0x0  }
0x5e: {  	s20 =	simm.s32 $0x13C00;
	s19 =	rddreg [dreg:$0x8];
	[sflag:s22] =	ssyncadd.s32 $0xFFFFCC00  }
0x5f: {  	[tilespmem:s20], [sflag:$0x1] =	stream.linear.gather [hbm4b:s19+s6], $0xB0, $0x38;
	[tilespmem:$0x1F210] =	vst v63  }
0x60: {  	s24 =	simm.s32 $0x13EC0;
	s23 =	rddreg [dreg:$0x9]  }
0x61: {  	[tilespmem:s24], [sflag:$0x5] =	stream.linear.gather [hbm4b:s23+s6], $0xB0, $0x38;
	[tilespmem:$0x1F210] =	vst v63  }
0x62: {  	s23 =	rddreg [dreg:$0xa]  }
0x63: {  	[tilespmem:s31], [sflag:$0x2] =	stream.linear.gather [hbm4b:s23+s6], $0xB0, $0x38;
	[tilespmem:$0x1F210] =	vst v63  }
0x64: {  	s24 =	rddreg [dreg:$0xb]  }
0x65: {  	[tilespmem:s0], [sflag:$0x6] =	stream.linear.gather [hbm4b:s24+s6], $0xB0, $0x38;
	[tilespmem:$0x1F210] =	vst v63  }
0x66: {  	[bflag:$0x0] =	sbarrier.arrive $0xFFFF  }
0x67: {  	_ =	swait.ge [sflag:s1], $0xB0  }
0x68: {  	[sflag:s1] =	ssyncset.done $0x0  }
0x69: {  	[sflag:s1] =	ssyncadd.s32 $0xFFFFFF50  }
0x6a: {  	_ =	swait.ge [sflag:s8], $0xB0  }
0x6b: {  	[sflag:s8] =	ssyncset.done $0x0  }
0x6c: {  	s19 =	rddreg [dreg:$0x12];
	[sflag:s8] =	ssyncadd.s32 $0xFFFFFF50  }
0x6d: {  	[tilespmem:s26], [sflag:$0x9] =	stream.indirect.gather [hbm4b:s4+s9], $0x80, s20, s9, $0xb8;
	[tilespmem:$0x1F210] =	vst v63  }
.LBB2_4:
0x6e: {  	_ =	swait.ge [sflag:s10], $0x5800  }
0x6f: {  	[sflag:s10] =	ssyncset.done $0x0;
	s20 =	rddreg [dreg:$0x16]  }
0x70: {  	s24 =	rddreg [dreg:$0x15];
	[sflag:s10] =	ssyncadd.s32 $0xFFFFA800;
	s20 =	sadd.s32 s6, s20  }
0x71: {  	[tilespmem:s11], [sflag:$0x3] =	stream.linear.gather [hbm4b:s20+s3], $0xB0, $0x38;
	[tilespmem:$0x1F210] =	vst v63  }
0x72: {  	p0 =	seq.s32 s6, $0x0;
	s20 =	sadd.s32 s6, s24  }
0x73: {  	[tilespmem:s12], [sflag:$0x7] =	stream.linear.gather [hbm4b:s20+s3], $0xB0, $0x38;
	[tilespmem:$0x1F210] =	vst v63  }
0x74: {  	s22 =	simm.s32 $0x13EC0;
	s20 =	simm.s32 @!p0 $0xC  }
0x75: {  	[spmem:s2] =	stream.indirect.scatter.add.f32 [tilespmem:s26], [sflag:$0xB], $0x80, s22, s9, $0xb8;
	[tilespmem:$0x1F210] =	vst v63  }
0x76: {  	_ =	swait.ge @!p0 [sflag:s20], $0x5800  }
0x77: {  	[sflag:s20] =	ssyncset.done @!p0 $0x0  }
0x78: {  	[sflag:s20] =	ssyncadd.s32 @!p0 $0xFFFFA800  }
0x79: {  	_ =	swait.ge [sflag:s13], $0xB0  }
0x7a: {  	[sflag:s13] =	ssyncset.done $0x0  }
0x7b: {  	[sflag:s13] =	ssyncadd.s32 $0xFFFFFF50  }
0x7c: {  	_ =	swait.ge [sflag:s14], $0xB0  }
0x7d: {  	[sflag:s14] =	ssyncset.done $0x0  }
0x7e: {  	[sflag:s14] =	ssyncadd.s32 $0xFFFFFF50  }
0x7f: {  	[tilespmem:s15], [sflag:$0xA] =	stream.indirect.gather [hbm4b:s4+s9], $0x80, s31, s9, $0xb8;
	[tilespmem:$0x1F210] =	vst v63  }
0x80: {  	_ =	swait.ge [sflag:s16], $0x5800  }
0x81: {  	[sflag:s16] =	ssyncset.done $0x0;
	s23 =	rddreg [dreg:$0x14]  }
0x82: {  	s24 =	rddreg [dreg:$0x13];
	[sflag:s16] =	ssyncadd.s32 $0xFFFFA800;
	s20 =	sadd.s32 s6, s23  }
0x83: {  	[tilespmem:s17], [sflag:$0x4] =	stream.linear.gather [hbm4b:s20+s3], $0xB0, $0x38;
	[tilespmem:$0x1F210] =	vst v63  }
0x84: {  	s20 =	sadd.s32 s6, s24  }
0x85: {  	[tilespmem:s18], [sflag:$0x8] =	stream.linear.gather [hbm4b:s20+s3], $0xB0, $0x38;
	[tilespmem:$0x1F210] =	vst v63  }
0x86: {  	_ = 	snop  }
0x87: {  	[spmem:s2] =	stream.indirect.scatter.add.f32 [tilespmem:s15], [sflag:$0xC], $0x80, s0, s9, $0xb8;
	[tilespmem:$0x1F210] =	vst v63  }
0x88: {  	_ =	swait.ge [sflag:s21], $0x5800  }
0x89: {  	[sflag:s21] =	ssyncset.done $0x0  }
0x8a: {  	[sflag:s21] =	ssyncadd.s32 $0xFFFFA800  }
0x8b: {  	_ =	swait.ge [sflag:s7], $0xB0  }
0x8c: {  	[sflag:s7] =	ssyncset.done $0x0  }
0x8d: {  	[sflag:s7] =	ssyncadd.s32 $0xFFFFFF50  }
0x8e: {  	_ =	swait.ge [sflag:s28], $0xB0  }
0x8f: {  	[sflag:s28] =	ssyncset.done $0x0  }
0x90: {  	[sflag:s28] =	ssyncadd.s32 $0xFFFFFF50  }
0x91: {  	[tilespmem:s26], [sflag:$0x9] =	stream.indirect.gather [hbm4b:s4+s9], $0x80, s11, s9, $0xb8;
	[tilespmem:$0x1F210] =	vst v63  }
0x92: {  	p0 =	seq.s32 s6, $0x478;
	_ =	swait.ge [sflag:s10], $0x5800  }
0x93: {  	s23 =	simm.s32 @!p0 $0x0;
	s20 =	sshrl.u32 @!p0 s19, $0x3;
	[sflag:s10] =	ssyncset.done $0x0  }
0x94: {  	s24 =	simm.s32 @!p0 $0x13C00;
	s22 =	sadd.s32 @!p0 s25, s20;
	[sflag:s10] =	ssyncadd.s32 $0xFFFFA800  }
0x95: {  	[tilespmem:s24], [sflag:$0x1] =	stream.linear.gather @!p0 [hbm4b:s22+s23], $0xB0, $0x38;
	[tilespmem:$0x1F210] =	vst v63  }
0x96: {  	s22 =	rddreg [dreg:$0x3]  }
0x97: {  	s20 =	sadd.s32 @!p0 s22, s20;
	s22 =	simm.s32 @!p0 $0x13EC0  }
0x98: {  	[tilespmem:s22], [sflag:$0x5] =	stream.linear.gather @!p0 [hbm4b:s20+s23], $0xB0, $0x38;
	[tilespmem:$0x1F210] =	vst v63  }
0x99: {  	_ = 	snop  }
0x9a: {  	[spmem:s2] =	stream.indirect.scatter.add.f32 [tilespmem:s26], [sflag:$0xB], $0x80, s12, s9, $0xb8;
	[tilespmem:$0x1F210] =	vst v63  }
0x9b: {  	_ =	swait.ge [sflag:s30], $0x5800  }
0x9c: {  	[sflag:s30] =	ssyncset.done $0x0  }
0x9d: {  	[sflag:s30] =	ssyncadd.s32 $0xFFFFA800  }
0x9e: {  	_ =	swait.ge [sflag:s29], $0xB0  }
0x9f: {  	[sflag:s29] =	ssyncset.done $0x0  }
0xa0: {  	[sflag:s29] =	ssyncadd.s32 $0xFFFFFF50  }
0xa1: {  	_ =	swait.ge [sflag:s5], $0xB0  }
0xa2: {  	[sflag:s5] =	ssyncset.done $0x0  }
.Ltmp3:
0xa3: {  	[sflag:s5] =	ssyncadd.s32 $0xFFFFFF50;
	(pc) =	sbr.rel @p0 .LBB2_6-.Ltmp3, $4  }
0xa4: {  	[tilespmem:s15], [sflag:$0xA] =	stream.indirect.gather [hbm4b:s4+s9], $0x80, s17, s9, $0xb8;
	[tilespmem:$0x1F210] =	vst v63  }
0xa5: {  	_ =	swait.ge [sflag:s16], $0x5800  }
0xa6: {  	[sflag:s16] =	ssyncset.done $0x0  }
0xa7: {  	[sflag:s16] =	ssyncadd.s32 $0xFFFFA800  }
0xa8: {  	s20 =	rddreg [dreg:$0x11]  }
0xa9: {  	s23 =	rddreg [dreg:$0x10];
	s20 =	sadd.s32 s6, s20  }
0xaa: {  	[tilespmem:s31], [sflag:$0x2] =	stream.linear.gather [hbm4b:s20+s3], $0xB0, $0x38;
	[tilespmem:$0x1F210] =	vst v63  }
0xab: {  	s20 =	sadd.s32 s6, s23  }
0xac: {  	[tilespmem:s0], [sflag:$0x6] =	stream.linear.gather [hbm4b:s20+s3], $0xB0, $0x38;
	[tilespmem:$0x1F210] =	vst v63  }
0xad: {  	_ = 	snop  }
0xae: {  	[spmem:s2] =	stream.indirect.scatter.add.f32 [tilespmem:s15], [sflag:$0xC], $0x80, s18, s9, $0xb8;
	[tilespmem:$0x1F210] =	vst v63  }
0xaf: {  	_ =	swait.ge [sflag:s21], $0x5800  }
0xb0: {  	[sflag:s21] =	ssyncset.done $0x0  }
0xb1: {  	[sflag:s21] =	ssyncadd.s32 $0xFFFFA800  }
0xb2: {  	_ =	swait.ge [sflag:s1], $0xB0  }
0xb3: {  	[sflag:s1] =	ssyncset.done $0x0  }
.Ltmp4:
0xb4: {  	[sflag:s1] =	ssyncadd.s32 $0xFFFFFF50;
	(pc) =	sbr.rel .LBB2_4-.Ltmp4, $4  }
0xb5: {  	_ =	swait.ge [sflag:s8], $0xB0  }
0xb6: {  	s24 =	simm.s32 $0x13C00;
	[sflag:s8] =	ssyncset.done $0x0  }
0xb7: {  	s19 =	sadd.s32 $0x2C0, s19;
	s6 =	sadd.s32 $0x58, s6;
	[sflag:s8] =	ssyncadd.s32 $0xFFFFFF50  }
0xb8: {  	[tilespmem:s26], [sflag:$0x9] =	stream.indirect.gather [hbm4b:s4+s9], $0x80, s24, s9, $0xb8;
	[tilespmem:$0x1F210] =	vst v63  }
.LBB2_7:
0xb9: {  	_ =	sfence.sel $0x180000  }
0xba: {  	[bflag:$0x0] =	sbarrier.arrive $0xFFFF  }
0xbb: {  	_ =	strace $0x9000004A  }
0xbc: {  	s0 =	stileid.u32;
	[bflag:$0x2] =	sbarrier.arrive $0xFFFF  }
0xbd: {  	p0 =	sne.s32 s0, $0x0;
	s0 =	rddreg [dreg:$0x2]  }
0xbe: {  	s0 =	sadd.s32 @!p0 $0x100000, s0  }
0xbf: {  	[sflag:s0] =	ssyncadd.tile.s32 @!p0 $0x1;
	_ =	shalt  }
.Lfunc_end2:
_tile_overlayer_lowered:
.L_overlay_start_2:
0xc0: {  	(tag) =	ssettag $0x2  }
0xc1: {  	s0 =	rddreg [dreg:$0x0];
	s2 =	stileid.u32  }
0xc2: {  	s1 =	rddreg [dreg:$0x1];
	p0 =	sne.s32 s2, $0x0  }
0xc3: {  	s3 =	rddreg [dreg:$0x2];
	[bflag:$0x3] =	sbarrier.arrive $0xFFFF;
	s2 =	simm.s32 @!p0 $0x1C0D  }
0xc4: {  	[timem:s3], [sflag:s2] =	dma.local @!p0 [hbm:s0], s1  }
0xc5: {  	s0 =	simm.s32 @!p0 $0xD  }
0xc6: {  	_ =	swait.ge @!p0 [sflag:s0], s1  }
0xc7: {  	s1 =	ssub.s32 @!p0 $0x0, s1;
	[sflag:s0] =	ssyncset.done @!p0 $0x0  }
0xc8: {  	[sflag:s0] =	ssyncadd.s32 @!p0 s1  }
0xc9: {  	[bflag:$0x3] =	sbarrier.arrive $0xFFFF  }
0xca: {  	_ =	shalt  }

// kernel: kernel.13.cloned.1.call-start
scs
__scs_entry_jumppad:
0x0: {  	(pc) =	sbr.rel $0x88, $3  }
0x1: {  	(tag) =	ssettag $0x0;
	lr =	simm.s32 $0x1  }
0x2: {  	[smem:$0x3F98] =	sst lr;
	_ =	strace $0xD0000000  }
0x3: {  	_ = 	snop  }
0x4: {  	_ = 	snop  }
0x5: {  	_ = 	snop  }
0x6: {  	_ = 	snop  }
0x7: {  	_ = 	snop  }
__scs_overlays_trampoline_lowered:
0x8: {  	[smem:$0x3FA7] =	sst s0  }
0x9: {  	[smem:$0x3FA8] =	sst s1  }
0xa: {  	[smem:$0x3FA9] =	sst s2  }
0xb: {  	[smem:$0x3FAA] =	sst s3  }
0xc: {  	[smem:$0x3FAB] =	sst s4  }
0xd: {  	[smem:$0x3FAC] =	sst s5  }
0xe: {  	[smem:$0x3FAD] =	sst s6  }
0xf: {  	[smem:$0x3FAE] =	sst s7  }
0x10: {  	[smem:$0x3FAF] =	sst s8  }
0x11: {  	[smem:$0x3FB0] =	sst s9;
	s0 =	simm.s32 @!p0 $0x0  }
0x12: {  	s1 =	sld [smem:$0x3F96];
	s0 =	simm.s32 @p0 $0x1  }
0x13: {  	[smem:$0x3FB1] =	sst s0;
	s0 =	simm.s32 @!p1 $0x0  }
0x14: {  	s2 =	sld [smem:$0x3F95];
	s0 =	simm.s32 @p1 $0x1  }
0x15: {  	[smem:$0x3FB2] =	sst s0;
	s0 =	simm.s32 @!p2 $0x0  }
0x16: {  	s3 =	sld [smem:$0x3FDB];
	s0 =	simm.s32 @p2 $0x1  }
0x17: {  	s4 =	simm.s32 $0x1BF5;
	[smem:$0x3FB4] =	sst s0  }
0x18: {  	s0 =	sld [smem:$0x3F97];
	_ =	swait.ge [sflag:s4], $0x0  }
0x19: {  	s7 =	sld [smem:$0x3F98]  }
0x1a: {  	s8 =	sadd.s32 $0xFFFFE003, lr  }
0x1b: {  	s9 =	sadd.s32 $0xFFFFFEF7, lr;
	s5 =	simm.s32 $0xFFFFFFFF;
	p2 =	slt.u32 s8, $0xFFFFF086  }
0x1c: {  	p1 =	slt.u32 s9, $0xF7A;
	s5 =	simm.s32 @!p2 $0x0  }
0x1d: {  	s5 =	simm.s32 @p1 $0x1;
	p0 =	seq.s32 s7, s2  }
0x1e: {  	s7 =	smul.u32 @!p0 $0xF7A, s2;
	p2 =	seq.s32 @!p0 s5, $0x0  }
0x1f: {  	s9 =	smul.u32 $0xF7A, s1;
	s8 =	simm.s32 @!p0 $0x1BF5;
	p2 =	por !p2, p0  }
0x20: {  	[sflag:s8] =	ssyncset.s32 @!p0 $0xFFFFF086;
	s6 =	sadd.s32 @!p0 s3, s7;
	s7 =	simm.s32 @!p0 $0x108  }
0x21: {  	s3 =	sadd.s32 s3, s9;
	s6 =	sadd.s32 @!p0 $0x88, s6;
	s7 =	simm.s32 @p2 $0x1082  }
0x22: {  	[simem:s7], [sflag:s8] =	dma.local @!p0 [hbm:s6], $0xF7A  }
0x23: {  	s9 =	sor.u32 $0xD0000000, s2;
	s6 =	simm.s32 $0x108;
	_ =	swait.ge @!p0 [sflag:s8], $0x0  }
0x24: {  	s3 =	sadd.s32 $0x88, s3;
	s6 =	simm.s32 @!p1 $0x1082;
	[sflag:s4] =	ssyncset.s32 $0xFFFFF086  }
0x25: {  	[simem:s6], [sflag:s4] =	dma.local [hbm:s3], $0xF7A  }
0x26: {  	[smem:$0x3F98] =	sst s1;
	(tag) =	ssettag s2;
	_ =	strace s9  }
0x27: {  	s1 =	sld [smem:$0x3FA8]  }
0x28: {  	s2 =	sld [smem:$0x3FA9]  }
0x29: {  	s4 =	sld [smem:$0x3FAB]  }
0x2a: {  	p0 =	seq.s32 s5, $0x0;
	s5 =	sld [smem:$0x3FAC]  }
0x2b: {  	s6 =	sld [smem:$0x3FAD]  }
0x2c: {  	s7 =	sld [smem:$0x3FAE]  }
0x2d: {  	s3 =	simm.s32 $0x108;
	s8 =	sld [smem:$0x3FAF]  }
0x2e: {  	s3 =	simm.s32 @!p0 $0x1082;
	s9 =	sld [smem:$0x3FB0]  }
0x2f: {  	lr =	sadd.s32 s0, s3;
	s0 =	sld [smem:$0x3FA7]  }
0x30: {  	s3 =	sld [smem:$0x3FAA]  }
0x31: {  	[smem:$0x3FB3] =	sst s10  }
0x32: {  	s10 =	sld [smem:$0x3FB1];
	_ =	sdelay $0x3  }
0x33: {  	p0 =	seq.s32 s10, $0x1;
	s10 =	sld [smem:$0x3FB3];
	_ =	sdelay $0x3  }
0x34: {  	[smem:$0x3FB3] =	sst s10  }
0x35: {  	s10 =	sld [smem:$0x3FB2];
	_ =	sdelay $0x3  }
0x36: {  	p1 =	seq.s32 s10, $0x1;
	s10 =	sld [smem:$0x3FB3];
	_ =	sdelay $0x3  }
0x37: {  	[smem:$0x3FB3] =	sst s10  }
0x38: {  	s10 =	sld [smem:$0x3FB4]  }
0x39: {  	_ = 	snop;
	(pc) =	sbr.ind lr, $3  }
0x3a: {  	_ = 	snop  }
0x3b: {  	_ = 	snop  }
0x3c: {  	p2 =	seq.s32 s10, $0x1;
	s10 =	sld [smem:$0x3FB3]  }
0x3d: {  	_ =	shalt  }
0x3e: {  	_ =	shalt  }
0x3f: {  	_ =	shalt  }
0x40: {  	_ =	shalt  }
0x41: {  	_ =	shalt  }
0x42: {  	_ =	shalt  }
0x43: {  	_ =	shalt  }
0x44: {  	_ =	shalt  }
0x45: {  	_ =	shalt  }
0x46: {  	_ =	shalt  }
0x47: {  	_ =	shalt  }
0x48: {  	_ =	shalt  }
0x49: {  	_ =	shalt  }
0x4a: {  	_ =	shalt  }
0x4b: {  	_ =	shalt  }
0x4c: {  	_ =	shalt  }
0x4d: {  	_ =	shalt  }
0x4e: {  	_ =	shalt  }
0x4f: {  	_ =	shalt  }
0x50: {  	_ =	shalt  }
0x51: {  	_ =	shalt  }
0x52: {  	_ =	shalt  }
0x53: {  	_ =	shalt  }
0x54: {  	_ =	shalt  }
0x55: {  	_ =	shalt  }
0x56: {  	_ =	shalt  }
0x57: {  	_ =	shalt  }
0x58: {  	_ =	shalt  }
0x59: {  	_ =	shalt  }
0x5a: {  	_ =	shalt  }
0x5b: {  	_ =	shalt  }
0x5c: {  	_ =	shalt  }
0x5d: {  	_ =	shalt  }
0x5e: {  	_ =	shalt  }
0x5f: {  	_ =	shalt  }
0x60: {  	_ =	shalt  }
0x61: {  	_ =	shalt  }
0x62: {  	_ =	shalt  }
0x63: {  	_ =	shalt  }
0x64: {  	_ =	shalt  }
0x65: {  	_ =	shalt  }
0x66: {  	_ =	shalt  }
0x67: {  	_ =	shalt  }
0x68: {  	_ =	shalt  }
0x69: {  	_ =	shalt  }
0x6a: {  	_ =	shalt  }
0x6b: {  	_ =	shalt  }
0x6c: {  	_ =	shalt  }
0x6d: {  	_ =	shalt  }
0x6e: {  	_ =	shalt  }
0x6f: {  	_ =	shalt  }
0x70: {  	_ =	shalt  }
0x71: {  	_ =	shalt  }
0x72: {  	_ =	shalt  }
0x73: {  	_ =	shalt  }
0x74: {  	_ =	shalt  }
0x75: {  	_ =	shalt  }
0x76: {  	_ =	shalt  }
0x77: {  	_ =	shalt  }
0x78: {  	_ =	shalt  }
0x79: {  	_ =	shalt  }
0x7a: {  	_ =	shalt  }
0x7b: {  	_ =	shalt  }
0x7c: {  	_ =	shalt  }
0x7d: {  	_ =	shalt  }
0x7e: {  	_ =	shalt  }
0x7f: {  	_ =	shalt  }
0x80: {  	_ =	shalt  }
0x81: {  	_ =	shalt  }
0x82: {  	_ =	shalt  }
0x83: {  	_ =	shalt  }
0x84: {  	_ =	shalt  }
0x85: {  	_ =	shalt  }
0x86: {  	_ =	shalt  }
0x87: {  	_ =	shalt  }
.Lfunc_end0:
.L_simem_size_0:
called_computation.2_lowered:
.L_overlay_start_0:
0x88: {  	s2 =	sld [smem:$0x3FD9]  }
0x89: {  	s3 =	sld [smem:$0x3FFE];
	_ =	sdelay $0x1  }
0x8a: {  	s1 =	srdreg.scid  }
0x8b: {  	s0 =	sand.u32 $0x1, s1  }
0x8c: {  	s16 =	sshll.u32 s0, $0xA;
	s2 =	sadd.s32 s3, s2  }
0x8d: {  	s2 =	sadd.s32 s2, s16  }
0x8e: {  	[smem:$0x3FBF] =	sst s2  }
0x8f: {  	_ = 	snop  }
0x90: {  	(tm) =	ssettm $0x1  }
0x91: {  	s17 =	sld [smem:$0x3FFB];
	_ =	sdelay $0x3  }
0x92: {  	_ =	strace s17  }
0x93: {  	s2 =	sld [smem:$0x3FFC];
	_ =	sdelay $0x3  }
0x94: {  	_ =	strace s2  }
0x95: {  	s2 =	sld [smem:$0x3FFD];
	_ =	sdelay $0x3  }
0x96: {  	_ =	strace s2  }
0x97: {  	_ =	strace $0x8FFFFFFF  }
0x98: {  	s18 =	sld [smem:$0x3FDB];
	_ =	sdelay $0x1  }
0x99: {  	s19 =	simm.s32 $_scs_section_size  }
0x9a: {  	s4 =	simm.s32 $_size__tile_overlayer_lowered;
	s5 =	simm.s32 $_tile_overlayer_lowered  }
0x9b: {  	s22 =	simm.s32 $0x1BFF;
	s21 =	sshll.u32 s5, $0x1;
	s2 =	sadd.s32 s19, s18  }
0x9c: {  	s6 =	simm.s32 $0x0;
	s20 =	sshll.u32 s4, $0x1;
	s4 =	sadd.s32 s21, s2  }
0x9d: {  	[timem:s6], [sflag:s22] =	dma.local [hbm:s4], s20  }
0x9e: {  	_ =	swait.ge [sflag:s22], s20  }
0x9f: {  	s3 =	ssub.s32 $0x0, s20;
	[sflag:s22] =	ssyncset.done $0x0  }
0xa0: {  	[sflag:s22] =	ssyncadd.s32 s3;
	_ =	sdelay $0x1  }
0xa1: {  	s23 =	simm.s32 $0x1B8B  }
0xa2: {  	_ =	swait.ge [sflag:s23], $0x1  }
0xa3: {  	[sflag:s23] =	ssyncset.done $0x0  }
0xa4: {  	s25 =	simm.s32 $0x1B8E;
	s24 =	sld [smem:$0x3FFE];
	[sflag:s23] =	ssyncadd.s32 $0xFFFFFFFF  }
0xa5: {  	s26 =	simm.s32 $execute0_lowered;
	[smem:$0x3FD2] =	sst s25  }
0xa6: {  	s4 =	sshll.u32 s26, $0x1;
	_ =	strace $0x8000004C;
	[dreg:$0x1] =	wrdreg $0xFFFFFFFF  }
0xa7: {  	s28 =	simm.s32 $_size_execute0_lowered;
	s2 =	sadd.s32 s2, s4;
	[dreg:$0x0] =	wrdreg $0x0  }
0xa8: {  	s4 =	sshll.u32 s28, $0x1;
	[dreg:$0x2] =	wrdreg s2  }
0xa9: {  	[dreg:$0x3] =	wrdreg s4  }
0xaa: {  	[dreg:$0x4] =	wrdreg $0xC0  }
0xab: {  	_ =	task [dreg:s6], $0x5FFFF  }
0xac: {  	[dreg:$0x1] =	wrdreg $0xFFFFFFFF  }
0xad: {  	[dreg:$0x0] =	wrdreg $0x60  }
0xae: {  	[dreg:$0x2] =	wrdreg s24  }
0xaf: {  	[dreg:$0x3] =	wrdreg $0x9  }
0xb0: {  	_ =	task.clear_ibuf [dreg:s6], $0x4FFFF;
	_ =	strace $0x9000004C  }
0xb1: {  	s29 =	simm.s32 $0x9;
	_ =	strace $0x8000004E  }
0xb2: {  	_ =	swait.ge [sflag:s29], $0x1  }
0xb3: {  	[sflag:s29] =	ssyncadd.s32 $0xFFFFFFFF  }
0xb4: {  	_ =	strace $0x9000004E  }
0xb5: {  	_ =	sfence  }
0xb6: {  	s30 =	sld [smem:$0x0];
	_ =	sdelay $0x2  }
0xb7: {  	s31 =	sshll.u32 s1, $0xD;
	s1 =	sshrl.u32 s1, $0x2  }
0xb8: {  	s3 =	sand.u32 $0x4000, s31;
	s1 =	sadd.s32 s1, s30  }
0xb9: {  	s0 =	sor.u32 s3, s0;
	s1 =	sshll.u32 s1, $0x11  }
0xba: {  	s0 =	sor.u32 s1, s0  }
0xbb: {  	s0 =	sadd.s32 $0x8F2B, s0  }
0xbc: {  	[sflag:s0] =	ssyncadd.remote.s32 $0x1  }
0xbd: {  	_ =	sfence.sel $0xFFFF  }
0xbe: {  	[dreg:$0x0] =	wrdreg $0xFFFFFFFF;
	(pc) =	sbr.abs _section_cstart, $3  }
0xbf: {  	[dreg:$0x1] =	wrdreg $0xFFFFFFFF  }
0xc0: {  	_ =	task.clear_ibuf [dreg:s6], $0x2FFFF;
	_ =	strace $0x9FFFFFFF  }
0xc1: {  	(tm) =	ssettm $0x7FFFFFFF  }
tec
execute0_lowered:
.L_overlay_start_1:
0x0: {  	(tag) =	ssettag $0x1  }
0x1: {  	s0 =	srdreg.scid  }
0x2: {  	s1 =	rddreg [dreg:$0x0];
	s4 =	stileid.u32  }
0x3: {  	s2 =	simm.s32 $0x0;
	s13 =	simm.s32 $0x5;
	s14 =	simm.s32 $0x7  }
0x4: {  	s15 =	simm.s32 $0x140;
	s16 =	simm.s32 $0x500;
	s17 =	simm.s32 $0xA500  }
0x5: {  	s18 =	simm.s32 $0x1;
	s19 =	simm.s32 $0x3;
	s20 =	simm.s32 $0x3C0  }
0x6: {  	s21 =	simm.s32 $0x6;
	s22 =	simm.s32 $0x8;
	s0 =	sand.u32 $0x1, s0  }
0x7: {  	s23 =	simm.s32 $0x5500;
	s24 =	simm.s32 $0xF500;
	s3 =	sshll.u32 s0, $0x4  }
0x8: {  	s25 =	simm.s32 $0x2;
	s26 =	simm.s32 $0x4;
	s3 =	sor.u32 s4, s3  }
0x9: {  	s29 =	simm.s32 $0x9;
	s30 =	simm.s32 $0x0;
	s3 =	smul.u32 $0xC80, s3  }
0xa: {  	[smem:$0x7FF] =	sst s2;
	s5 =	sadd.s32 $0x40200, s1;
	s6 =	sadd.s32 $0x3D000, s1  }
0xb: {  	_ =	strace $0x8000004D;
	s0 =	ssub.s32 $0x2, s0;
	s7 =	sshrl.u32 s3, $0x3  }
0xc: {  	s4 =	sadd.s32 $0x2200, s1;
	s8 =	sshrl.u32 s0, $0x1;
	s31 =	sadd.s32 s5, s7  }
0xd: {  	s1 =	sadd.s32 s7, s1;
	s7 =	sadd.s32 s6, s7;
	[dreg:$0x2] =	wrdreg s31  }
0xe: {  	v0 =	vlaneseq.u32;
	s0 =	ssub.s32 s0, s8;
	[dreg:$0x3] =	wrdreg s7;
	s1 =	sadd.s32 $0x15C00, s1  }
0xf: {  	v0 =	vmul.u32 $0x40, v0;
	s11 =	smax.u32 s0, $0x1;
	s9 =	sadd.s32 $0x280, s3;
	[dreg:$0x4] =	wrdreg s1  }
.LBB2_1:
0x10: {  	s0 =	rddreg [dreg:$0x2]  }
0x11: {  	[tilespmem:s2], [sflag:$0x5] =	stream.linear.gather [hbm4b:s0+s2], $0x140, $0x38;
	[tilespmem:$0x15180] =	vst v63  }
0x12: {  	s28 =	rddreg [dreg:$0x3];
	s1 =	simm.s32 $0x280  }
0x13: {  	[tilespmem:s1], [sflag:$0x7] =	stream.linear.gather [hbm4b:s28+s2], $0x140, $0x38;
	[tilespmem:$0x15180] =	vst v63  }
0x14: {  	_ =	swait.ge [sflag:s13], $0x140  }
0x15: {  	[sflag:s13] =	ssyncset.done $0x0  }
0x16: {  	[sflag:s13] =	ssyncadd.s32 $0xFFFFFEC0  }
0x17: {  	_ =	swait.ge [sflag:s14], $0x140  }
0x18: {  	[sflag:s14] =	ssyncset.done $0x0  }
0x19: {  	[sflag:s14] =	ssyncadd.s32 $0xFFFFFEC0  }
0x1a: {  	[tilespmem:s16], [sflag:$0x1] =	stream.indirect.gather [hbm4b:s4+s15], $0x40, s2, s15, $0xb8;
	[tilespmem:$0x15180] =	vst v63  }
0x1b: {  	s31 =	simm.s32 $0x0  }
0x1c: {  	[tilespmem:s17], [sflag:$0x3] =	stream.indirect.gather [hbm4b:s4+s15], $0x40, s1, s15, $0xb8;
	[tilespmem:$0x15180] =	vst v63  }
.LBB2_2:
0x1d: {  	_ =	swait.ge [sflag:s18], $0x5000;
	s0 =	sshllo.u32 s31, $0x1  }
0x1e: {  	[sflag:s18] =	ssyncset.done $0x0;
	s1 =	smul.u32 $0x140, s0  }
0x1f: {  	[sflag:s18] =	ssyncadd.s32 $0xFFFFB000  }
0x20: {  	_ =	swait.ge [sflag:s19], $0x5000;
	s1 =	sadd.s32 s3, s1  }
0x21: {  	[sflag:s19] =	ssyncset.done $0x0;
	s7 =	sshrl.u32 s1, $0x3  }
0x22: {  	s1 =	simm.s32 $0x0;
	[sflag:s19] =	ssyncadd.s32 $0xFFFFB000;
	s8 =	sadd.s32 s5, s7  }
0x23: {  	[tilespmem:s15], [sflag:$0x6] =	stream.linear.gather [hbm4b:s8+s1], $0x140, $0x38;
	[tilespmem:$0x15180] =	vst v63  }
0x24: {  	s7 =	sadd.s32 s6, s7  }
0x25: {  	[tilespmem:s20], [sflag:$0x8] =	stream.linear.gather [hbm4b:s7+s1], $0x140, $0x38;
	[tilespmem:$0x15180] =	vst v63  }
0x26: {  	_ =	swait.ge [sflag:s21], $0x140  }
0x27: {  	[sflag:s21] =	ssyncset.done $0x0  }
0x28: {  	[sflag:s21] =	ssyncadd.s32 $0xFFFFFEC0  }
0x29: {  	s12 =	smul.u32 $0xA00, s31;
	_ =	swait.ge [sflag:s22], $0x140  }
0x2a: {  	[sflag:s22] =	ssyncset.done $0x0  }
0x2b: {  	s7 =	sshra.s32 s12, $0x2;
	[sflag:s22] =	ssyncadd.s32 $0xFFFFFEC0  }
0x2c: {  	[tilespmem:s23], [sflag:$0x2] =	stream.indirect.gather [hbm4b:s4+s15], $0x40, s15, s15, $0xb8;
	[tilespmem:$0x15180] =	vst v63  }
0x2d: {  	s28 =	simm.s32 $0x0;
	s7 =	sadd.s32 $0x14500, s7  }
0x2e: {  	v1 =	vmov s7;
	[tilespmem:s24], [sflag:$0x4] =	stream.indirect.gather [hbm4b:s4+s15], $0x40, s20, s15, $0xb8;
	[tilespmem:$0x15180] =	vst v63  }
.LBB2_3:
0x2f: {  	s12 =	sshll.u32 s28, $0x4;
	v2 =	vmov s1  }
0x30: {  	s7 =	simm.s32 $0x1;
	v3 =	vmov s12;
	v2 =	vand.u32 $0x3C, v2  }
0x31: {  	v4 =	vmov s7;
	v3 =	vshll.u32 v3, $0x6;
	v5 =	vbroadcast v2, $0x0  }
0x32: {  	s8 =	simm.s32 $0x2;
	v2 =	vor.u32 v0, v3;
	v3 =	vand.u32 $0x3D, v4  }
0x33: {  	v4 =	vmov s8;
	v3 =	vbroadcast v3, $0x0;
	v5 =	vor.u32 v2, v5  }
0x34: {  	s10 =	simm.s32 $0x3;
	v4 =	vand.u32 $0x3E, v4  }
0x35: {  	v6 =	vmov s10;
	v4 =	vbroadcast v4, $0x0;
	v7 =	vor.u32 v2, v3  }
0x36: {  	s8 =	simm.s32 $0x4;
	v3 =	vand.u32 $0x3F, v6  }
0x37: {  	v6 =	vmov s8;
	v3 =	vbroadcast v3, $0x0;
	v8 =	vor.u32 v2, v4  }
0x38: {  	s10 =	simm.s32 $0x5;
	v4 =	vand.u32 $0x3C, v6;
	v9 =	vld.idx.msk [tilespmem:v5+s16+$0x0], $0xffff  }
0x39: {  	v4 =	vbroadcast v4, $0x0;
	v12 =	vld.idx.msk [tilespmem:v5+s17+$0x0], $0xffff;
	v14 =	vor.u32 v2, v3;
	v5 =	vmov s10  }
0x3a: {  	s8 =	simm.s32 $0x6;
	v5 =	vand.u32 $0x3D, v5;
	v3 =	vld.idx.msk [tilespmem:v7+s16+$0x0], $0xffff  }
0x3b: {  	s7 =	simm.s32 $0x8;
	v10 =	vmov s8;
	s8 =	simm.s32 $0x7;
	v6 =	vor.u32 v2, v4;
	v7 =	vld.idx.msk [tilespmem:v7+s17+$0x0], $0xffff;
	v5 =	vbroadcast v5, $0x0  }
0x3c: {  	v15 =	vmov s7;
	v10 =	vand.u32 $0x3E, v10;
	v11 =	vmov s8;
	v4 =	vld.idx.msk [tilespmem:v8+s16+$0x0], $0xffff  }
0x3d: {  	v16 =	vbroadcast v10, $0x0;
	v17 =	vand.u32 $0x3F, v11;
	s10 =	simm.s32 $0x9;
	v11 =	vld.idx.msk [tilespmem:v8+s17+$0x0], $0xffff;
	v10 =	vor.u32 v2, v5  }
0x3e: {  	v13 =	vimm.f32 $0.0e+00;
	v19 =	vand.u32 $0x3C, v15;
	v20 =	vmov s10;
	v5 =	vld.idx.msk [tilespmem:v14+s16+$0x0], $0xffff  }
0x3f: {  	v15 =	vbroadcast v17, $0x0;
	s10 =	simm.s32 $0xA;
	v8 =	vor.u32 v2, v16;
	v18 =	vmul.f32 v12, v9;
	v12 =	vld.idx.msk [tilespmem:v14+s17+$0x0], $0xffff  }
0x40: {  	s8 =	simm.s32 $0xC;
	v17 =	vand.u32 $0x3D, v20;
	v16 =	vmov s10;
	v14 =	vbroadcast v19, $0x0;
	v9 =	vld.idx.msk [tilespmem:v6+s16+$0x0], $0xffff  }
.LBB2_4:
0x41: {  	p0 =	sne.s32 s8, $0x3C;
	s10 =	sadd.s32 $0x3, s7;
	v19 =	vld.idx.msk [tilespmem:v6+s17+$0x0], $0xffff;
	v20 =	vor.u32 v2, v15;
	v13 =	vadd.f32 v18, v13;
	v15 =	vmul.f32 v7, v3;
	s7 =	smov.u32 s8  }
0x42: {  	v17 =	vbroadcast v17, $0x0;
	v16 =	vand.u32 $0x3E, v16;
	v18 =	vmov s10;
	v3 =	vld.idx.msk [tilespmem:v10+s16+$0x0], $0xffff  }
0x43: {  	v6 =	vor.u32 v2, v14;
	v14 =	vmul.f32 v11, v4;
	v7 =	vld.idx.msk [tilespmem:v10+s17+$0x0], $0xffff;
	v13 =	vadd.f32 v15, v13  }
.Ltmp0:
0x44: {  	v16 =	vbroadcast v16, $0x0;
	v15 =	vmov s8;
	v18 =	vand.u32 $0x3F, v18;
	v4 =	vld.idx.msk [tilespmem:v8+s16+$0x0], $0xffff;
	(pc) =	sbr.rel @p0 .LBB2_4-.Ltmp0, $4  }
0x45: {  	s10 =	sadd.s32 $0x1, s8;
	v10 =	vor.u32 v2, v17;
	v11 =	vld.idx.msk [tilespmem:v8+s17+$0x0], $0xffff;
	v13 =	vadd.f32 v14, v13;
	v14 =	vmul.f32 v12, v5  }
0x46: {  	v21 =	vmov s10;
	v17 =	vand.u32 $0x3C, v15;
	v15 =	vbroadcast v18, $0x0;
	v5 =	vld.idx.msk [tilespmem:v20+s16+$0x0], $0xffff  }
0x47: {  	s10 =	sadd.s32 $0x2, s8;
	v8 =	vor.u32 v2, v16;
	v18 =	vmul.f32 v19, v9;
	v12 =	vld.idx.msk [tilespmem:v20+s17+$0x0], $0xffff;
	v13 =	vadd.f32 v14, v13  }
0x48: {  	s8 =	sadd.s32 $0x4, s8;
	v16 =	vmov s10;
	v14 =	vbroadcast v17, $0x0;
	v17 =	vand.u32 $0x3D, v21;
	v9 =	vld.idx.msk [tilespmem:v6+s16+$0x0], $0xffff  }
0x49: {  	_ =	sdelay $0x2  }
0x4a: {  	v13 =	vadd.f32 v18, v13;
	v3 =	vmul.f32 v7, v3  }
0x4b: {  	v6 =	vld.idx.msk [tilespmem:v6+s17+$0x0], $0xffff;
	v40 =	vor.u32 v2, v15  }
0x4c: {  	v41 =	vld.idx.msk [tilespmem:v10+s16+$0x0], $0xffff;
	v4 =	vmul.f32 v11, v4;
	v3 =	vadd.f32 v3, v13  }
0x4d: {  	v42 =	vbroadcast v17, $0x0;
	v44 =	vld.idx.msk [tilespmem:v10+s17+$0x0], $0xffff;
	v43 =	vor.u32 v2, v14  }
0x4e: {  	s7 =	sadd.s32 $0x3, s7;
	v45 =	vand.u32 $0x3E, v16;
	v46 =	vld.idx.msk [tilespmem:v8+s16+$0x0], $0xffff;
	v47 =	vmul.f32 v12, v5;
	v3 =	vadd.f32 v4, v3  }
0x4f: {  	v50 =	vld.idx.msk [tilespmem:v8+s17+$0x0], $0xffff;
	v48 =	vmov s7;
	v49 =	vbroadcast v45, $0x0;
	v11 =	vor.u32 v2, v42  }
0x50: {  	v5 =	vand.u32 $0x3F, v48;
	v51 =	vld.idx.msk [tilespmem:v40+s16+$0x0], $0xffff;
	v6 =	vmul.f32 v6, v9;
	v3 =	vadd.f32 v47, v3  }
0x51: {  	v53 =	vor.u32 v2, v49;
	v52 =	vbroadcast v5, $0x0;
	v7 =	vld.idx.msk [tilespmem:v40+s17+$0x0], $0xffff  }
0x52: {  	v55 =	vmul.f32 v44, v41;
	v54 =	vld.idx.msk [tilespmem:v43+s16+$0x0], $0xffff;
	v3 =	vadd.f32 v6, v3  }
0x53: {  	v56 =	vld.idx.msk [tilespmem:v43+s17+$0x0], $0xffff;
	v2 =	vor.u32 v2, v52  }
0x54: {  	v58 =	vmul.f32 v50, v46;
	v57 =	vld.idx.msk [tilespmem:v11+s16+$0x0], $0xffff;
	v3 =	vadd.f32 v55, v3  }
0x55: {  	v59 =	vld.idx.msk [tilespmem:v11+s17+$0x0], $0xffff  }
0x56: {  	v60 =	vld.idx.msk [tilespmem:v53+s16+$0x0], $0xffff;
	v61 =	vmul.f32 v7, v51;
	v3 =	vadd.f32 v58, v3  }
0x57: {  	v5 =	vld.idx.msk [tilespmem:v53+s17+$0x0], $0xffff  }
0x58: {  	v62 =	vld.idx.msk [tilespmem:v2+s16+$0x0], $0xffff;
	v9 =	vmul.f32 v56, v54;
	v3 =	vadd.f32 v61, v3  }
0x59: {  	v2 =	vld.idx.msk [tilespmem:v2+s17+$0x0], $0xffff  }
0x5a: {  	v4 =	vmul.f32 v59, v57;
	v3 =	vadd.f32 v9, v3;
	_ =	sdelay $0x1  }
0x5b: {  	s28 =	sadd.s32 $0x1, s28;
	v63 =	vmul.f32 v5, v60;
	v3 =	vadd.f32 v4, v3  }
0x5c: {  	p0 =	sne.s32 s28, $0x14  }
.Ltmp1:
0x5d: {  	v2 =	vmul.f32 v2, v62;
	v3 =	vadd.f32 v63, v3;
	(pc) =	sbr.rel @p0 .LBB2_3-.Ltmp1, $3  }
0x5e: {  	_ = 	snop  }
0x5f: {  	v2 =	vadd.f32 v2, v3;
	_ =	sdelay $0x1  }
0x60: {  	[tilespmem:v1+s12+$0x0 ss:$0x1] =	vst.idx.msk $0xffff, v2  }
0x61: {  	_ =	swait.ge [sflag:s25], $0x5000;
	p0 =	seq.s32 s31, $0x4  }
0x62: {  	[sflag:s25] =	ssyncset.done $0x0;
	s1 =	smul.u32 @!p0 $0x280, s31  }
0x63: {  	[sflag:s25] =	ssyncadd.s32 $0xFFFFB000  }
0x64: {  	_ =	swait.ge [sflag:s26], $0x5000;
	s1 =	sadd.s32 @!p0 s1, s9  }
0x65: {  	[sflag:s26] =	ssyncset.done $0x0;
	s1 =	sshrl.u32 @!p0 s1, $0x3  }
0x66: {  	s8 =	simm.s32 @!p0 $0x0;
	[sflag:s26] =	ssyncadd.s32 $0xFFFFB000;
	s7 =	sadd.s32 @!p0 s5, s1  }
0x67: {  	[tilespmem:s8], [sflag:$0x5] =	stream.linear.gather @!p0 [hbm4b:s7+s8], $0x140, $0x38;
	[tilespmem:$0x15180] =	vst v63  }
0x68: {  	s1 =	sadd.s32 @!p0 s6, s1;
	s7 =	simm.s32 @!p0 $0x280  }
0x69: {  	[tilespmem:s7], [sflag:$0x7] =	stream.linear.gather @!p0 [hbm4b:s1+s8], $0x140, $0x38;
	[tilespmem:$0x15180] =	vst v63  }
0x6a: {  	s1 =	simm.s32 @!p0 $0x5  }
0x6b: {  	_ =	swait.ge @!p0 [sflag:s1], $0x140  }
0x6c: {  	[sflag:s1] =	ssyncset.done @!p0 $0x0  }
0x6d: {  	[sflag:s1] =	ssyncadd.s32 @!p0 $0xFFFFFEC0;
	s1 =	simm.s32 @!p0 $0x7  }
0x6e: {  	s0 =	smul.u32 $0x500, s0;
	_ =	swait.ge @!p0 [sflag:s1], $0x140  }
0x6f: {  	s10 =	simm.s32 @!p0 $0x500;
	[sflag:s1] =	ssyncset.done @!p0 $0x0  }
0x70: {  	s0 =	sshra.s32 s0, $0x2;
	[sflag:s1] =	ssyncadd.s32 @!p0 $0xFFFFFEC0;
	s1 =	simm.s32 @!p0 $0x140  }
0x71: {  	[tilespmem:s10], [sflag:$0x1] =	stream.indirect.gather @!p0 [hbm4b:s4+s1], $0x40, s8, s1, $0xb8;
	[tilespmem:$0x15180] =	vst v63  }
0x72: {  	s28 =	sadd.s32 $0x14500, s0;
	s8 =	simm.s32 @!p0 $0xA500  }
0x73: {  	[tilespmem:s8], [sflag:$0x3] =	stream.indirect.gather @!p0 [hbm4b:s4+s1], $0x40, s7, s1, $0xb8;
	[tilespmem:$0x15180] =	vst v63  }
0x74: {  	s0 =	simm.s32 $0x0;
	v1 =	vmov s28;
	s1 =	simm.s32 $0x0  }
.LBB2_7:
0x75: {  	s12 =	sshll.u32 s1, $0x4;
	v2 =	vmov s0  }
0x76: {  	s7 =	simm.s32 $0x1;
	v3 =	vmov s12;
	v2 =	vand.u32 $0x3C, v2  }
0x77: {  	v4 =	vmov s7;
	v3 =	vshll.u32 v3, $0x6;
	v5 =	vbroadcast v2, $0x0  }
0x78: {  	s28 =	simm.s32 $0x2;
	v2 =	vor.u32 v0, v3;
	v3 =	vand.u32 $0x3D, v4  }
0x79: {  	v4 =	vmov s28;
	v3 =	vbroadcast v3, $0x0;
	v5 =	vor.u32 v2, v5  }
0x7a: {  	s8 =	simm.s32 $0x3;
	v4 =	vand.u32 $0x3E, v4  }
0x7b: {  	v6 =	vmov s8;
	v4 =	vbroadcast v4, $0x0;
	v7 =	vor.u32 v2, v3  }
0x7c: {  	s10 =	simm.s32 $0x4;
	v3 =	vand.u32 $0x3F, v6  }
0x7d: {  	v6 =	vmov s10;
	v3 =	vbroadcast v3, $0x0;
	v8 =	vor.u32 v2, v4  }
0x7e: {  	s28 =	simm.s32 $0x5;
	v4 =	vand.u32 $0x3C, v6;
	v9 =	vld.idx.msk [tilespmem:v5+s23+$0x0], $0xffff  }
0x7f: {  	v4 =	vbroadcast v4, $0x0;
	v12 =	vld.idx.msk [tilespmem:v5+s24+$0x0], $0xffff;
	v14 =	vor.u32 v2, v3;
	v5 =	vmov s28  }
0x80: {  	s8 =	simm.s32 $0x6;
	v5 =	vand.u32 $0x3D, v5;
	v3 =	vld.idx.msk [tilespmem:v7+s23+$0x0], $0xffff  }
0x81: {  	s7 =	simm.s32 $0x8;
	v10 =	vmov s8;
	s8 =	simm.s32 $0x7;
	v6 =	vor.u32 v2, v4;
	v7 =	vld.idx.msk [tilespmem:v7+s24+$0x0], $0xffff;
	v5 =	vbroadcast v5, $0x0  }
0x82: {  	v15 =	vmov s7;
	v10 =	vand.u32 $0x3E, v10;
	v11 =	vmov s8;
	v4 =	vld.idx.msk [tilespmem:v8+s23+$0x0], $0xffff  }
0x83: {  	v16 =	vbroadcast v10, $0x0;
	v17 =	vand.u32 $0x3F, v11;
	v11 =	vld.idx.msk [tilespmem:v8+s24+$0x0], $0xffff;
	v10 =	vor.u32 v2, v5  }
0x84: {  	v13 =	vimm.f32 $0.0e+00;
	v19 =	vand.u32 $0x3C, v15;
	v15 =	vbroadcast v17, $0x0;
	s10 =	simm.s32 $0x9;
	v5 =	vld.idx.msk [tilespmem:v14+s23+$0x0], $0xffff  }
0x85: {  	v20 =	vmov s10;
	s28 =	simm.s32 $0xA;
	v8 =	vor.u32 v2, v16;
	v18 =	vmul.f32 v12, v9;
	v12 =	vld.idx.msk [tilespmem:v14+s24+$0x0], $0xffff  }
0x86: {  	s8 =	simm.s32 $0xC;
	v17 =	vand.u32 $0x3D, v20;
	v16 =	vmov s28;
	v14 =	vbroadcast v19, $0x0;
	v9 =	vld.idx.msk [tilespmem:v6+s23+$0x0], $0xffff  }
.LBB2_8:
0x87: {  	p0 =	sne.s32 s8, $0x3C;
	s10 =	sadd.s32 $0x3, s7;
	v19 =	vld.idx.msk [tilespmem:v6+s24+$0x0], $0xffff;
	v20 =	vor.u32 v2, v15;
	v13 =	vadd.f32 v18, v13;
	v15 =	vmul.f32 v7, v3;
	s7 =	smov.u32 s8  }
0x88: {  	v17 =	vbroadcast v17, $0x0;
	v16 =	vand.u32 $0x3E, v16;
	v18 =	vmov s10;
	v3 =	vld.idx.msk [tilespmem:v10+s23+$0x0], $0xffff  }
0x89: {  	v6 =	vor.u32 v2, v14;
	v14 =	vmul.f32 v11, v4;
	v7 =	vld.idx.msk [tilespmem:v10+s24+$0x0], $0xffff;
	v13 =	vadd.f32 v15, v13  }
.Ltmp2:
0x8a: {  	v16 =	vbroadcast v16, $0x0;
	v15 =	vmov s8;
	v18 =	vand.u32 $0x3F, v18;
	v4 =	vld.idx.msk [tilespmem:v8+s23+$0x0], $0xffff;
	(pc) =	sbr.rel @p0 .LBB2_8-.Ltmp2, $4  }
0x8b: {  	s10 =	sadd.s32 $0x1, s8;
	v10 =	vor.u32 v2, v17;
	v11 =	vld.idx.msk [tilespmem:v8+s24+$0x0], $0xffff;
	v13 =	vadd.f32 v14, v13;
	v14 =	vmul.f32 v12, v5  }
0x8c: {  	v21 =	vmov s10;
	v17 =	vand.u32 $0x3C, v15;
	v15 =	vbroadcast v18, $0x0;
	v5 =	vld.idx.msk [tilespmem:v20+s23+$0x0], $0xffff  }
0x8d: {  	s10 =	sadd.s32 $0x2, s8;
	v8 =	vor.u32 v2, v16;
	v18 =	vmul.f32 v19, v9;
	v12 =	vld.idx.msk [tilespmem:v20+s24+$0x0], $0xffff;
	v13 =	vadd.f32 v14, v13  }
0x8e: {  	s8 =	sadd.s32 $0x4, s8;
	v16 =	vmov s10;
	v14 =	vbroadcast v17, $0x0;
	v17 =	vand.u32 $0x3D, v21;
	v9 =	vld.idx.msk [tilespmem:v6+s23+$0x0], $0xffff  }
0x8f: {  	_ =	sdelay $0x2  }
0x90: {  	v13 =	vadd.f32 v18, v13;
	v3 =	vmul.f32 v7, v3  }
0x91: {  	v6 =	vld.idx.msk [tilespmem:v6+s24+$0x0], $0xffff;
	v40 =	vor.u32 v2, v15  }
0x92: {  	v41 =	vld.idx.msk [tilespmem:v10+s23+$0x0], $0xffff;
	v4 =	vmul.f32 v11, v4;
	v3 =	vadd.f32 v3, v13  }
0x93: {  	v42 =	vbroadcast v17, $0x0;
	v44 =	vld.idx.msk [tilespmem:v10+s24+$0x0], $0xffff;
	v43 =	vor.u32 v2, v14  }
0x94: {  	s7 =	sadd.s32 $0x3, s7;
	v45 =	vand.u32 $0x3E, v16;
	v46 =	vld.idx.msk [tilespmem:v8+s23+$0x0], $0xffff;
	v47 =	vmul.f32 v12, v5;
	v3 =	vadd.f32 v4, v3  }
0x95: {  	v50 =	vld.idx.msk [tilespmem:v8+s24+$0x0], $0xffff;
	v48 =	vmov s7;
	v49 =	vbroadcast v45, $0x0;
	v11 =	vor.u32 v2, v42  }
0x96: {  	v5 =	vand.u32 $0x3F, v48;
	v51 =	vld.idx.msk [tilespmem:v40+s23+$0x0], $0xffff;
	v6 =	vmul.f32 v6, v9;
	v3 =	vadd.f32 v47, v3  }
0x97: {  	v53 =	vor.u32 v2, v49;
	v52 =	vbroadcast v5, $0x0;
	v7 =	vld.idx.msk [tilespmem:v40+s24+$0x0], $0xffff  }
0x98: {  	v55 =	vmul.f32 v44, v41;
	v54 =	vld.idx.msk [tilespmem:v43+s23+$0x0], $0xffff;
	v3 =	vadd.f32 v6, v3  }
0x99: {  	v56 =	vld.idx.msk [tilespmem:v43+s24+$0x0], $0xffff;
	v2 =	vor.u32 v2, v52  }
0x9a: {  	v58 =	vmul.f32 v50, v46;
	v57 =	vld.idx.msk [tilespmem:v11+s23+$0x0], $0xffff;
	v3 =	vadd.f32 v55, v3  }
0x9b: {  	v59 =	vld.idx.msk [tilespmem:v11+s24+$0x0], $0xffff  }
0x9c: {  	v60 =	vld.idx.msk [tilespmem:v53+s23+$0x0], $0xffff;
	v61 =	vmul.f32 v7, v51;
	v3 =	vadd.f32 v58, v3  }
0x9d: {  	v5 =	vld.idx.msk [tilespmem:v53+s24+$0x0], $0xffff  }
0x9e: {  	v62 =	vld.idx.msk [tilespmem:v2+s23+$0x0], $0xffff;
	v9 =	vmul.f32 v56, v54;
	v3 =	vadd.f32 v61, v3  }
0x9f: {  	v2 =	vld.idx.msk [tilespmem:v2+s24+$0x0], $0xffff  }
0xa0: {  	v4 =	vmul.f32 v59, v57;
	v3 =	vadd.f32 v9, v3;
	_ =	sdelay $0x1  }
0xa1: {  	s1 =	sadd.s32 $0x1, s1;
	v63 =	vmul.f32 v5, v60;
	v3 =	vadd.f32 v4, v3  }
0xa2: {  	p0 =	sne.s32 s1, $0x14  }
.Ltmp3:
0xa3: {  	v2 =	vmul.f32 v2, v62;
	v3 =	vadd.f32 v63, v3;
	(pc) =	sbr.rel @p0 .LBB2_7-.Ltmp3, $3  }
0xa4: {  	_ = 	snop  }
0xa5: {  	v2 =	vadd.f32 v2, v3;
	_ =	sdelay $0x1  }
0xa6: {  	[tilespmem:v1+s12+$0x0 ss:$0x1] =	vst.idx.msk $0xffff, v2  }
0xa7: {  	s31 =	sadd.s32 $0x1, s31  }
0xa8: {  	p0 =	sne.s32 s31, $0x5  }
.Ltmp4:
0xa9: {  	_ = 	snop;
	(pc) =	sbr.rel @p0 .LBB2_2-.Ltmp4, $1  }
0xaa: {  	_ =	sdelay $0x3  }
0xab: {  	s30 =	sadd.s32 $0x1, s30  }
0xac: {  	p0 =	sne.s32 s30, s11  }
.Ltmp5:
0xad: {  	s0 =	rddreg [dreg:$0x4];
	s1 =	simm.s32 $0x14500;
	(pc) =	sbr.rel @p0 .LBB2_1-.Ltmp5, $4  }
0xae: {  	[hbm4b:s0+s2] =	stream.linear.scatter [tilespmem:s1], [sflag:$0x9], $0xC80, $0x38;
	[tilespmem:$0x15180] =	vst v63  }
0xaf: {  	_ =	swait.ge [sflag:s29], $0xC80  }
0xb0: {  	[sflag:s29] =	ssyncset.done $0x0  }
0xb1: {  	[sflag:s29] =	ssyncadd.s32 $0xFFFFF380  }
0xb2: {  	_ =	sfence.sel $0x180000  }
0xb3: {  	[bflag:$0x0] =	sbarrier.arrive $0xFFFF  }
0xb4: {  	_ =	strace $0x9000004D  }
0xb5: {  	s0 =	stileid.u32;
	[bflag:$0x2] =	sbarrier.arrive $0xFFFF  }
0xb6: {  	p0 =	sne.s32 s0, $0x0;
	s0 =	rddreg [dreg:$0x1]  }
0xb7: {  	s0 =	sadd.s32 @!p0 $0x100000, s0  }
0xb8: {  	[sflag:s0] =	ssyncadd.tile.s32 @!p0 $0x1;
	_ =	shalt  }
.Lfunc_end2:
_tile_overlayer_lowered:
.L_overlay_start_2:
0xb9: {  	(tag) =	ssettag $0x2  }
0xba: {  	s0 =	rddreg [dreg:$0x0];
	s2 =	stileid.u32  }
0xbb: {  	s1 =	rddreg [dreg:$0x1];
	p0 =	sne.s32 s2, $0x0  }
0xbc: {  	s3 =	rddreg [dreg:$0x2];
	[bflag:$0x3] =	sbarrier.arrive $0xFFFF;
	s2 =	simm.s32 @!p0 $0x1C0A  }
0xbd: {  	[timem:s3], [sflag:s2] =	dma.local @!p0 [hbm:s0], s1  }
0xbe: {  	s0 =	simm.s32 @!p0 $0xA  }
0xbf: {  	_ =	swait.ge @!p0 [sflag:s0], s1  }
0xc0: {  	s1 =	ssub.s32 @!p0 $0x0, s1;
	[sflag:s0] =	ssyncset.done @!p0 $0x0  }
0xc1: {  	[sflag:s0] =	ssyncadd.s32 @!p0 s1  }
0xc2: {  	[bflag:$0x3] =	sbarrier.arrive $0xFFFF  }
0xc3: {  	_ =	shalt  }

// kernel: kernel.7.cloned.1.call-start
scs
__scs_entry_jumppad:
0x0: {  	(pc) =	sbr.rel $0x88, $3  }
0x1: {  	(tag) =	ssettag $0x0;
	lr =	simm.s32 $0x1  }
0x2: {  	[smem:$0x3F98] =	sst lr;
	_ =	strace $0xD0000000  }
0x3: {  	_ = 	snop  }
0x4: {  	_ = 	snop  }
0x5: {  	_ = 	snop  }
0x6: {  	_ = 	snop  }
0x7: {  	_ = 	snop  }
__scs_overlays_trampoline_lowered:
0x8: {  	[smem:$0x3FA7] =	sst s0  }
0x9: {  	[smem:$0x3FA8] =	sst s1  }
0xa: {  	[smem:$0x3FA9] =	sst s2  }
0xb: {  	[smem:$0x3FAA] =	sst s3  }
0xc: {  	[smem:$0x3FAB] =	sst s4  }
0xd: {  	[smem:$0x3FAC] =	sst s5  }
0xe: {  	[smem:$0x3FAD] =	sst s6  }
0xf: {  	[smem:$0x3FAE] =	sst s7  }
0x10: {  	[smem:$0x3FAF] =	sst s8  }
0x11: {  	[smem:$0x3FB0] =	sst s9;
	s0 =	simm.s32 @!p0 $0x0  }
0x12: {  	s1 =	sld [smem:$0x3F96];
	s0 =	simm.s32 @p0 $0x1  }
0x13: {  	[smem:$0x3FB1] =	sst s0;
	s0 =	simm.s32 @!p1 $0x0  }
0x14: {  	s2 =	sld [smem:$0x3F95];
	s0 =	simm.s32 @p1 $0x1  }
0x15: {  	[smem:$0x3FB2] =	sst s0;
	s0 =	simm.s32 @!p2 $0x0  }
0x16: {  	s3 =	sld [smem:$0x3FDB];
	s0 =	simm.s32 @p2 $0x1  }
0x17: {  	s4 =	simm.s32 $0x1BF5;
	[smem:$0x3FB4] =	sst s0  }
0x18: {  	s0 =	sld [smem:$0x3F97];
	_ =	swait.ge [sflag:s4], $0x0  }
0x19: {  	s7 =	sld [smem:$0x3F98]  }
0x1a: {  	s8 =	sadd.s32 $0xFFFFE003, lr  }
0x1b: {  	s9 =	sadd.s32 $0xFFFFFEF7, lr;
	s5 =	simm.s32 $0xFFFFFFFF;
	p2 =	slt.u32 s8, $0xFFFFF086  }
0x1c: {  	p1 =	slt.u32 s9, $0xF7A;
	s5 =	simm.s32 @!p2 $0x0  }
0x1d: {  	s5 =	simm.s32 @p1 $0x1;
	p0 =	seq.s32 s7, s2  }
0x1e: {  	s7 =	smul.u32 @!p0 $0xF7A, s2;
	p2 =	seq.s32 @!p0 s5, $0x0  }
0x1f: {  	s9 =	smul.u32 $0xF7A, s1;
	s8 =	simm.s32 @!p0 $0x1BF5;
	p2 =	por !p2, p0  }
0x20: {  	[sflag:s8] =	ssyncset.s32 @!p0 $0xFFFFF086;
	s6 =	sadd.s32 @!p0 s3, s7;
	s7 =	simm.s32 @!p0 $0x108  }
0x21: {  	s3 =	sadd.s32 s3, s9;
	s6 =	sadd.s32 @!p0 $0x88, s6;
	s7 =	simm.s32 @p2 $0x1082  }
0x22: {  	[simem:s7], [sflag:s8] =	dma.local @!p0 [hbm:s6], $0xF7A  }
0x23: {  	s9 =	sor.u32 $0xD0000000, s2;
	s6 =	simm.s32 $0x108;
	_ =	swait.ge @!p0 [sflag:s8], $0x0  }
0x24: {  	s3 =	sadd.s32 $0x88, s3;
	s6 =	simm.s32 @!p1 $0x1082;
	[sflag:s4] =	ssyncset.s32 $0xFFFFF086  }
0x25: {  	[simem:s6], [sflag:s4] =	dma.local [hbm:s3], $0xF7A  }
0x26: {  	[smem:$0x3F98] =	sst s1;
	(tag) =	ssettag s2;
	_ =	strace s9  }
0x27: {  	s1 =	sld [smem:$0x3FA8]  }
0x28: {  	s2 =	sld [smem:$0x3FA9]  }
0x29: {  	s4 =	sld [smem:$0x3FAB]  }
0x2a: {  	p0 =	seq.s32 s5, $0x0;
	s5 =	sld [smem:$0x3FAC]  }
0x2b: {  	s6 =	sld [smem:$0x3FAD]  }
0x2c: {  	s7 =	sld [smem:$0x3FAE]  }
0x2d: {  	s3 =	simm.s32 $0x108;
	s8 =	sld [smem:$0x3FAF]  }
0x2e: {  	s3 =	simm.s32 @!p0 $0x1082;
	s9 =	sld [smem:$0x3FB0]  }
0x2f: {  	lr =	sadd.s32 s0, s3;
	s0 =	sld [smem:$0x3FA7]  }
0x30: {  	s3 =	sld [smem:$0x3FAA]  }
0x31: {  	[smem:$0x3FB3] =	sst s10  }
0x32: {  	s10 =	sld [smem:$0x3FB1];
	_ =	sdelay $0x3  }
0x33: {  	p0 =	seq.s32 s10, $0x1;
	s10 =	sld [smem:$0x3FB3];
	_ =	sdelay $0x3  }
0x34: {  	[smem:$0x3FB3] =	sst s10  }
0x35: {  	s10 =	sld [smem:$0x3FB2];
	_ =	sdelay $0x3  }
0x36: {  	p1 =	seq.s32 s10, $0x1;
	s10 =	sld [smem:$0x3FB3];
	_ =	sdelay $0x3  }
0x37: {  	[smem:$0x3FB3] =	sst s10  }
0x38: {  	s10 =	sld [smem:$0x3FB4]  }
0x39: {  	_ = 	snop;
	(pc) =	sbr.ind lr, $3  }
0x3a: {  	_ = 	snop  }
0x3b: {  	_ = 	snop  }
0x3c: {  	p2 =	seq.s32 s10, $0x1;
	s10 =	sld [smem:$0x3FB3]  }
0x3d: {  	_ =	shalt  }
0x3e: {  	_ =	shalt  }
0x3f: {  	_ =	shalt  }
0x40: {  	_ =	shalt  }
0x41: {  	_ =	shalt  }
0x42: {  	_ =	shalt  }
0x43: {  	_ =	shalt  }
0x44: {  	_ =	shalt  }
0x45: {  	_ =	shalt  }
0x46: {  	_ =	shalt  }
0x47: {  	_ =	shalt  }
0x48: {  	_ =	shalt  }
0x49: {  	_ =	shalt  }
0x4a: {  	_ =	shalt  }
0x4b: {  	_ =	shalt  }
0x4c: {  	_ =	shalt  }
0x4d: {  	_ =	shalt  }
0x4e: {  	_ =	shalt  }
0x4f: {  	_ =	shalt  }
0x50: {  	_ =	shalt  }
0x51: {  	_ =	shalt  }
0x52: {  	_ =	shalt  }
0x53: {  	_ =	shalt  }
0x54: {  	_ =	shalt  }
0x55: {  	_ =	shalt  }
0x56: {  	_ =	shalt  }
0x57: {  	_ =	shalt  }
0x58: {  	_ =	shalt  }
0x59: {  	_ =	shalt  }
0x5a: {  	_ =	shalt  }
0x5b: {  	_ =	shalt  }
0x5c: {  	_ =	shalt  }
0x5d: {  	_ =	shalt  }
0x5e: {  	_ =	shalt  }
0x5f: {  	_ =	shalt  }
0x60: {  	_ =	shalt  }
0x61: {  	_ =	shalt  }
0x62: {  	_ =	shalt  }
0x63: {  	_ =	shalt  }
0x64: {  	_ =	shalt  }
0x65: {  	_ =	shalt  }
0x66: {  	_ =	shalt  }
0x67: {  	_ =	shalt  }
0x68: {  	_ =	shalt  }
0x69: {  	_ =	shalt  }
0x6a: {  	_ =	shalt  }
0x6b: {  	_ =	shalt  }
0x6c: {  	_ =	shalt  }
0x6d: {  	_ =	shalt  }
0x6e: {  	_ =	shalt  }
0x6f: {  	_ =	shalt  }
0x70: {  	_ =	shalt  }
0x71: {  	_ =	shalt  }
0x72: {  	_ =	shalt  }
0x73: {  	_ =	shalt  }
0x74: {  	_ =	shalt  }
0x75: {  	_ =	shalt  }
0x76: {  	_ =	shalt  }
0x77: {  	_ =	shalt  }
0x78: {  	_ =	shalt  }
0x79: {  	_ =	shalt  }
0x7a: {  	_ =	shalt  }
0x7b: {  	_ =	shalt  }
0x7c: {  	_ =	shalt  }
0x7d: {  	_ =	shalt  }
0x7e: {  	_ =	shalt  }
0x7f: {  	_ =	shalt  }
0x80: {  	_ =	shalt  }
0x81: {  	_ =	shalt  }
0x82: {  	_ =	shalt  }
0x83: {  	_ =	shalt  }
0x84: {  	_ =	shalt  }
0x85: {  	_ =	shalt  }
0x86: {  	_ =	shalt  }
0x87: {  	_ =	shalt  }
.Lfunc_end0:
.L_simem_size_0:
called_computation_lowered:
.L_overlay_start_0:
0x88: {  	s2 =	sld [smem:$0x3FD9]  }
0x89: {  	s3 =	sld [smem:$0x3FFE];
	_ =	sdelay $0x1  }
0x8a: {  	s1 =	srdreg.scid  }
0x8b: {  	s0 =	sand.u32 $0x1, s1  }
0x8c: {  	s17 =	sshll.u32 s0, $0xA;
	s2 =	sadd.s32 s3, s2  }
0x8d: {  	s2 =	sadd.s32 s2, s17  }
0x8e: {  	[smem:$0x3FBF] =	sst s2  }
0x8f: {  	_ = 	snop  }
0x90: {  	s2 =	sld [smem:$0x3FC9]  }
0x91: {  	s18 =	sld [smem:$0x3FD0];
	(tm) =	ssettm $0x1  }
0x92: {  	s4 =	sld [smem:$0x3FFB];
	_ =	sdelay $0x3  }
0x93: {  	_ =	strace s4  }
0x94: {  	s4 =	sld [smem:$0x3FFC];
	_ =	sdelay $0x3  }
0x95: {  	_ =	strace s4  }
0x96: {  	s4 =	sld [smem:$0x3FFD];
	_ =	sdelay $0x3  }
0x97: {  	_ =	strace s4  }
0x98: {  	_ =	strace $0x8FFFFFFF  }
0x99: {  	s19 =	sld [smem:$0x3FDB];
	_ =	sdelay $0x1  }
0x9a: {  	s5 =	simm.s32 $_scs_section_size  }
0x9b: {  	s6 =	simm.s32 $_size__tile_overlayer_lowered;
	s7 =	simm.s32 $_tile_overlayer_lowered  }
0x9c: {  	s22 =	simm.s32 $0x1BFF;
	s21 =	sshll.u32 s7, $0x1;
	s4 =	sadd.s32 s5, s19  }
0x9d: {  	s8 =	simm.s32 $0x0;
	s20 =	sshll.u32 s6, $0x1;
	s6 =	sadd.s32 s21, s4  }
0x9e: {  	[timem:s8], [sflag:s22] =	dma.local [hbm:s6], s20  }
0x9f: {  	_ =	swait.ge [sflag:s22], s20  }
0xa0: {  	s5 =	ssub.s32 $0x0, s20;
	[sflag:s22] =	ssyncset.done $0x0  }
0xa1: {  	[sflag:s22] =	ssyncadd.s32 s5;
	_ =	sdelay $0x1  }
0xa2: {  	s23 =	simm.s32 $0x1B8B  }
0xa3: {  	_ =	swait.ge [sflag:s23], $0x1  }
0xa4: {  	[sflag:s23] =	ssyncset.done $0x0  }
0xa5: {  	s25 =	simm.s32 $0x1B8E;
	s24 =	sld [smem:$0x3FFE];
	[sflag:s23] =	ssyncadd.s32 $0xFFFFFFFF  }
0xa6: {  	s26 =	simm.s32 $execute0_lowered;
	[smem:$0x3FD2] =	sst s25  }
0xa7: {  	s6 =	sshll.u32 s26, $0x1;
	_ =	strace $0x80000046;
	[dreg:$0x1] =	wrdreg $0xFFFFFFFF  }
0xa8: {  	s28 =	simm.s32 $_size_execute0_lowered;
	s4 =	sadd.s32 s4, s6;
	[dreg:$0x0] =	wrdreg $0x0  }
0xa9: {  	s6 =	sshll.u32 s28, $0x1;
	[dreg:$0x2] =	wrdreg s4  }
0xaa: {  	[dreg:$0x3] =	wrdreg s6  }
0xab: {  	[dreg:$0x4] =	wrdreg $0xC0  }
0xac: {  	_ =	task [dreg:s8], $0x5FFFF  }
0xad: {  	[dreg:$0x1] =	wrdreg $0xFFFFFFFF  }
0xae: {  	[dreg:$0x0] =	wrdreg $0x60  }
0xaf: {  	[dreg:$0x2] =	wrdreg s2  }
0xb0: {  	[dreg:$0x3] =	wrdreg s24  }
0xb1: {  	[dreg:$0x4] =	wrdreg s18  }
0xb2: {  	[dreg:$0x5] =	wrdreg $0x0  }
0xb3: {  	[dreg:$0x6] =	wrdreg $0x1F2100  }
0xb4: {  	[dreg:$0x7] =	wrdreg $0x9  }
0xb5: {  	_ =	task.clear_ibuf [dreg:s8], $0x8FFFF;
	_ =	strace $0x90000046  }
0xb6: {  	s29 =	simm.s32 $0x9;
	_ =	strace $0x80000048  }
0xb7: {  	_ =	swait.ge [sflag:s29], $0x1  }
0xb8: {  	[sflag:s29] =	ssyncadd.s32 $0xFFFFFFFF  }
0xb9: {  	_ =	strace $0x90000048  }
0xba: {  	_ =	sfence  }
0xbb: {  	s30 =	sld [smem:$0x0];
	_ =	sdelay $0x2  }
0xbc: {  	s31 =	sshll.u32 s1, $0xD;
	s1 =	sshrl.u32 s1, $0x2  }
0xbd: {  	s3 =	sand.u32 $0x4000, s31;
	s1 =	sadd.s32 s1, s30  }
0xbe: {  	s0 =	sor.u32 s3, s0;
	s1 =	sshll.u32 s1, $0x11  }
0xbf: {  	s0 =	sor.u32 s1, s0  }
0xc0: {  	s0 =	sadd.s32 $0x8F2B, s0  }
0xc1: {  	[sflag:s0] =	ssyncadd.remote.s32 $0x1  }
0xc2: {  	_ =	sfence.sel $0xFFFF  }
0xc3: {  	[dreg:$0x0] =	wrdreg $0xFFFFFFFF;
	(pc) =	sbr.abs _section_cstart, $3  }
0xc4: {  	[dreg:$0x1] =	wrdreg $0xFFFFFFFF  }
0xc5: {  	_ =	task.clear_ibuf [dreg:s8], $0x2FFFF;
	_ =	strace $0x9FFFFFFF  }
0xc6: {  	(tm) =	ssettm $0x7FFFFFFF  }
0xc7: {  	_ =	shalt  }
tec
execute0_lowered:
.L_overlay_start_1:
0x0: {  	(tag) =	ssettag $0x1  }
0x1: {  	s0 =	rddreg [dreg:$0x0]  }
0x2: {  	s1 =	rddreg [dreg:$0x1]  }
0x3: {  	s2 =	rddreg [dreg:$0x2]  }
0x4: {  	s3 =	rddreg [dreg:$0x3]  }
0x5: {  	s5 =	srdreg.scid;
	s12 =	stileid.u32  }
0x6: {  	s4 =	rddreg [dreg:$0x4];
	s7 =	smul.u32 $0x13C00, s12  }
0x7: {  	s30 =	simm.s32 $0x14180;
	s31 =	simm.s32 $0xB;
	s11 =	smul.u32 $0x4F000, s12  }
0x8: {  	s6 =	sand.u32 $0x1, s5;
	s5 =	simm.s32 $0x0;
	s20 =	smul.u32 $0x280, s12  }
0x9: {  	s13 =	sadd.s32 $0xC000, s1;
	s14 =	sadd.s32 $0x2200, s1;
	s8 =	smul.u32 $0x13C000, s6  }
0xa: {  	[smem:$0x7FF] =	sst s5;
	s9 =	ssub.s32 $0x2, s6;
	s25 =	smul.u32 $0x2800, s6  }
0xb: {  	s10 =	sshll.u32 s6, $0x4;
	s6 =	smul.u32 $0x27100, s6;
	_ =	strace $0x80000047  }
0xc: {  	s16 =	sshrl.u32 s9, $0x1;
	s10 =	sor.u32 s12, s10;
	s18 =	sshrl.u32 s11, $0x2  }
0xd: {  	s23 =	sadd.s32 s20, s4;
	s12 =	smul.u32 $0x2710, s12;
	[dreg:$0x7] =	wrdreg s14  }
0xe: {  	[dreg:$0x6] =	wrdreg s13;
	s8 =	sadd.s32 s7, s8;
	s17 =	smul.u32 $0x2710, s10  }
0xf: {  	s19 =	sadd.s32 s18, s3;
	[dreg:$0xc] =	wrdreg s23;
	s18 =	sadd.s32 s20, s25  }
0x10: {  	s10 =	simm.s32 $0x13EC0;
	s8 =	sshrl.u32 s8, $0x3;
	s21 =	sadd.s32 $0x5800, s19  }
0x11: {  	s22 =	sadd.s32 $0xB000, s19;
	s6 =	sadd.s32 s12, s6;
	s12 =	simm.s32 $0x140D0  }
0x12: {  	s1 =	sadd.s32 s8, s1;
	s8 =	ssub.s32 s9, s16;
	[dreg:$0x9] =	wrdreg s21  }
0x13: {  	s16 =	sadd.s32 s7, s3;
	[dreg:$0xa] =	wrdreg s22;
	s7 =	sadd.s32 $0x10800, s19  }
0x14: {  	s24 =	sshrl.u32 s17, $0x3;
	s25 =	sadd.s32 $0x2C0, s6;
	[dreg:$0xb] =	wrdreg s7  }
0x15: {  	s19 =	sshrl.u32 s18, $0x3;
	s20 =	sadd.s32 $0x370, s6;
	[dreg:$0x18] =	wrdreg s25  }
0x16: {  	s18 =	simm.s32 $0x1F490;
	s26 =	sadd.s32 s13, s24;
	[dreg:$0x8] =	wrdreg s16  }
0x17: {  	s28 =	sadd.s32 s14, s24;
	s29 =	sadd.s32 $0x16, s24;
	[dreg:$0xd] =	wrdreg s26  }
0x18: {  	s7 =	sadd.s32 $0x4D0, s24;
	s1 =	sadd.s32 $0x15E00, s1;
	[dreg:$0xe] =	wrdreg s28  }
0x19: {  	s21 =	smax.u32 s8, $0x1;
	s22 =	sshrl.u32 s20, $0x3;
	[dreg:$0x13] =	wrdreg s1  }
0x1a: {  	s24 =	sadd.s32 $0x210, s6;
	s15 =	sadd.s32 s13, s29;
	[dreg:$0x15] =	wrdreg s21  }
0x1b: {  	s25 =	simm.s32 $0x4;
	s11 =	sadd.s32 s14, s29;
	[dreg:$0xf] =	wrdreg s15  }
0x1c: {  	s8 =	simm.s32 $0x0;
	s17 =	sadd.s32 s13, s7;
	[dreg:$0x10] =	wrdreg s11  }
0x1d: {  	s20 =	simm.s32 $0x14020;
	s7 =	sadd.s32 s14, s7;
	[dreg:$0x11] =	wrdreg s17  }
0x1e: {  	s1 =	sadd.s32 s2, s19;
	s23 =	sadd.s32 s22, s14;
	[dreg:$0x12] =	wrdreg s7  }
0x1f: {  	s26 =	sadd.s32 $0x160, s6;
	s21 =	simm.s32 $0x19980;
	[dreg:$0x14] =	wrdreg s1  }
0x20: {  	s6 =	simm.s32 $0x3;
	s19 =	simm.s32 $0x13F70;
	[dreg:$0x16] =	wrdreg s23  }
0x21: {  	s1 =	sadd.s32 s22, s13;
	s29 =	sshrl.u32 s26, $0x3;
	s17 =	simm.s32 $0x13F70  }
0x22: {  	s15 =	simm.s32 $0x9;
	s7 =	simm.s32 $0x7;
	s22 =	simm.s32 $0xC  }
0x23: {  	s23 =	simm.s32 $0xE;
	s26 =	simm.s32 $0x8;
	[dreg:$0x17] =	wrdreg s1  }
.Ltmp0:
0x24: {  	s1 =	sshrl.u32 s24, $0x3;
	s2 =	sadd.s32 s29, s14;
	(pc) =	sbr.rel .LBB2_1-.Ltmp0, $4  }
0x25: {  	s11 =	simm.s32 $0x13E10;
	s28 =	sadd.s32 s1, s14;
	[dreg:$0x1b] =	wrdreg s2  }
0x26: {  	s24 =	simm.s32 $0xA;
	s1 =	sadd.s32 s1, s13;
	[dreg:$0x19] =	wrdreg s28  }
0x27: {  	s14 =	simm.s32 $0xB0;
	[dreg:$0x1a] =	wrdreg s1;
	s1 =	sadd.s32 s29, s13  }
0x28: {  	v0 =	vimm.f32 $0.0e+00;
	v1 =	vimm.f32 $1.000000000e+00;
	s13 =	simm.s32 $0x5;
	[dreg:$0x1c] =	wrdreg s1;
	s1 =	simm.s32 $0xD  }
.LBB2_6:
0x29: {  	[spmem:s3] =	stream.indirect.scatter.add.f32 [tilespmem:s21], [sflag:$0xC], $0x80, s12, s14, $0xb8;
	[tilespmem:$0x1F7D0] =	vst v63  }
0x2a: {  	_ = 	snop  }
0x2b: {  	[spmem:s4] =	stream.indirect.scatter.add.f32 [tilespmem:s18], [sflag:$0xE], $0x1, s12, s14, $0xb8;
	[tilespmem:$0x1F7D0] =	vst v63  }
0x2c: {  	_ =	swait.ge [sflag:s31], $0x5800  }
0x2d: {  	[sflag:s31] =	ssyncset.done $0x0  }
0x2e: {  	[sflag:s31] =	ssyncadd.s32 $0xFFFFA800  }
0x2f: {  	_ =	swait.ge [sflag:s1], $0xB0  }
0x30: {  	[sflag:s1] =	ssyncset.done $0x0  }
0x31: {  	[sflag:s1] =	ssyncadd.s32 $0xFFFFFF50  }
0x32: {  	_ =	swait.ge [sflag:s22], $0x5800  }
0x33: {  	[sflag:s22] =	ssyncset.done $0x0  }
0x34: {  	[sflag:s22] =	ssyncadd.s32 $0xFFFFA800  }
0x35: {  	_ =	swait.ge [sflag:s23], $0xB0  }
0x36: {  	[sflag:s23] =	ssyncset.done $0x0  }
0x37: {  	s8 =	simm.s32 $0x13C00;
	s2 =	rddreg [dreg:$0x11];
	[sflag:s23] =	ssyncadd.s32 $0xFFFFFF50  }
0x38: {  	[tilespmem:s8], [sflag:$0x1] =	stream.linear.gather [hbm4b:s2+s5], $0x90, $0x38;
	[tilespmem:$0x1F7D0] =	vst v63  }
0x39: {  	s9 =	simm.s32 $0x1F180;
	s29 =	simm.s32 $0x1;
	s28 =	rddreg [dreg:$0x12]  }
0x3a: {  	[tilespmem:s9], [sflag:$0x5] =	stream.linear.gather [hbm4b:s28+s5], $0x90, $0x38;
	[tilespmem:$0x1F7D0] =	vst v63  }
0x3b: {  	_ =	swait.ge [sflag:s29], $0x90  }
0x3c: {  	[sflag:s29] =	ssyncset.done $0x0  }
0x3d: {  	[sflag:s29] =	ssyncadd.s32 $0xFFFFFF70  }
0x3e: {  	_ =	swait.ge [sflag:s13], $0x90  }
0x3f: {  	[sflag:s13] =	ssyncset.done $0x0  }
0x40: {  	s16 =	simm.s32 $0x90;
	[sflag:s13] =	ssyncadd.s32 $0xFFFFFF70  }
0x41: {  	[tilespmem:s30], [sflag:$0x9] =	stream.indirect.gather [hbm4b:s0+s16], $0x80, s8, s16, $0xb8;
	[tilespmem:$0x1F7D0] =	vst v63  }
0x42: {  	_ =	swait.ge [sflag:s15], $0x4800  }
0x43: {  	[sflag:s15] =	ssyncset.done $0x0  }
0x44: {  	[sflag:s15] =	ssyncadd.s32 $0xFFFFB800  }
0x45: {  	[spmem:s3] =	stream.indirect.scatter.add.f32 [tilespmem:s30], [sflag:$0xB], $0x80, s9, s16, $0xb8;
	[tilespmem:$0x1F7D0] =	vst v63  }
0x46: {  	_ =	swait.ge [sflag:s31], $0x4800  }
0x47: {  	[sflag:s31] =	ssyncset.done $0x0  }
0x48: {  	[sflag:s31] =	ssyncadd.s32 $0xFFFFB800  }
0x49: {  	[spmem:s4] =	stream.indirect.scatter.add.f32 [tilespmem:s18], [sflag:$0xD], $0x1, s9, s16, $0xb8;
	[tilespmem:$0x1F7D0] =	vst v63  }
0x4a: {  	_ =	swait.ge [sflag:s1], $0x90  }
0x4b: {  	[sflag:s1] =	ssyncset.done $0x0  }
0x4c: {  	[sflag:s1] =	ssyncadd.s32 $0xFFFFFF70  }
0x4d: {  	s17 =	stileid.u32;
	[bflag:$0x0] =	sbarrier.arrive $0xFFFF  }
0x4e: {  	s2 =	sshll.u32 s17, $0x6;
	s16 =	rddreg [dreg:$0x8]  }
0x4f: {  	s2 =	sor.u32 $0x1C0F, s2;
	s29 =	rddreg [dreg:$0x13];
	s28 =	sshrl.u32 s16, $0x3  }
0x50: {  	[hbm:s29], [sflag:s2] =	dma.local [spmem:s28], $0x2780  }
0x51: {  	s28 =	simm.s32 $0xF  }
0x52: {  	_ =	swait.ge [sflag:s28], $0x2780  }
0x53: {  	[sflag:s28] =	ssyncset.done $0x0;
	s17 =	rddreg [dreg:$0xc]  }
0x54: {  	s29 =	rddreg [dreg:$0x14];
	[sflag:s28] =	ssyncadd.s32 $0xFFFFD880;
	s8 =	sshrl.u32 s17, $0x3  }
0x55: {  	[hbm:s29], [sflag:s2] =	dma.local [spmem:s8], $0x50  }
0x56: {  	_ =	swait.ge [sflag:s28], $0x50  }
0x57: {  	s17 =	rddreg [dreg:$0x1d]  }
0x58: {  	s29 =	rddreg [dreg:$0x15];
	s8 =	sadd.s32 $0x1, s17  }
0x59: {  	p0 =	sne.s32 s8, s29  }
.Ltmp1:
0x5a: {  	_ = 	snop;
	(pc) =	sbr.rel @!p0 .LBB2_7-.Ltmp1, $3  }
0x5b: {  	_ =	sdelay $0x1  }
0x5c: {  	[sflag:s28] =	ssyncset.done $0x0  }
0x5d: {  	[sflag:s28] =	ssyncadd.s32 $0xFFFFFFB0;
	s17 =	simm.s32 $0x13F70  }
.LBB2_1:
0x5e: {  	[dreg:$0x1d] =	wrdreg s8;
	s28 =	simm.s32 $0x1;
	[tilespmem:s30+$0x0] =	vst v0;
	s29 =	simm.s32 $0x14180  }
.LBB2_2:
0x5f: {  	p0 =	sne.s32 s28, $0x57F  }
.Ltmp2:
0x60: {  	_ = 	snop;
	(pc) =	sbr.rel @p0 .LBB2_2-.Ltmp2, $3  }
0x61: {  	_ =	sdelay $0x1  }
0x62: {  	s28 =	sadd.s32 $0x1, s28;
	s29 =	sadd.s32 $0x10, s29  }
0x63: {  	[tilespmem:s29+$0x0] =	vst v0  }
0x64: {  	[spmem:s16] =	stream.linear.scatter [tilespmem:s30], [sflag:$0xF], $0x5800, $0x38;
	[tilespmem:$0x1F7D0] =	vst v63  }
0x65: {  	s8 =	simm.s32 $0xF  }
0x66: {  	_ =	swait.ge [sflag:s8], $0x5800  }
0x67: {  	[sflag:s8] =	ssyncset.done $0x0  }
0x68: {  	s2 =	rddreg [dreg:$0x9];
	[sflag:s8] =	ssyncadd.s32 $0xFFFFA800  }
0x69: {  	[spmem:s2] =	stream.linear.scatter [tilespmem:s30], [sflag:$0xF], $0x5800, $0x38;
	[tilespmem:$0x1F7D0] =	vst v63  }
0x6a: {  	_ =	swait.ge [sflag:s8], $0x5800  }
0x6b: {  	[sflag:s8] =	ssyncset.done $0x0  }
0x6c: {  	s16 =	rddreg [dreg:$0xa];
	[sflag:s8] =	ssyncadd.s32 $0xFFFFA800  }
0x6d: {  	[spmem:s16] =	stream.linear.scatter [tilespmem:s30], [sflag:$0xF], $0x5800, $0x38;
	[tilespmem:$0x1F7D0] =	vst v63  }
0x6e: {  	_ =	swait.ge [sflag:s8], $0x5800  }
0x6f: {  	[sflag:s8] =	ssyncset.done $0x0  }
0x70: {  	s9 =	rddreg [dreg:$0xb];
	[sflag:s8] =	ssyncadd.s32 $0xFFFFA800  }
0x71: {  	[spmem:s9] =	stream.linear.scatter [tilespmem:s30], [sflag:$0xF], $0x3400, $0x38;
	[tilespmem:$0x1F7D0] =	vst v63  }
0x72: {  	_ =	swait.ge [sflag:s8], $0x3400  }
0x73: {  	[sflag:s8] =	ssyncset.done $0x0  }
0x74: {  	[sflag:s8] =	ssyncadd.s32 $0xFFFFCC00  }
0x75: {  	[tilespmem:$0x1F490] =	vst v1  }
0x76: {  	[tilespmem:$0x1F4A0] =	vst v1  }
0x77: {  	[tilespmem:$0x1F4B0] =	vst v1  }
0x78: {  	[tilespmem:$0x1F4C0] =	vst v1  }
0x79: {  	[tilespmem:$0x1F4D0] =	vst v1  }
0x7a: {  	[tilespmem:$0x1F4E0] =	vst v1  }
0x7b: {  	[tilespmem:$0x1F4F0] =	vst v1  }
0x7c: {  	[tilespmem:$0x1F500] =	vst v1  }
0x7d: {  	[tilespmem:$0x1F510] =	vst v1  }
0x7e: {  	[tilespmem:$0x1F520] =	vst v1  }
0x7f: {  	[tilespmem:$0x1F530] =	vst v1  }
0x80: {  	[tilespmem:$0x1F540] =	vst v1  }
0x81: {  	[tilespmem:$0x1F550] =	vst v0  }
0x82: {  	[tilespmem:$0x1F560] =	vst v0  }
0x83: {  	[tilespmem:$0x1F570] =	vst v0  }
0x84: {  	[tilespmem:$0x1F580] =	vst v0  }
0x85: {  	[tilespmem:$0x1F590] =	vst v0  }
0x86: {  	[tilespmem:$0x1F5A0] =	vst v0  }
0x87: {  	[tilespmem:$0x1F5B0] =	vst v0  }
0x88: {  	[tilespmem:$0x1F5C0] =	vst v0  }
0x89: {  	[tilespmem:$0x1F5D0] =	vst v0  }
0x8a: {  	[tilespmem:$0x1F5E0] =	vst v0  }
0x8b: {  	[tilespmem:$0x1F5F0] =	vst v0  }
0x8c: {  	[tilespmem:$0x1F600] =	vst v0  }
0x8d: {  	[tilespmem:$0x1F610] =	vst v0  }
0x8e: {  	[tilespmem:$0x1F620] =	vst v0  }
0x8f: {  	[tilespmem:$0x1F630] =	vst v0  }
0x90: {  	[tilespmem:$0x1F640] =	vst v0  }
0x91: {  	[tilespmem:$0x1F650] =	vst v0  }
0x92: {  	[tilespmem:$0x1F660] =	vst v0  }
0x93: {  	[tilespmem:$0x1F670] =	vst v0  }
0x94: {  	[tilespmem:$0x1F680] =	vst v0  }
0x95: {  	[tilespmem:$0x1F690] =	vst v0  }
0x96: {  	[tilespmem:$0x1F6A0] =	vst v0  }
0x97: {  	[tilespmem:$0x1F6B0] =	vst v0  }
0x98: {  	[tilespmem:$0x1F6C0] =	vst v0  }
0x99: {  	[tilespmem:$0x1F6D0] =	vst v0  }
0x9a: {  	[tilespmem:$0x1F6E0] =	vst v0  }
0x9b: {  	[tilespmem:$0x1F6F0] =	vst v0  }
0x9c: {  	[tilespmem:$0x1F700] =	vst v0  }
0x9d: {  	[tilespmem:$0x1F710] =	vst v0  }
0x9e: {  	[tilespmem:$0x1F720] =	vst v0  }
0x9f: {  	[tilespmem:$0x1F730] =	vst v0  }
0xa0: {  	[tilespmem:$0x1F740] =	vst v0  }
0xa1: {  	[tilespmem:$0x1F750] =	vst v0  }
0xa2: {  	[tilespmem:$0x1F760] =	vst v0  }
0xa3: {  	[tilespmem:$0x1F770] =	vst v0  }
0xa4: {  	[tilespmem:$0x1F780] =	vst v0  }
0xa5: {  	[tilespmem:$0x1F790] =	vst v0  }
0xa6: {  	[tilespmem:$0x1F7A0] =	vst v0  }
0xa7: {  	[tilespmem:$0x1F7B0] =	vst v0  }
0xa8: {  	s9 =	simm.s32 $0x1F550;
	s16 =	rddreg [dreg:$0xc];
	[tilespmem:$0x1F7C0] =	vst v0  }
0xa9: {  	[spmem:s16] =	stream.linear.scatter [tilespmem:s9], [sflag:$0xF], $0x280, $0x38;
	[tilespmem:$0x1F7D0] =	vst v63  }
0xaa: {  	_ =	swait.ge [sflag:s8], $0x280  }
0xab: {  	s28 =	simm.s32 $0x0;
	[sflag:s8] =	ssyncset.done $0x0  }
0xac: {  	s16 =	rddreg [dreg:$0xd];
	[sflag:s8] =	ssyncadd.s32 $0xFFFFFD80;
	s8 =	simm.s32 $0x13C00  }
0xad: {  	[tilespmem:s8], [sflag:$0x1] =	stream.linear.gather [hbm4b:s16+s28], $0xB0, $0x38;
	[tilespmem:$0x1F7D0] =	vst v63  }
0xae: {  	s9 =	rddreg [dreg:$0xe]  }
0xaf: {  	[tilespmem:s10], [sflag:$0x5] =	stream.linear.gather [hbm4b:s9+s28], $0xB0, $0x38;
	[tilespmem:$0x1F7D0] =	vst v63  }
0xb0: {  	s16 =	simm.s32 $0x13CB0;
	s10 =	rddreg [dreg:$0xf]  }
0xb1: {  	[tilespmem:s16], [sflag:$0x2] =	stream.linear.gather [hbm4b:s10+s28], $0xB0, $0x38;
	[tilespmem:$0x1F7D0] =	vst v63  }
0xb2: {  	s9 =	rddreg [dreg:$0x10]  }
0xb3: {  	[tilespmem:s17], [sflag:$0x6] =	stream.linear.gather [hbm4b:s9+s28], $0xB0, $0x38;
	[tilespmem:$0x1F7D0] =	vst v63  }
0xb4: {  	s10 =	simm.s32 $0x1;
	[bflag:$0x0] =	sbarrier.arrive $0xFFFF  }
0xb5: {  	_ =	swait.ge [sflag:s10], $0xB0  }
0xb6: {  	[sflag:s10] =	ssyncset.done $0x0  }
0xb7: {  	[sflag:s10] =	ssyncadd.s32 $0xFFFFFF50  }
0xb8: {  	_ =	swait.ge [sflag:s13], $0xB0  }
0xb9: {  	[sflag:s13] =	ssyncset.done $0x0  }
0xba: {  	s29 =	rddreg [dreg:$0x18];
	[sflag:s13] =	ssyncadd.s32 $0xFFFFFF50  }
0xbb: {  	[tilespmem:s30], [sflag:$0x9] =	stream.indirect.gather [hbm4b:s0+s14], $0x80, s8, s14, $0xb8;
	[tilespmem:$0x1F7D0] =	vst v63  }
.LBB2_4:
0xbc: {  	_ =	swait.ge [sflag:s15], $0x5800  }
0xbd: {  	s8 =	simm.s32 $0x13D60;
	[sflag:s15] =	ssyncset.done $0x0;
	s2 =	rddreg [dreg:$0x1c]  }
0xbe: {  	s10 =	rddreg [dreg:$0x1b];
	[sflag:s15] =	ssyncadd.s32 $0xFFFFA800;
	s9 =	sadd.s32 s28, s2  }
0xbf: {  	[tilespmem:s8], [sflag:$0x3] =	stream.linear.gather [hbm4b:s9+s5], $0xB0, $0x38;
	[tilespmem:$0x1F7D0] =	vst v63  }
0xc0: {  	s2 =	sadd.s32 s28, s10  }
0xc1: {  	[tilespmem:s20], [sflag:$0x7] =	stream.linear.gather [hbm4b:s2+s5], $0xB0, $0x38;
	[tilespmem:$0x1F7D0] =	vst v63  }
0xc2: {  	s9 =	simm.s32 $0x13EC0  }
0xc3: {  	[spmem:s3] =	stream.indirect.scatter.add.f32 [tilespmem:s30], [sflag:$0xB], $0x80, s9, s14, $0xb8;
	[tilespmem:$0x1F7D0] =	vst v63  }
0xc4: {  	p0 =	seq.s32 s28, $0x0  }
0xc5: {  	[spmem:s4] =	stream.indirect.scatter.add.f32 [tilespmem:s18], [sflag:$0xD], $0x1, s9, s14, $0xb8;
	[tilespmem:$0x1F7D0] =	vst v63  }
0xc6: {  	s9 =	simm.s32 @!p0 $0xC  }
0xc7: {  	_ =	swait.ge @!p0 [sflag:s9], $0x5800  }
0xc8: {  	[sflag:s9] =	ssyncset.done @!p0 $0x0  }
0xc9: {  	[sflag:s9] =	ssyncadd.s32 @!p0 $0xFFFFA800;
	s9 =	simm.s32 @!p0 $0xE  }
0xca: {  	_ =	swait.ge @!p0 [sflag:s9], $0xB0  }
0xcb: {  	[sflag:s9] =	ssyncset.done @!p0 $0x0  }
0xcc: {  	[sflag:s9] =	ssyncadd.s32 @!p0 $0xFFFFFF50;
	s9 =	simm.s32 $0x2  }
0xcd: {  	_ =	swait.ge [sflag:s9], $0xB0  }
0xce: {  	[sflag:s9] =	ssyncset.done $0x0  }
0xcf: {  	[sflag:s9] =	ssyncadd.s32 $0xFFFFFF50;
	s9 =	simm.s32 $0x6  }
0xd0: {  	_ =	swait.ge [sflag:s9], $0xB0  }
0xd1: {  	[sflag:s9] =	ssyncset.done $0x0  }
0xd2: {  	[sflag:s9] =	ssyncadd.s32 $0xFFFFFF50  }
0xd3: {  	[tilespmem:s21], [sflag:$0xA] =	stream.indirect.gather [hbm4b:s0+s14], $0x80, s16, s14, $0xb8;
	[tilespmem:$0x1F7D0] =	vst v63  }
0xd4: {  	_ =	swait.ge [sflag:s24], $0x5800  }
0xd5: {  	[sflag:s24] =	ssyncset.done $0x0;
	s16 =	rddreg [dreg:$0x1a]  }
0xd6: {  	s9 =	rddreg [dreg:$0x19];
	[sflag:s24] =	ssyncadd.s32 $0xFFFFA800;
	s2 =	sadd.s32 s28, s16  }
0xd7: {  	[tilespmem:s11], [sflag:$0x4] =	stream.linear.gather [hbm4b:s2+s5], $0xB0, $0x38;
	[tilespmem:$0x1F7D0] =	vst v63  }
0xd8: {  	s16 =	sadd.s32 s28, s9  }
0xd9: {  	[tilespmem:s12], [sflag:$0x8] =	stream.linear.gather [hbm4b:s16+s5], $0xB0, $0x38;
	[tilespmem:$0x1F7D0] =	vst v63  }
0xda: {  	_ = 	snop  }
0xdb: {  	[spmem:s3] =	stream.indirect.scatter.add.f32 [tilespmem:s21], [sflag:$0xC], $0x80, s17, s14, $0xb8;
	[tilespmem:$0x1F7D0] =	vst v63  }
0xdc: {  	_ = 	snop  }
0xdd: {  	[spmem:s4] =	stream.indirect.scatter.add.f32 [tilespmem:s18], [sflag:$0xE], $0x1, s17, s14, $0xb8;
	[tilespmem:$0x1F7D0] =	vst v63  }
0xde: {  	_ =	swait.ge [sflag:s31], $0x5800  }
0xdf: {  	[sflag:s31] =	ssyncset.done $0x0  }
0xe0: {  	[sflag:s31] =	ssyncadd.s32 $0xFFFFA800  }
0xe1: {  	_ =	swait.ge [sflag:s1], $0xB0  }
0xe2: {  	[sflag:s1] =	ssyncset.done $0x0  }
0xe3: {  	[sflag:s1] =	ssyncadd.s32 $0xFFFFFF50  }
0xe4: {  	_ =	swait.ge [sflag:s6], $0xB0  }
0xe5: {  	[sflag:s6] =	ssyncset.done $0x0  }
0xe6: {  	[sflag:s6] =	ssyncadd.s32 $0xFFFFFF50  }
0xe7: {  	_ =	swait.ge [sflag:s7], $0xB0  }
0xe8: {  	[sflag:s7] =	ssyncset.done $0x0  }
0xe9: {  	p0 =	seq.s32 s28, $0x478;
	[sflag:s7] =	ssyncadd.s32 $0xFFFFFF50  }
0xea: {  	[tilespmem:s30], [sflag:$0x9] =	stream.indirect.gather [hbm4b:s0+s14], $0x80, s8, s14, $0xb8;
	[tilespmem:$0x1F7D0] =	vst v63  }
0xeb: {  	s9 =	sshrl.u32 @!p0 s29, $0x3;
	_ =	swait.ge [sflag:s15], $0x5800  }
0xec: {  	s16 =	simm.s32 @!p0 $0x0;
	[sflag:s15] =	ssyncset.done $0x0;
	s2 =	rddreg [dreg:$0x6]  }
0xed: {  	s8 =	simm.s32 @!p0 $0x13C00;
	[sflag:s15] =	ssyncadd.s32 $0xFFFFA800;
	s2 =	sadd.s32 @!p0 s2, s9  }
0xee: {  	[tilespmem:s8], [sflag:$0x1] =	stream.linear.gather @!p0 [hbm4b:s2+s16], $0xB0, $0x38;
	[tilespmem:$0x1F7D0] =	vst v63  }
0xef: {  	s2 =	rddreg [dreg:$0x7]  }
0xf0: {  	s8 =	simm.s32 @!p0 $0x13EC0;
	s2 =	sadd.s32 @!p0 s2, s9  }
0xf1: {  	[tilespmem:s8], [sflag:$0x5] =	stream.linear.gather @!p0 [hbm4b:s2+s16], $0xB0, $0x38;
	[tilespmem:$0x1F7D0] =	vst v63  }
0xf2: {  	_ = 	snop  }
0xf3: {  	[spmem:s3] =	stream.indirect.scatter.add.f32 [tilespmem:s30], [sflag:$0xB], $0x80, s20, s14, $0xb8;
	[tilespmem:$0x1F7D0] =	vst v63  }
0xf4: {  	_ = 	snop  }
0xf5: {  	[spmem:s4] =	stream.indirect.scatter.add.f32 [tilespmem:s18], [sflag:$0xD], $0x1, s20, s14, $0xb8;
	[tilespmem:$0x1F7D0] =	vst v63  }
0xf6: {  	_ =	swait.ge [sflag:s22], $0x5800  }
0xf7: {  	[sflag:s22] =	ssyncset.done $0x0  }
0xf8: {  	[sflag:s22] =	ssyncadd.s32 $0xFFFFA800  }
0xf9: {  	_ =	swait.ge [sflag:s23], $0xB0  }
0xfa: {  	[sflag:s23] =	ssyncset.done $0x0  }
0xfb: {  	[sflag:s23] =	ssyncadd.s32 $0xFFFFFF50  }
0xfc: {  	_ =	swait.ge [sflag:s25], $0xB0  }
0xfd: {  	[sflag:s25] =	ssyncset.done $0x0  }
0xfe: {  	[sflag:s25] =	ssyncadd.s32 $0xFFFFFF50  }
0xff: {  	_ =	swait.ge [sflag:s26], $0xB0  }
0x100: {  	[sflag:s26] =	ssyncset.done $0x0  }
.Ltmp3:
0x101: {  	[sflag:s26] =	ssyncadd.s32 $0xFFFFFF50;
	(pc) =	sbr.rel @p0 .LBB2_6-.Ltmp3, $4  }
0x102: {  	[tilespmem:s21], [sflag:$0xA] =	stream.indirect.gather [hbm4b:s0+s14], $0x80, s11, s14, $0xb8;
	[tilespmem:$0x1F7D0] =	vst v63  }
0x103: {  	_ =	swait.ge [sflag:s24], $0x5800  }
0x104: {  	[sflag:s24] =	ssyncset.done $0x0  }
0x105: {  	s10 =	simm.s32 $0x13EC0;
	s17 =	simm.s32 $0x13CB0;
	[sflag:s24] =	ssyncadd.s32 $0xFFFFA800  }
0x106: {  	s2 =	rddreg [dreg:$0x17]  }
0x107: {  	s10 =	rddreg [dreg:$0x16];
	s2 =	sadd.s32 s28, s2  }
0x108: {  	[tilespmem:s17], [sflag:$0x2] =	stream.linear.gather [hbm4b:s2+s5], $0xB0, $0x38;
	[tilespmem:$0x1F7D0] =	vst v63  }
0x109: {  	s2 =	sadd.s32 s28, s10  }
0x10a: {  	[tilespmem:s19], [sflag:$0x6] =	stream.linear.gather [hbm4b:s2+s5], $0xB0, $0x38;
	[tilespmem:$0x1F7D0] =	vst v63  }
0x10b: {  	_ = 	snop  }
0x10c: {  	[spmem:s3] =	stream.indirect.scatter.add.f32 [tilespmem:s21], [sflag:$0xC], $0x80, s12, s14, $0xb8;
	[tilespmem:$0x1F7D0] =	vst v63  }
0x10d: {  	_ = 	snop  }
0x10e: {  	[spmem:s4] =	stream.indirect.scatter.add.f32 [tilespmem:s18], [sflag:$0xE], $0x1, s12, s14, $0xb8;
	[tilespmem:$0x1F7D0] =	vst v63  }
0x10f: {  	_ =	swait.ge [sflag:s31], $0x5800  }
0x110: {  	[sflag:s31] =	ssyncset.done $0x0  }
0x111: {  	[sflag:s31] =	ssyncadd.s32 $0xFFFFA800  }
0x112: {  	_ =	swait.ge [sflag:s1], $0xB0  }
0x113: {  	[sflag:s1] =	ssyncset.done $0x0  }
0x114: {  	s16 =	simm.s32 $0x1;
	[sflag:s1] =	ssyncadd.s32 $0xFFFFFF50  }
0x115: {  	_ =	swait.ge [sflag:s16], $0xB0  }
0x116: {  	[sflag:s16] =	ssyncset.done $0x0  }
0x117: {  	[sflag:s16] =	ssyncadd.s32 $0xFFFFFF50  }
.Ltmp4:
0x118: {  	_ =	swait.ge [sflag:s13], $0xB0;
	(pc) =	sbr.rel .LBB2_4-.Ltmp4, $4  }
0x119: {  	[sflag:s13] =	ssyncset.done $0x0  }
0x11a: {  	s29 =	sadd.s32 $0x2C0, s29;
	s17 =	simm.s32 $0x13C00;
	[sflag:s13] =	ssyncadd.s32 $0xFFFFFF50  }
0x11b: {  	[tilespmem:s30], [sflag:$0x9] =	stream.indirect.gather [hbm4b:s0+s14], $0x80, s17, s14, $0xb8;
	[tilespmem:$0x1F7D0] =	vst v63  }
0x11c: {  	s28 =	sadd.s32 $0x58, s28;
	s16 =	simm.s32 $0x13CB0;
	s17 =	simm.s32 $0x13F70  }
.LBB2_7:
0x11d: {  	_ =	sfence.sel $0x180000  }
0x11e: {  	[bflag:$0x0] =	sbarrier.arrive $0xFFFF  }
0x11f: {  	_ =	strace $0x90000047  }
0x120: {  	s0 =	stileid.u32;
	[bflag:$0x2] =	sbarrier.arrive $0xFFFF  }
0x121: {  	p0 =	sne.s32 s0, $0x0;
	s0 =	rddreg [dreg:$0x5]  }
0x122: {  	s0 =	sadd.s32 @!p0 $0x100000, s0  }
0x123: {  	[sflag:s0] =	ssyncadd.tile.s32 @!p0 $0x1;
	_ =	shalt  }
.Lfunc_end2:
_tile_overlayer_lowered:
.L_overlay_start_2:
0x124: {  	(tag) =	ssettag $0x2  }
0x125: {  	s0 =	rddreg [dreg:$0x0];
	s2 =	stileid.u32  }
0x126: {  	s1 =	rddreg [dreg:$0x1];
	p0 =	sne.s32 s2, $0x0  }
0x127: {  	s3 =	rddreg [dreg:$0x2];
	[bflag:$0x3] =	sbarrier.arrive $0xFFFF;
	s2 =	simm.s32 @!p0 $0x1C0F  }
0x128: {  	[timem:s3], [sflag:s2] =	dma.local @!p0 [hbm:s0], s1  }
0x129: {  	s0 =	simm.s32 @!p0 $0xF  }
0x12a: {  	_ =	swait.ge @!p0 [sflag:s0], s1  }
0x12b: {  	s1 =	ssub.s32 @!p0 $0x0, s1;
	[sflag:s0] =	ssyncset.done @!p0 $0x0  }
0x12c: {  	[sflag:s0] =	ssyncadd.s32 @!p0 s1  }
0x12d: {  	[bflag:$0x3] =	sbarrier.arrive $0xFFFF  }
0x12e: {  	_ =	shalt  }

</sc_bundles>
